<compile_context>
chip_gen: v7x
topology: tpu7x:2x2x1
jax: 0.10.2.dev20260603
libtpu: 0.0.44.dev20260713+nightly
codegen_flags: <defaults>
</compile_context>

<pallas_src>
import functools

import jax
import jax.numpy as jnp
from jax import lax
from jax.experimental import pallas as pl
from jax.experimental.pallas import tpu as pltpu
from jax.experimental.pallas import tpu_sc as plsc

D = 64
S = 200
B = 4096
NC = 2
NS = 16
NW = NC * NS
SCALE = 8.0

SEQ_PER_CHUNK = 2
CHUNK = SEQ_PER_CHUNK * S
SUB = 100
NSUB = CHUNK // SUB
NBUF = 4
ROWS_PER_W = (B * S) // NW
N_CHUNKS = ROWS_PER_W // CHUNK


def _encoder_body(x_hbm, tok_hbm, pos_hbm, out_hbm,
                  idx_v, rows_v, pe_v, gsem, osem, isem):
    wid = lax.axis_index("s") * NC + lax.axis_index("c")
    out_base = wid * ROWS_PER_W

    pltpu.sync_copy(pos_hbm, pe_v)

    def issue_gathers(c, b):
        for j in range(NSUB):
            pltpu.async_copy(
                tok_hbm.at[idx_v.at[b, j]],
                rows_v.at[b, pl.ds(j * SUB, SUB)],
                gsem.at[b],
            )

    def wait_gathers(b):
        for j in range(NSUB):
            pltpu.make_async_copy(
                tok_hbm.at[idx_v.at[b, j]],
                rows_v.at[b, pl.ds(j * SUB, SUB)],
                gsem.at[b],
            ).wait()

    def issue_idx_load(c, b):
        pltpu.async_copy(x_hbm.at[wid, c], idx_v.at[b], isem.at[b])

    def wait_idx_load(b):
        pltpu.make_async_copy(
            x_hbm.at[wid, 0], idx_v.at[b], isem.at[b]
        ).wait()

    def compute_chunk(b):
        @pl.loop(0, S)
        def _per_position(s):
            for d in range(D // 16):
                sl = pl.ds(d * 16, 16)
                pe_d = pe_v[s, sl]
                for j in range(SEQ_PER_CHUNK):
                    r = j * S + s
                    rows_v[b, r, sl] = rows_v[b, r, sl] * SCALE + pe_d

    def issue_scatter(c, b):
        pltpu.async_copy(
            rows_v.at[b],
            out_hbm.at[pl.ds(out_base + c * CHUNK, CHUNK)],
            osem.at[b],
        )

    def wait_scatter(c, b):
        pltpu.make_async_copy(
            rows_v.at[b],
            out_hbm.at[pl.ds(out_base + c * CHUNK, CHUNK)],
            osem.at[b],
        ).wait()

    for b in range(NBUF - 1):
        issue_idx_load(b, b)
        wait_idx_load(b)
        issue_gathers(b, b)
    issue_idx_load(NBUF - 1, NBUF - 1)

    @pl.loop(0, N_CHUNKS, step=NBUF)
    def _chunk_group(c0):
        for b in range(NBUF):
            c = c0 + b
            prev = (b - 1) % NBUF

            @pl.when(c > 0)
            def _():
                wait_scatter(c - 1, prev)

            @pl.when(c + NBUF - 1 < N_CHUNKS)
            def _():
                wait_idx_load(prev)
                issue_gathers(c + NBUF - 1, prev)

            wait_gathers(b)

            @pl.when(c + NBUF < N_CHUNKS)
            def _():
                issue_idx_load(c + NBUF, b)

            compute_chunk(b)
            issue_scatter(c, b)

    wait_scatter(N_CHUNKS - 1, (N_CHUNKS - 1) % NBUF)


@jax.jit
def _encoder(x_r, tok_table, pos_table):
    mesh = plsc.VectorSubcoreMesh(core_axis_name="c", subcore_axis_name="s")
    return pl.kernel(
        _encoder_body,
        out_type=jax.ShapeDtypeStruct((B * S, D), jnp.float32),
        mesh=mesh,
        compiler_params=pltpu.CompilerParams(use_tc_tiling_on_sc=False),
        scratch_types=[
            pltpu.VMEM((NBUF, NSUB, SUB), jnp.int32),
            pltpu.VMEM((NBUF, CHUNK, D), jnp.float32),
            pltpu.VMEM((S, D), jnp.float32),
            pltpu.SemaphoreType.DMA((NBUF,)),
            pltpu.SemaphoreType.DMA((NBUF,)),
            pltpu.SemaphoreType.DMA((NBUF,)),
        ],
    )(x_r, tok_table, pos_table)


def kernel(x, mask, tok_table, pos_table):
    del mask
    x_r = x.astype(jnp.int32).reshape(NW, N_CHUNKS, NSUB, SUB)
    out = _encoder(x_r, tok_table, pos_table)
    return out.reshape(B, S, D)

# --- scband reference (transcript-rebuilt; emitter-appended) ---
"""Pipeline reference for scband-encoder-57578331570203 (READ-ONLY COPY).

The authoritative reference and input builder live on the scoring server;
editing this copy changes nothing except your own understanding.
"""

import jax, jax.numpy as jnp
import numpy as np

VOCAB = 1000000
D_MODEL = 64
MAX_LEN = 200
BATCH = 4096
SEQ = 200

def setup_inputs(seed: int = 0) -> dict:
    key = jax.random.key(seed)
    k1, k2, k3 = jax.random.split(key, 3)
    x = jax.random.randint(k1, (BATCH, SEQ), 0, VOCAB, dtype=jnp.int64 if jax.config.jax_enable_x64 else jnp.int32)
    mask = jnp.ones((BATCH, SEQ), dtype=bool)
    tok_table = jax.random.normal(k2, (VOCAB, D_MODEL), dtype=jnp.float32) * 0.02
    pos_table = jax.random.normal(k3, (MAX_LEN, D_MODEL), dtype=jnp.float32) * 0.02
    return {"x": x, "mask": mask, "tok_table": tok_table, "pos_table": pos_table}

def reference(x, mask, tok_table, pos_table):
    bs, x_len = x.shape
    scale = jnp.sqrt(jnp.asarray(float(D_MODEL), dtype=jnp.float32))
    pos = jnp.arange(x_len)
    tok = jnp.take(tok_table, x, axis=0)              # [B, S, D] gather
    pe = jnp.take(pos_table, pos, axis=0)[None, :, :]  # [1, S, D] broadcast over batch
    out = tok * scale + pe
    # dropout p=0.0 -> identity at inference; n_layers=0 -> no encoder layers
    return out

if __name__ == "__main__":
    import jax
    _d = setup_inputs()
    print(jax.jit(kernel)(*tuple(_d.values())))

</pallas_src>

<mosaic_0001>
#map = affine_map<(d0, d1) -> (0, 0, 0, 0)>
#map1 = affine_map<(d0, d1) -> (0, 0)>
module attributes {stable_mosaic.version = 14 : i64} {
  func.func @_encoder_body(%arg0: i32, %arg1: i32, %arg2: memref<32x64x4x100xi32, #tpu.memory_space<hbm>>, %arg3: memref<1000000x64xf32, #tpu.memory_space<hbm>>, %arg4: memref<200x64xf32, #tpu.memory_space<hbm>>, %arg5: memref<819200x64xf32, #tpu.memory_space<hbm>>, %arg6: memref<4x4x100xi32, #tpu.memory_space<vmem>>, %arg7: memref<4x400x64xf32, #tpu.memory_space<vmem>>, %arg8: memref<200x64xf32, #tpu.memory_space<vmem>>, %arg9: memref<4x!tpu.dma_semaphore, #tpu.memory_space<semaphore_mem>>, %arg10: memref<4x!tpu.dma_semaphore, #tpu.memory_space<semaphore_mem>>, %arg11: memref<4x!tpu.dma_semaphore, #tpu.memory_space<semaphore_mem>>) attributes {dimension_semantics = [#tpu.dimension_semantics<core_parallel>, #tpu.dimension_semantics<subcore_parallel>], iteration_bounds = array<i64: 2, 16>, scalar_prefetch = 0 : i64, scratch_operands = 6 : i64, tpu.core_type = #tpu.core_type<sc_vector_subcore>, window_params = [{transform_indices = #map}, {transform_indices = #map1}, {transform_indices = #map1}, {transform_indices = #map1}]} {
    %mul3A = arith.constant 2 : i32
    %mul3A_0 = arith.muli %arg1, %mul3A : i32
    %add3A = arith.addi %mul3A_0, %arg0 : i32
    %mul3A_1 = arith.constant 25600 : i32
    %mul3A_2 = arith.muli %add3A, %mul3A_1 : i32
    "tpu.region"() ({
      %run_scoped3A = tpu.sem_alloc : memref<!tpu.dma_semaphore, #tpu.memory_space<semaphore_mem>>
      tpu.enqueue_dma source(%arg4 : memref<200x64xf32, #tpu.memory_space<hbm>>) target(%arg8 : memref<200x64xf32, #tpu.memory_space<vmem>>) target_semaphore(%run_scoped3A : memref<!tpu.dma_semaphore, #tpu.memory_space<semaphore_mem>>)
      tpu.wait_dma2 semaphore(%run_scoped3A : memref<!tpu.dma_semaphore, #tpu.memory_space<semaphore_mem>>) src(%arg4 : memref<200x64xf32, #tpu.memory_space<hbm>>) dst(%arg8 : memref<200x64xf32, #tpu.memory_space<vmem>>)
      tpu.yield
    }) : () -> ()
    %dma_start3A = arith.constant 0 : i32
    %dma_start3A_3 = arith.constant 0 : i32
    %dma_start3A_4 = arith.constant 0 : i32
    %dma_start3A_5 = arith.constant 0 : i32
    %dma_start3A_6 = arith.constant 0 : i32
    %dma_start3A_7 = tpu.memref_slice %arg6[%dma_start3A_3, %dma_start3A_5, %dma_start3A_6] : memref<4x4x100xi32, #tpu.memory_space<vmem>> -> memref<1x4x100xi32, #tpu.memory_space<vmem>>
    %dma_start3A_8 = tpu.memref_squeeze %dma_start3A_7 : memref<1x4x100xi32, #tpu.memory_space<vmem>> -> memref<4x100xi32, #tpu.memory_space<vmem>>
    %dma_start3A_9 = arith.constant 0 : i32
    %dma_start3A_10 = arith.constant 0 : i32
    %dma_start3A_11 = tpu.memref_slice %arg2[%add3A, %dma_start3A, %dma_start3A_9, %dma_start3A_10] : memref<32x64x4x100xi32, #tpu.memory_space<hbm>> -> memref<1x1x4x100xi32, #tpu.memory_space<hbm>>
    %dma_start3A_12 = tpu.memref_squeeze %dma_start3A_11 : memref<1x1x4x100xi32, #tpu.memory_space<hbm>> -> memref<4x100xi32, #tpu.memory_space<hbm>>
    %dma_start3A_13 = tpu.memref_slice %arg11[%dma_start3A_4] : memref<4x!tpu.dma_semaphore, #tpu.memory_space<semaphore_mem>> -> memref<1x!tpu.dma_semaphore, #tpu.memory_space<semaphore_mem>>
    %dma_start3A_14 = tpu.memref_squeeze %dma_start3A_13 : memref<1x!tpu.dma_semaphore, #tpu.memory_space<semaphore_mem>> -> memref<!tpu.dma_semaphore, #tpu.memory_space<semaphore_mem>>
    %dma_start3A_15 = arith.constant 0 : i32
    %dma_start3A_16 = arith.constant 0 : i32
    %dma_start3A_17 = tpu.memref_slice %arg6[%dma_start3A_3, %dma_start3A_15, %dma_start3A_16] : memref<4x4x100xi32, #tpu.memory_space<vmem>> -> memref<1x4x100xi32, #tpu.memory_space<vmem>>
    %dma_start3A_18 = tpu.memref_squeeze %dma_start3A_17 : memref<1x4x100xi32, #tpu.memory_space<vmem>> -> memref<4x100xi32, #tpu.memory_space<vmem>>
    %dma_start3A_19 = arith.constant 0 : i32
    %dma_start3A_20 = arith.constant 0 : i32
    %dma_start3A_21 = tpu.memref_slice %arg2[%add3A, %dma_start3A, %dma_start3A_19, %dma_start3A_20] : memref<32x64x4x100xi32, #tpu.memory_space<hbm>> -> memref<1x1x4x100xi32, #tpu.memory_space<hbm>>
    %dma_start3A_22 = tpu.memref_squeeze %dma_start3A_21 : memref<1x1x4x100xi32, #tpu.memory_space<hbm>> -> memref<4x100xi32, #tpu.memory_space<hbm>>
    tpu.enqueue_dma source(%dma_start3A_22 : memref<4x100xi32, #tpu.memory_space<hbm>>) target(%dma_start3A_18 : memref<4x100xi32, #tpu.memory_space<vmem>>) target_semaphore(%dma_start3A_14 : memref<!tpu.dma_semaphore, #tpu.memory_space<semaphore_mem>>)
    %dma_wait3A = arith.constant 0 : i32
    %dma_wait3A_23 = arith.constant 0 : i32
    %dma_wait3A_24 = arith.constant 0 : i32
    %dma_wait3A_25 = arith.constant 0 : i32
    %dma_wait3A_26 = arith.constant 0 : i32
    %dma_wait3A_27 = tpu.memref_slice %arg6[%dma_wait3A_23, %dma_wait3A_25, %dma_wait3A_26] : memref<4x4x100xi32, #tpu.memory_space<vmem>> -> memref<1x4x100xi32, #tpu.memory_space<vmem>>
    %dma_wait3A_28 = tpu.memref_squeeze %dma_wait3A_27 : memref<1x4x100xi32, #tpu.memory_space<vmem>> -> memref<4x100xi32, #tpu.memory_space<vmem>>
    %dma_wait3A_29 = arith.constant 0 : i32
    %dma_wait3A_30 = arith.constant 0 : i32
    %dma_wait3A_31 = tpu.memref_slice %arg2[%add3A, %dma_wait3A, %dma_wait3A_29, %dma_wait3A_30] : memref<32x64x4x100xi32, #tpu.memory_space<hbm>> -> memref<1x1x4x100xi32, #tpu.memory_space<hbm>>
    %dma_wait3A_32 = tpu.memref_squeeze %dma_wait3A_31 : memref<1x1x4x100xi32, #tpu.memory_space<hbm>> -> memref<4x100xi32, #tpu.memory_space<hbm>>
    %dma_wait3A_33 = tpu.memref_slice %arg11[%dma_wait3A_24] : memref<4x!tpu.dma_semaphore, #tpu.memory_space<semaphore_mem>> -> memref<1x!tpu.dma_semaphore, #tpu.memory_space<semaphore_mem>>
    %dma_wait3A_34 = tpu.memref_squeeze %dma_wait3A_33 : memref<1x!tpu.dma_semaphore, #tpu.memory_space<semaphore_mem>> -> memref<!tpu.dma_semaphore, #tpu.memory_space<semaphore_mem>>
    %dma_wait3A_35 = arith.constant 0 : i32
    %dma_wait3A_36 = arith.constant 0 : i32
    %dma_wait3A_37 = tpu.memref_slice %arg6[%dma_wait3A_23, %dma_wait3A_35, %dma_wait3A_36] : memref<4x4x100xi32, #tpu.memory_space<vmem>> -> memref<1x4x100xi32, #tpu.memory_space<vmem>>
    %dma_wait3A_38 = tpu.memref_squeeze %dma_wait3A_37 : memref<1x4x100xi32, #tpu.memory_space<vmem>> -> memref<4x100xi32, #tpu.memory_space<vmem>>
    %dma_wait3A_39 = arith.constant 0 : i32
    %dma_wait3A_40 = arith.constant 0 : i32
    %dma_wait3A_41 = tpu.memref_slice %arg2[%add3A, %dma_wait3A, %dma_wait3A_39, %dma_wait3A_40] : memref<32x64x4x100xi32, #tpu.memory_space<hbm>> -> memref<1x1x4x100xi32, #tpu.memory_space<hbm>>
    %dma_wait3A_42 = tpu.memref_squeeze %dma_wait3A_41 : memref<1x1x4x100xi32, #tpu.memory_space<hbm>> -> memref<4x100xi32, #tpu.memory_space<hbm>>
    tpu.wait_dma2 semaphore(%dma_wait3A_34 : memref<!tpu.dma_semaphore, #tpu.memory_space<semaphore_mem>>) src(%dma_wait3A_42 : memref<4x100xi32, #tpu.memory_space<hbm>>) dst(%dma_wait3A_38 : memref<4x100xi32, #tpu.memory_space<vmem>>)
    %dma_start3A_43 = arith.constant 0 : i32
    %dma_start3A_44 = arith.constant 0 : i32
    %dma_start3A_45 = arith.constant 0 : i32
    %dma_start3A_46 = arith.constant 0 : i32
    %dma_start3A_47 = arith.constant 0 : i32
    %dma_start3A_48 = arith.constant 0 : i32
    %dma_start3A_49 = tpu.memref_slice %arg7[%dma_start3A_45, %dma_start3A_47, %dma_start3A_48] : memref<4x400x64xf32, #tpu.memory_space<vmem>> -> memref<1x100x64xf32, #tpu.memory_space<vmem>>
    %dma_start3A_50 = tpu.memref_squeeze %dma_start3A_49 : memref<1x100x64xf32, #tpu.memory_space<vmem>> -> memref<100x64xf32, #tpu.memory_space<vmem>>
    %dma_start3A_51 = arith.constant 0 : i32
    %dma_start3A_52 = tpu.memref_slice %arg6[%dma_start3A_43, %dma_start3A_44, %dma_start3A_51] : memref<4x4x100xi32, #tpu.memory_space<vmem>> -> memref<1x1x100xi32, #tpu.memory_space<vmem>>
    %dma_start3A_53 = tpu.memref_squeeze %dma_start3A_52 : memref<1x1x100xi32, #tpu.memory_space<vmem>> -> memref<100xi32, #tpu.memory_space<vmem>>
    %dma_start3A_54 = arith.constant 0 : i32
    %dma_start3A_55 = arith.constant 0 : i32
    %dma_start3A_56 = tpu.memref_slice %arg3[%dma_start3A_54, %dma_start3A_55] : memref<1000000x64xf32, #tpu.memory_space<hbm>> -> memref<1000000x64xf32, #tpu.memory_space<hbm>>
    %dma_start3A_57 = tpu.memref_slice %arg9[%dma_start3A_46] : memref<4x!tpu.dma_semaphore, #tpu.memory_space<semaphore_mem>> -> memref<1x!tpu.dma_semaphore, #tpu.memory_space<semaphore_mem>>
    %dma_start3A_58 = tpu.memref_squeeze %dma_start3A_57 : memref<1x!tpu.dma_semaphore, #tpu.memory_space<semaphore_mem>> -> memref<!tpu.dma_semaphore, #tpu.memory_space<semaphore_mem>>
    tpu.enqueue_indirect_dma source(%dma_start3A_56 : memref<1000000x64xf32, #tpu.memory_space<hbm>>) target(%dma_start3A_50 : memref<100x64xf32, #tpu.memory_space<vmem>>) offsets(%dma_start3A_53 : memref<100xi32, #tpu.memory_space<vmem>>) semaphore(%dma_start3A_58 : memref<!tpu.dma_semaphore, #tpu.memory_space<semaphore_mem>>)
    %dma_start3A_59 = arith.constant 0 : i32
    %dma_start3A_60 = arith.constant 1 : i32
    %dma_start3A_61 = arith.constant 0 : i32
    %dma_start3A_62 = arith.constant 0 : i32
    %dma_start3A_63 = arith.constant 100 : i32
    %dma_start3A_64 = arith.constant 0 : i32
    %dma_start3A_65 = tpu.memref_slice %arg7[%dma_start3A_61, %dma_start3A_63, %dma_start3A_64] : memref<4x400x64xf32, #tpu.memory_space<vmem>> -> memref<1x100x64xf32, #tpu.memory_space<vmem>>
    %dma_start3A_66 = tpu.memref_squeeze %dma_start3A_65 : memref<1x100x64xf32, #tpu.memory_space<vmem>> -> memref<100x64xf32, #tpu.memory_space<vmem>>
    %dma_start3A_67 = arith.constant 0 : i32
    %dma_start3A_68 = tpu.memref_slice %arg6[%dma_start3A_59, %dma_start3A_60, %dma_start3A_67] : memref<4x4x100xi32, #tpu.memory_space<vmem>> -> memref<1x1x100xi32, #tpu.memory_space<vmem>>
    %dma_start3A_69 = tpu.memref_squeeze %dma_start3A_68 : memref<1x1x100xi32, #tpu.memory_space<vmem>> -> memref<100xi32, #tpu.memory_space<vmem>>
    %dma_start3A_70 = arith.constant 0 : i32
    %dma_start3A_71 = arith.constant 0 : i32
    %dma_start3A_72 = tpu.memref_slice %arg3[%dma_start3A_70, %dma_start3A_71] : memref<1000000x64xf32, #tpu.memory_space<hbm>> -> memref<1000000x64xf32, #tpu.memory_space<hbm>>
    %dma_start3A_73 = tpu.memref_slice %arg9[%dma_start3A_62] : memref<4x!tpu.dma_semaphore, #tpu.memory_space<semaphore_mem>> -> memref<1x!tpu.dma_semaphore, #tpu.memory_space<semaphore_mem>>
    %dma_start3A_74 = tpu.memref_squeeze %dma_start3A_73 : memref<1x!tpu.dma_semaphore, #tpu.memory_space<semaphore_mem>> -> memref<!tpu.dma_semaphore, #tpu.memory_space<semaphore_mem>>
    tpu.enqueue_indirect_dma source(%dma_start3A_72 : memref<1000000x64xf32, #tpu.memory_space<hbm>>) target(%dma_start3A_66 : memref<100x64xf32, #tpu.memory_space<vmem>>) offsets(%dma_start3A_69 : memref<100xi32, #tpu.memory_space<vmem>>) semaphore(%dma_start3A_74 : memref<!tpu.dma_semaphore, #tpu.memory_space<semaphore_mem>>)
    %dma_start3A_75 = arith.constant 0 : i32
    %dma_start3A_76 = arith.constant 2 : i32
    %dma_start3A_77 = arith.constant 0 : i32
    %dma_start3A_78 = arith.constant 0 : i32
    %dma_start3A_79 = arith.constant 200 : i32
    %dma_start3A_80 = arith.constant 0 : i32
    %dma_start3A_81 = tpu.memref_slice %arg7[%dma_start3A_77, %dma_start3A_79, %dma_start3A_80] : memref<4x400x64xf32, #tpu.memory_space<vmem>> -> memref<1x100x64xf32, #tpu.memory_space<vmem>>
    %dma_start3A_82 = tpu.memref_squeeze %dma_start3A_81 : memref<1x100x64xf32, #tpu.memory_space<vmem>> -> memref<100x64xf32, #tpu.memory_space<vmem>>
    %dma_start3A_83 = arith.constant 0 : i32
    %dma_start3A_84 = tpu.memref_slice %arg6[%dma_start3A_75, %dma_start3A_76, %dma_start3A_83] : memref<4x4x100xi32, #tpu.memory_space<vmem>> -> memref<1x1x100xi32, #tpu.memory_space<vmem>>
    %dma_start3A_85 = tpu.memref_squeeze %dma_start3A_84 : memref<1x1x100xi32, #tpu.memory_space<vmem>> -> memref<100xi32, #tpu.memory_space<vmem>>
    %dma_start3A_86 = arith.constant 0 : i32
    %dma_start3A_87 = arith.constant 0 : i32
    %dma_start3A_88 = tpu.memref_slice %arg3[%dma_start3A_86, %dma_start3A_87] : memref<1000000x64xf32, #tpu.memory_space<hbm>> -> memref<1000000x64xf32, #tpu.memory_space<hbm>>
    %dma_start3A_89 = tpu.memref_slice %arg9[%dma_start3A_78] : memref<4x!tpu.dma_semaphore, #tpu.memory_space<semaphore_mem>> -> memref<1x!tpu.dma_semaphore, #tpu.memory_space<semaphore_mem>>
    %dma_start3A_90 = tpu.memref_squeeze %dma_start3A_89 : memref<1x!tpu.dma_semaphore, #tpu.memory_space<semaphore_mem>> -> memref<!tpu.dma_semaphore, #tpu.memory_space<semaphore_mem>>
    tpu.enqueue_indirect_dma source(%dma_start3A_88 : memref<1000000x64xf32, #tpu.memory_space<hbm>>) target(%dma_start3A_82 : memref<100x64xf32, #tpu.memory_space<vmem>>) offsets(%dma_start3A_85 : memref<100xi32, #tpu.memory_space<vmem>>) semaphore(%dma_start3A_90 : memref<!tpu.dma_semaphore, #tpu.memory_space<semaphore_mem>>)
    %dma_start3A_91 = arith.constant 0 : i32
    %dma_start3A_92 = arith.constant 3 : i32
    %dma_start3A_93 = arith.constant 0 : i32
    %dma_start3A_94 = arith.constant 0 : i32
    %dma_start3A_95 = arith.constant 300 : i32
    %dma_start3A_96 = arith.constant 0 : i32
    %dma_start3A_97 = tpu.memref_slice %arg7[%dma_start3A_93, %dma_start3A_95, %dma_start3A_96] : memref<4x400x64xf32, #tpu.memory_space<vmem>> -> memref<1x100x64xf32, #tpu.memory_space<vmem>>
    %dma_start3A_98 = tpu.memref_squeeze %dma_start3A_97 : memref<1x100x64xf32, #tpu.memory_space<vmem>> -> memref<100x64xf32, #tpu.memory_space<vmem>>
    %dma_start3A_99 = arith.constant 0 : i32
    %dma_start3A_100 = tpu.memref_slice %arg6[%dma_start3A_91, %dma_start3A_92, %dma_start3A_99] : memref<4x4x100xi32, #tpu.memory_space<vmem>> -> memref<1x1x100xi32, #tpu.memory_space<vmem>>
    %dma_start3A_101 = tpu.memref_squeeze %dma_start3A_100 : memref<1x1x100xi32, #tpu.memory_space<vmem>> -> memref<100xi32, #tpu.memory_space<vmem>>
    %dma_start3A_102 = arith.constant 0 : i32
    %dma_start3A_103 = arith.constant 0 : i32
    %dma_start3A_104 = tpu.memref_slice %arg3[%dma_start3A_102, %dma_start3A_103] : memref<1000000x64xf32, #tpu.memory_space<hbm>> -> memref<1000000x64xf32, #tpu.memory_space<hbm>>
    %dma_start3A_105 = tpu.memref_slice %arg9[%dma_start3A_94] : memref<4x!tpu.dma_semaphore, #tpu.memory_space<semaphore_mem>> -> memref<1x!tpu.dma_semaphore, #tpu.memory_space<semaphore_mem>>
    %dma_start3A_106 = tpu.memref_squeeze %dma_start3A_105 : memref<1x!tpu.dma_semaphore, #tpu.memory_space<semaphore_mem>> -> memref<!tpu.dma_semaphore, #tpu.memory_space<semaphore_mem>>
    tpu.enqueue_indirect_dma source(%dma_start3A_104 : memref<1000000x64xf32, #tpu.memory_space<hbm>>) target(%dma_start3A_98 : memref<100x64xf32, #tpu.memory_space<vmem>>) offsets(%dma_start3A_101 : memref<100xi32, #tpu.memory_space<vmem>>) semaphore(%dma_start3A_106 : memref<!tpu.dma_semaphore, #tpu.memory_space<semaphore_mem>>)
    %dma_start3A_107 = arith.constant 1 : i32
    %dma_start3A_108 = arith.constant 1 : i32
    %dma_start3A_109 = arith.constant 1 : i32
    %dma_start3A_110 = arith.constant 0 : i32
    %dma_start3A_111 = arith.constant 0 : i32
    %dma_start3A_112 = tpu.memref_slice %arg6[%dma_start3A_108, %dma_start3A_110, %dma_start3A_111] : memref<4x4x100xi32, #tpu.memory_space<vmem>> -> memref<1x4x100xi32, #tpu.memory_space<vmem>>
    %dma_start3A_113 = tpu.memref_squeeze %dma_start3A_112 : memref<1x4x100xi32, #tpu.memory_space<vmem>> -> memref<4x100xi32, #tpu.memory_space<vmem>>
    %dma_start3A_114 = arith.constant 0 : i32
    %dma_start3A_115 = arith.constant 0 : i32
    %dma_start3A_116 = tpu.memref_slice %arg2[%add3A, %dma_start3A_107, %dma_start3A_114, %dma_start3A_115] : memref<32x64x4x100xi32, #tpu.memory_space<hbm>> -> memref<1x1x4x100xi32, #tpu.memory_space<hbm>>
    %dma_start3A_117 = tpu.memref_squeeze %dma_start3A_116 : memref<1x1x4x100xi32, #tpu.memory_space<hbm>> -> memref<4x100xi32, #tpu.memory_space<hbm>>
    %dma_start3A_118 = tpu.memref_slice %arg11[%dma_start3A_109] : memref<4x!tpu.dma_semaphore, #tpu.memory_space<semaphore_mem>> -> memref<1x!tpu.dma_semaphore, #tpu.memory_space<semaphore_mem>>
    %dma_start3A_119 = tpu.memref_squeeze %dma_start3A_118 : memref<1x!tpu.dma_semaphore, #tpu.memory_space<semaphore_mem>> -> memref<!tpu.dma_semaphore, #tpu.memory_space<semaphore_mem>>
    %dma_start3A_120 = arith.constant 0 : i32
    %dma_start3A_121 = arith.constant 0 : i32
    %dma_start3A_122 = tpu.memref_slice %arg6[%dma_start3A_108, %dma_start3A_120, %dma_start3A_121] : memref<4x4x100xi32, #tpu.memory_space<vmem>> -> memref<1x4x100xi32, #tpu.memory_space<vmem>>
    %dma_start3A_123 = tpu.memref_squeeze %dma_start3A_122 : memref<1x4x100xi32, #tpu.memory_space<vmem>> -> memref<4x100xi32, #tpu.memory_space<vmem>>
    %dma_start3A_124 = arith.constant 0 : i32
    %dma_start3A_125 = arith.constant 0 : i32
    %dma_start3A_126 = tpu.memref_slice %arg2[%add3A, %dma_start3A_107, %dma_start3A_124, %dma_start3A_125] : memref<32x64x4x100xi32, #tpu.memory_space<hbm>> -> memref<1x1x4x100xi32, #tpu.memory_space<hbm>>
    %dma_start3A_127 = tpu.memref_squeeze %dma_start3A_126 : memref<1x1x4x100xi32, #tpu.memory_space<hbm>> -> memref<4x100xi32, #tpu.memory_space<hbm>>
    tpu.enqueue_dma source(%dma_start3A_127 : memref<4x100xi32, #tpu.memory_space<hbm>>) target(%dma_start3A_123 : memref<4x100xi32, #tpu.memory_space<vmem>>) target_semaphore(%dma_start3A_119 : memref<!tpu.dma_semaphore, #tpu.memory_space<semaphore_mem>>)
    %dma_wait3A_128 = arith.constant 0 : i32
    %dma_wait3A_129 = arith.constant 1 : i32
    %dma_wait3A_130 = arith.constant 1 : i32
    %dma_wait3A_131 = arith.constant 0 : i32
    %dma_wait3A_132 = arith.constant 0 : i32
    %dma_wait3A_133 = tpu.memref_slice %arg6[%dma_wait3A_129, %dma_wait3A_131, %dma_wait3A_132] : memref<4x4x100xi32, #tpu.memory_space<vmem>> -> memref<1x4x100xi32, #tpu.memory_space<vmem>>
    %dma_wait3A_134 = tpu.memref_squeeze %dma_wait3A_133 : memref<1x4x100xi32, #tpu.memory_space<vmem>> -> memref<4x100xi32, #tpu.memory_space<vmem>>
    %dma_wait3A_135 = arith.constant 0 : i32
    %dma_wait3A_136 = arith.constant 0 : i32
    %dma_wait3A_137 = tpu.memref_slice %arg2[%add3A, %dma_wait3A_128, %dma_wait3A_135, %dma_wait3A_136] : memref<32x64x4x100xi32, #tpu.memory_space<hbm>> -> memref<1x1x4x100xi32, #tpu.memory_space<hbm>>
    %dma_wait3A_138 = tpu.memref_squeeze %dma_wait3A_137 : memref<1x1x4x100xi32, #tpu.memory_space<hbm>> -> memref<4x100xi32, #tpu.memory_space<hbm>>
    %dma_wait3A_139 = tpu.memref_slice %arg11[%dma_wait3A_130] : memref<4x!tpu.dma_semaphore, #tpu.memory_space<semaphore_mem>> -> memref<1x!tpu.dma_semaphore, #tpu.memory_space<semaphore_mem>>
    %dma_wait3A_140 = tpu.memref_squeeze %dma_wait3A_139 : memref<1x!tpu.dma_semaphore, #tpu.memory_space<semaphore_mem>> -> memref<!tpu.dma_semaphore, #tpu.memory_space<semaphore_mem>>
    %dma_wait3A_141 = arith.constant 0 : i32
    %dma_wait3A_142 = arith.constant 0 : i32
    %dma_wait3A_143 = tpu.memref_slice %arg6[%dma_wait3A_129, %dma_wait3A_141, %dma_wait3A_142] : memref<4x4x100xi32, #tpu.memory_space<vmem>> -> memref<1x4x100xi32, #tpu.memory_space<vmem>>
    %dma_wait3A_144 = tpu.memref_squeeze %dma_wait3A_143 : memref<1x4x100xi32, #tpu.memory_space<vmem>> -> memref<4x100xi32, #tpu.memory_space<vmem>>
    %dma_wait3A_145 = arith.constant 0 : i32
    %dma_wait3A_146 = arith.constant 0 : i32
    %dma_wait3A_147 = tpu.memref_slice %arg2[%add3A, %dma_wait3A_128, %dma_wait3A_145, %dma_wait3A_146] : memref<32x64x4x100xi32, #tpu.memory_space<hbm>> -> memref<1x1x4x100xi32, #tpu.memory_space<hbm>>
    %dma_wait3A_148 = tpu.memref_squeeze %dma_wait3A_147 : memref<1x1x4x100xi32, #tpu.memory_space<hbm>> -> memref<4x100xi32, #tpu.memory_space<hbm>>
    tpu.wait_dma2 semaphore(%dma_wait3A_140 : memref<!tpu.dma_semaphore, #tpu.memory_space<semaphore_mem>>) src(%dma_wait3A_148 : memref<4x100xi32, #tpu.memory_space<hbm>>) dst(%dma_wait3A_144 : memref<4x100xi32, #tpu.memory_space<vmem>>)
    %dma_start3A_149 = arith.constant 1 : i32
    %dma_start3A_150 = arith.constant 0 : i32
    %dma_start3A_151 = arith.constant 1 : i32
    %dma_start3A_152 = arith.constant 1 : i32
    %dma_start3A_153 = arith.constant 0 : i32
    %dma_start3A_154 = arith.constant 0 : i32
    %dma_start3A_155 = tpu.memref_slice %arg7[%dma_start3A_151, %dma_start3A_153, %dma_start3A_154] : memref<4x400x64xf32, #tpu.memory_space<vmem>> -> memref<1x100x64xf32, #tpu.memory_space<vmem>>
    %dma_start3A_156 = tpu.memref_squeeze %dma_start3A_155 : memref<1x100x64xf32, #tpu.memory_space<vmem>> -> memref<100x64xf32, #tpu.memory_space<vmem>>
    %dma_start3A_157 = arith.constant 0 : i32
    %dma_start3A_158 = tpu.memref_slice %arg6[%dma_start3A_149, %dma_start3A_150, %dma_start3A_157] : memref<4x4x100xi32, #tpu.memory_space<vmem>> -> memref<1x1x100xi32, #tpu.memory_space<vmem>>
    %dma_start3A_159 = tpu.memref_squeeze %dma_start3A_158 : memref<1x1x100xi32, #tpu.memory_space<vmem>> -> memref<100xi32, #tpu.memory_space<vmem>>
    %dma_start3A_160 = arith.constant 0 : i32
    %dma_start3A_161 = arith.constant 0 : i32
    %dma_start3A_162 = tpu.memref_slice %arg3[%dma_start3A_160, %dma_start3A_161] : memref<1000000x64xf32, #tpu.memory_space<hbm>> -> memref<1000000x64xf32, #tpu.memory_space<hbm>>
    %dma_start3A_163 = tpu.memref_slice %arg9[%dma_start3A_152] : memref<4x!tpu.dma_semaphore, #tpu.memory_space<semaphore_mem>> -> memref<1x!tpu.dma_semaphore, #tpu.memory_space<semaphore_mem>>
    %dma_start3A_164 = tpu.memref_squeeze %dma_start3A_163 : memref<1x!tpu.dma_semaphore, #tpu.memory_space<semaphore_mem>> -> memref<!tpu.dma_semaphore, #tpu.memory_space<semaphore_mem>>
    tpu.enqueue_indirect_dma source(%dma_start3A_162 : memref<1000000x64xf32, #tpu.memory_space<hbm>>) target(%dma_start3A_156 : memref<100x64xf32, #tpu.memory_space<vmem>>) offsets(%dma_start3A_159 : memref<100xi32, #tpu.memory_space<vmem>>) semaphore(%dma_start3A_164 : memref<!tpu.dma_semaphore, #tpu.memory_space<semaphore_mem>>)
    %dma_start3A_165 = arith.constant 1 : i32
    %dma_start3A_166 = arith.constant 1 : i32
    %dma_start3A_167 = arith.constant 1 : i32
    %dma_start3A_168 = arith.constant 1 : i32
    %dma_start3A_169 = arith.constant 100 : i32
    %dma_start3A_170 = arith.constant 0 : i32
    %dma_start3A_171 = tpu.memref_slice %arg7[%dma_start3A_167, %dma_start3A_169, %dma_start3A_170] : memref<4x400x64xf32, #tpu.memory_space<vmem>> -> memref<1x100x64xf32, #tpu.memory_space<vmem>>
    %dma_start3A_172 = tpu.memref_squeeze %dma_start3A_171 : memref<1x100x64xf32, #tpu.memory_space<vmem>> -> memref<100x64xf32, #tpu.memory_space<vmem>>
    %dma_start3A_173 = arith.constant 0 : i32
    %dma_start3A_174 = tpu.memref_slice %arg6[%dma_start3A_165, %dma_start3A_166, %dma_start3A_173] : memref<4x4x100xi32, #tpu.memory_space<vmem>> -> memref<1x1x100xi32, #tpu.memory_space<vmem>>
    %dma_start3A_175 = tpu.memref_squeeze %dma_start3A_174 : memref<1x1x100xi32, #tpu.memory_space<vmem>> -> memref<100xi32, #tpu.memory_space<vmem>>
    %dma_start3A_176 = arith.constant 0 : i32
    %dma_start3A_177 = arith.constant 0 : i32
    %dma_start3A_178 = tpu.memref_slice %arg3[%dma_start3A_176, %dma_start3A_177] : memref<1000000x64xf32, #tpu.memory_space<hbm>> -> memref<1000000x64xf32, #tpu.memory_space<hbm>>
    %dma_start3A_179 = tpu.memref_slice %arg9[%dma_start3A_168] : memref<4x!tpu.dma_semaphore, #tpu.memory_space<semaphore_mem>> -> memref<1x!tpu.dma_semaphore, #tpu.memory_space<semaphore_mem>>
    %dma_start3A_180 = tpu.memref_squeeze %dma_start3A_179 : memref<1x!tpu.dma_semaphore, #tpu.memory_space<semaphore_mem>> -> memref<!tpu.dma_semaphore, #tpu.memory_space<semaphore_mem>>
    tpu.enqueue_indirect_dma source(%dma_start3A_178 : memref<1000000x64xf32, #tpu.memory_space<hbm>>) target(%dma_start3A_172 : memref<100x64xf32, #tpu.memory_space<vmem>>) offsets(%dma_start3A_175 : memref<100xi32, #tpu.memory_space<vmem>>) semaphore(%dma_start3A_180 : memref<!tpu.dma_semaphore, #tpu.memory_space<semaphore_mem>>)
    %dma_start3A_181 = arith.constant 1 : i32
    %dma_start3A_182 = arith.constant 2 : i32
    %dma_start3A_183 = arith.constant 1 : i32
    %dma_start3A_184 = arith.constant 1 : i32
    %dma_start3A_185 = arith.constant 200 : i32
    %dma_start3A_186 = arith.constant 0 : i32
    %dma_start3A_187 = tpu.memref_slice %arg7[%dma_start3A_183, %dma_start3A_185, %dma_start3A_186] : memref<4x400x64xf32, #tpu.memory_space<vmem>> -> memref<1x100x64xf32, #tpu.memory_space<vmem>>
    %dma_start3A_188 = tpu.memref_squeeze %dma_start3A_187 : memref<1x100x64xf32, #tpu.memory_space<vmem>> -> memref<100x64xf32, #tpu.memory_space<vmem>>
    %dma_start3A_189 = arith.constant 0 : i32
    %dma_start3A_190 = tpu.memref_slice %arg6[%dma_start3A_181, %dma_start3A_182, %dma_start3A_189] : memref<4x4x100xi32, #tpu.memory_space<vmem>> -> memref<1x1x100xi32, #tpu.memory_space<vmem>>
    %dma_start3A_191 = tpu.memref_squeeze %dma_start3A_190 : memref<1x1x100xi32, #tpu.memory_space<vmem>> -> memref<100xi32, #tpu.memory_space<vmem>>
    %dma_start3A_192 = arith.constant 0 : i32
    %dma_start3A_193 = arith.constant 0 : i32
    %dma_start3A_194 = tpu.memref_slice %arg3[%dma_start3A_192, %dma_start3A_193] : memref<1000000x64xf32, #tpu.memory_space<hbm>> -> memref<1000000x64xf32, #tpu.memory_space<hbm>>
    %dma_start3A_195 = tpu.memref_slice %arg9[%dma_start3A_184] : memref<4x!tpu.dma_semaphore, #tpu.memory_space<semaphore_mem>> -> memref<1x!tpu.dma_semaphore, #tpu.memory_space<semaphore_mem>>
    %dma_start3A_196 = tpu.memref_squeeze %dma_start3A_195 : memref<1x!tpu.dma_semaphore, #tpu.memory_space<semaphore_mem>> -> memref<!tpu.dma_semaphore, #tpu.memory_space<semaphore_mem>>
    tpu.enqueue_indirect_dma source(%dma_start3A_194 : memref<1000000x64xf32, #tpu.memory_space<hbm>>) target(%dma_start3A_188 : memref<100x64xf32, #tpu.memory_space<vmem>>) offsets(%dma_start3A_191 : memref<100xi32, #tpu.memory_space<vmem>>) semaphore(%dma_start3A_196 : memref<!tpu.dma_semaphore, #tpu.memory_space<semaphore_mem>>)
    %dma_start3A_197 = arith.constant 1 : i32
    %dma_start3A_198 = arith.constant 3 : i32
    %dma_start3A_199 = arith.constant 1 : i32
    %dma_start3A_200 = arith.constant 1 : i32
    %dma_start3A_201 = arith.constant 300 : i32
    %dma_start3A_202 = arith.constant 0 : i32
    %dma_start3A_203 = tpu.memref_slice %arg7[%dma_start3A_199, %dma_start3A_201, %dma_start3A_202] : memref<4x400x64xf32, #tpu.memory_space<vmem>> -> memref<1x100x64xf32, #tpu.memory_space<vmem>>
    %dma_start3A_204 = tpu.memref_squeeze %dma_start3A_203 : memref<1x100x64xf32, #tpu.memory_space<vmem>> -> memref<100x64xf32, #tpu.memory_space<vmem>>
    %dma_start3A_205 = arith.constant 0 : i32
    %dma_start3A_206 = tpu.memref_slice %arg6[%dma_start3A_197, %dma_start3A_198, %dma_start3A_205] : memref<4x4x100xi32, #tpu.memory_space<vmem>> -> memref<1x1x100xi32, #tpu.memory_space<vmem>>
    %dma_start3A_207 = tpu.memref_squeeze %dma_start3A_206 : memref<1x1x100xi32, #tpu.memory_space<vmem>> -> memref<100xi32, #tpu.memory_space<vmem>>
    %dma_start3A_208 = arith.constant 0 : i32
    %dma_start3A_209 = arith.constant 0 : i32
    %dma_start3A_210 = tpu.memref_slice %arg3[%dma_start3A_208, %dma_start3A_209] : memref<1000000x64xf32, #tpu.memory_space<hbm>> -> memref<1000000x64xf32, #tpu.memory_space<hbm>>
    %dma_start3A_211 = tpu.memref_slice %arg9[%dma_start3A_200] : memref<4x!tpu.dma_semaphore, #tpu.memory_space<semaphore_mem>> -> memref<1x!tpu.dma_semaphore, #tpu.memory_space<semaphore_mem>>
    %dma_start3A_212 = tpu.memref_squeeze %dma_start3A_211 : memref<1x!tpu.dma_semaphore, #tpu.memory_space<semaphore_mem>> -> memref<!tpu.dma_semaphore, #tpu.memory_space<semaphore_mem>>
    tpu.enqueue_indirect_dma source(%dma_start3A_210 : memref<1000000x64xf32, #tpu.memory_space<hbm>>) target(%dma_start3A_204 : memref<100x64xf32, #tpu.memory_space<vmem>>) offsets(%dma_start3A_207 : memref<100xi32, #tpu.memory_space<vmem>>) semaphore(%dma_start3A_212 : memref<!tpu.dma_semaphore, #tpu.memory_space<semaphore_mem>>)
    %dma_start3A_213 = arith.constant 2 : i32
    %dma_start3A_214 = arith.constant 2 : i32
    %dma_start3A_215 = arith.constant 2 : i32
    %dma_start3A_216 = arith.constant 0 : i32
    %dma_start3A_217 = arith.constant 0 : i32
    %dma_start3A_218 = tpu.memref_slice %arg6[%dma_start3A_214, %dma_start3A_216, %dma_start3A_217] : memref<4x4x100xi32, #tpu.memory_space<vmem>> -> memref<1x4x100xi32, #tpu.memory_space<vmem>>
    %dma_start3A_219 = tpu.memref_squeeze %dma_start3A_218 : memref<1x4x100xi32, #tpu.memory_space<vmem>> -> memref<4x100xi32, #tpu.memory_space<vmem>>
    %dma_start3A_220 = arith.constant 0 : i32
    %dma_start3A_221 = arith.constant 0 : i32
    %dma_start3A_222 = tpu.memref_slice %arg2[%add3A, %dma_start3A_213, %dma_start3A_220, %dma_start3A_221] : memref<32x64x4x100xi32, #tpu.memory_space<hbm>> -> memref<1x1x4x100xi32, #tpu.memory_space<hbm>>
    %dma_start3A_223 = tpu.memref_squeeze %dma_start3A_222 : memref<1x1x4x100xi32, #tpu.memory_space<hbm>> -> memref<4x100xi32, #tpu.memory_space<hbm>>
    %dma_start3A_224 = tpu.memref_slice %arg11[%dma_start3A_215] : memref<4x!tpu.dma_semaphore, #tpu.memory_space<semaphore_mem>> -> memref<1x!tpu.dma_semaphore, #tpu.memory_space<semaphore_mem>>
    %dma_start3A_225 = tpu.memref_squeeze %dma_start3A_224 : memref<1x!tpu.dma_semaphore, #tpu.memory_space<semaphore_mem>> -> memref<!tpu.dma_semaphore, #tpu.memory_space<semaphore_mem>>
    %dma_start3A_226 = arith.constant 0 : i32
    %dma_start3A_227 = arith.constant 0 : i32
    %dma_start3A_228 = tpu.memref_slice %arg6[%dma_start3A_214, %dma_start3A_226, %dma_start3A_227] : memref<4x4x100xi32, #tpu.memory_space<vmem>> -> memref<1x4x100xi32, #tpu.memory_space<vmem>>
    %dma_start3A_229 = tpu.memref_squeeze %dma_start3A_228 : memref<1x4x100xi32, #tpu.memory_space<vmem>> -> memref<4x100xi32, #tpu.memory_space<vmem>>
    %dma_start3A_230 = arith.constant 0 : i32
    %dma_start3A_231 = arith.constant 0 : i32
    %dma_start3A_232 = tpu.memref_slice %arg2[%add3A, %dma_start3A_213, %dma_start3A_230, %dma_start3A_231] : memref<32x64x4x100xi32, #tpu.memory_space<hbm>> -> memref<1x1x4x100xi32, #tpu.memory_space<hbm>>
    %dma_start3A_233 = tpu.memref_squeeze %dma_start3A_232 : memref<1x1x4x100xi32, #tpu.memory_space<hbm>> -> memref<4x100xi32, #tpu.memory_space<hbm>>
    tpu.enqueue_dma source(%dma_start3A_233 : memref<4x100xi32, #tpu.memory_space<hbm>>) target(%dma_start3A_229 : memref<4x100xi32, #tpu.memory_space<vmem>>) target_semaphore(%dma_start3A_225 : memref<!tpu.dma_semaphore, #tpu.memory_space<semaphore_mem>>)
    %dma_wait3A_234 = arith.constant 0 : i32
    %dma_wait3A_235 = arith.constant 2 : i32
    %dma_wait3A_236 = arith.constant 2 : i32
    %dma_wait3A_237 = arith.constant 0 : i32
    %dma_wait3A_238 = arith.constant 0 : i32
    %dma_wait3A_239 = tpu.memref_slice %arg6[%dma_wait3A_235, %dma_wait3A_237, %dma_wait3A_238] : memref<4x4x100xi32, #tpu.memory_space<vmem>> -> memref<1x4x100xi32, #tpu.memory_space<vmem>>
    %dma_wait3A_240 = tpu.memref_squeeze %dma_wait3A_239 : memref<1x4x100xi32, #tpu.memory_space<vmem>> -> memref<4x100xi32, #tpu.memory_space<vmem>>
    %dma_wait3A_241 = arith.constant 0 : i32
    %dma_wait3A_242 = arith.constant 0 : i32
    %dma_wait3A_243 = tpu.memref_slice %arg2[%add3A, %dma_wait3A_234, %dma_wait3A_241, %dma_wait3A_242] : memref<32x64x4x100xi32, #tpu.memory_space<hbm>> -> memref<1x1x4x100xi32, #tpu.memory_space<hbm>>
    %dma_wait3A_244 = tpu.memref_squeeze %dma_wait3A_243 : memref<1x1x4x100xi32, #tpu.memory_space<hbm>> -> memref<4x100xi32, #tpu.memory_space<hbm>>
    %dma_wait3A_245 = tpu.memref_slice %arg11[%dma_wait3A_236] : memref<4x!tpu.dma_semaphore, #tpu.memory_space<semaphore_mem>> -> memref<1x!tpu.dma_semaphore, #tpu.memory_space<semaphore_mem>>
    %dma_wait3A_246 = tpu.memref_squeeze %dma_wait3A_245 : memref<1x!tpu.dma_semaphore, #tpu.memory_space<semaphore_mem>> -> memref<!tpu.dma_semaphore, #tpu.memory_space<semaphore_mem>>
    %dma_wait3A_247 = arith.constant 0 : i32
    %dma_wait3A_248 = arith.constant 0 : i32
    %dma_wait3A_249 = tpu.memref_slice %arg6[%dma_wait3A_235, %dma_wait3A_247, %dma_wait3A_248] : memref<4x4x100xi32, #tpu.memory_space<vmem>> -> memref<1x4x100xi32, #tpu.memory_space<vmem>>
    %dma_wait3A_250 = tpu.memref_squeeze %dma_wait3A_249 : memref<1x4x100xi32, #tpu.memory_space<vmem>> -> memref<4x100xi32, #tpu.memory_space<vmem>>
    %dma_wait3A_251 = arith.constant 0 : i32
    %dma_wait3A_252 = arith.constant 0 : i32
    %dma_wait3A_253 = tpu.memref_slice %arg2[%add3A, %dma_wait3A_234, %dma_wait3A_251, %dma_wait3A_252] : memref<32x64x4x100xi32, #tpu.memory_space<hbm>> -> memref<1x1x4x100xi32, #tpu.memory_space<hbm>>
    %dma_wait3A_254 = tpu.memref_squeeze %dma_wait3A_253 : memref<1x1x4x100xi32, #tpu.memory_space<hbm>> -> memref<4x100xi32, #tpu.memory_space<hbm>>
    tpu.wait_dma2 semaphore(%dma_wait3A_246 : memref<!tpu.dma_semaphore, #tpu.memory_space<semaphore_mem>>) src(%dma_wait3A_254 : memref<4x100xi32, #tpu.memory_space<hbm>>) dst(%dma_wait3A_250 : memref<4x100xi32, #tpu.memory_space<vmem>>)
    %dma_start3A_255 = arith.constant 2 : i32
    %dma_start3A_256 = arith.constant 0 : i32
    %dma_start3A_257 = arith.constant 2 : i32
    %dma_start3A_258 = arith.constant 2 : i32
    %dma_start3A_259 = arith.constant 0 : i32
    %dma_start3A_260 = arith.constant 0 : i32
    %dma_start3A_261 = tpu.memref_slice %arg7[%dma_start3A_257, %dma_start3A_259, %dma_start3A_260] : memref<4x400x64xf32, #tpu.memory_space<vmem>> -> memref<1x100x64xf32, #tpu.memory_space<vmem>>
    %dma_start3A_262 = tpu.memref_squeeze %dma_start3A_261 : memref<1x100x64xf32, #tpu.memory_space<vmem>> -> memref<100x64xf32, #tpu.memory_space<vmem>>
    %dma_start3A_263 = arith.constant 0 : i32
    %dma_start3A_264 = tpu.memref_slice %arg6[%dma_start3A_255, %dma_start3A_256, %dma_start3A_263] : memref<4x4x100xi32, #tpu.memory_space<vmem>> -> memref<1x1x100xi32, #tpu.memory_space<vmem>>
    %dma_start3A_265 = tpu.memref_squeeze %dma_start3A_264 : memref<1x1x100xi32, #tpu.memory_space<vmem>> -> memref<100xi32, #tpu.memory_space<vmem>>
    %dma_start3A_266 = arith.constant 0 : i32
    %dma_start3A_267 = arith.constant 0 : i32
    %dma_start3A_268 = tpu.memref_slice %arg3[%dma_start3A_266, %dma_start3A_267] : memref<1000000x64xf32, #tpu.memory_space<hbm>> -> memref<1000000x64xf32, #tpu.memory_space<hbm>>
    %dma_start3A_269 = tpu.memref_slice %arg9[%dma_start3A_258] : memref<4x!tpu.dma_semaphore, #tpu.memory_space<semaphore_mem>> -> memref<1x!tpu.dma_semaphore, #tpu.memory_space<semaphore_mem>>
    %dma_start3A_270 = tpu.memref_squeeze %dma_start3A_269 : memref<1x!tpu.dma_semaphore, #tpu.memory_space<semaphore_mem>> -> memref<!tpu.dma_semaphore, #tpu.memory_space<semaphore_mem>>
    tpu.enqueue_indirect_dma source(%dma_start3A_268 : memref<1000000x64xf32, #tpu.memory_space<hbm>>) target(%dma_start3A_262 : memref<100x64xf32, #tpu.memory_space<vmem>>) offsets(%dma_start3A_265 : memref<100xi32, #tpu.memory_space<vmem>>) semaphore(%dma_start3A_270 : memref<!tpu.dma_semaphore, #tpu.memory_space<semaphore_mem>>)
    %dma_start3A_271 = arith.constant 2 : i32
    %dma_start3A_272 = arith.constant 1 : i32
    %dma_start3A_273 = arith.constant 2 : i32
    %dma_start3A_274 = arith.constant 2 : i32
    %dma_start3A_275 = arith.constant 100 : i32
    %dma_start3A_276 = arith.constant 0 : i32
    %dma_start3A_277 = tpu.memref_slice %arg7[%dma_start3A_273, %dma_start3A_275, %dma_start3A_276] : memref<4x400x64xf32, #tpu.memory_space<vmem>> -> memref<1x100x64xf32, #tpu.memory_space<vmem>>
    %dma_start3A_278 = tpu.memref_squeeze %dma_start3A_277 : memref<1x100x64xf32, #tpu.memory_space<vmem>> -> memref<100x64xf32, #tpu.memory_space<vmem>>
    %dma_start3A_279 = arith.constant 0 : i32
    %dma_start3A_280 = tpu.memref_slice %arg6[%dma_start3A_271, %dma_start3A_272, %dma_start3A_279] : memref<4x4x100xi32, #tpu.memory_space<vmem>> -> memref<1x1x100xi32, #tpu.memory_space<vmem>>
    %dma_start3A_281 = tpu.memref_squeeze %dma_start3A_280 : memref<1x1x100xi32, #tpu.memory_space<vmem>> -> memref<100xi32, #tpu.memory_space<vmem>>
    %dma_start3A_282 = arith.constant 0 : i32
    %dma_start3A_283 = arith.constant 0 : i32
    %dma_start3A_284 = tpu.memref_slice %arg3[%dma_start3A_282, %dma_start3A_283] : memref<1000000x64xf32, #tpu.memory_space<hbm>> -> memref<1000000x64xf32, #tpu.memory_space<hbm>>
    %dma_start3A_285 = tpu.memref_slice %arg9[%dma_start3A_274] : memref<4x!tpu.dma_semaphore, #tpu.memory_space<semaphore_mem>> -> memref<1x!tpu.dma_semaphore, #tpu.memory_space<semaphore_mem>>
    %dma_start3A_286 = tpu.memref_squeeze %dma_start3A_285 : memref<1x!tpu.dma_semaphore, #tpu.memory_space<semaphore_mem>> -> memref<!tpu.dma_semaphore, #tpu.memory_space<semaphore_mem>>
    tpu.enqueue_indirect_dma source(%dma_start3A_284 : memref<1000000x64xf32, #tpu.memory_space<hbm>>) target(%dma_start3A_278 : memref<100x64xf32, #tpu.memory_space<vmem>>) offsets(%dma_start3A_281 : memref<100xi32, #tpu.memory_space<vmem>>) semaphore(%dma_start3A_286 : memref<!tpu.dma_semaphore, #tpu.memory_space<semaphore_mem>>)
    %dma_start3A_287 = arith.constant 2 : i32
    %dma_start3A_288 = arith.constant 2 : i32
    %dma_start3A_289 = arith.constant 2 : i32
    %dma_start3A_290 = arith.constant 2 : i32
    %dma_start3A_291 = arith.constant 200 : i32
    %dma_start3A_292 = arith.constant 0 : i32
    %dma_start3A_293 = tpu.memref_slice %arg7[%dma_start3A_289, %dma_start3A_291, %dma_start3A_292] : memref<4x400x64xf32, #tpu.memory_space<vmem>> -> memref<1x100x64xf32, #tpu.memory_space<vmem>>
    %dma_start3A_294 = tpu.memref_squeeze %dma_start3A_293 : memref<1x100x64xf32, #tpu.memory_space<vmem>> -> memref<100x64xf32, #tpu.memory_space<vmem>>
    %dma_start3A_295 = arith.constant 0 : i32
    %dma_start3A_296 = tpu.memref_slice %arg6[%dma_start3A_287, %dma_start3A_288, %dma_start3A_295] : memref<4x4x100xi32, #tpu.memory_space<vmem>> -> memref<1x1x100xi32, #tpu.memory_space<vmem>>
    %dma_start3A_297 = tpu.memref_squeeze %dma_start3A_296 : memref<1x1x100xi32, #tpu.memory_space<vmem>> -> memref<100xi32, #tpu.memory_space<vmem>>
    %dma_start3A_298 = arith.constant 0 : i32
    %dma_start3A_299 = arith.constant 0 : i32
    %dma_start3A_300 = tpu.memref_slice %arg3[%dma_start3A_298, %dma_start3A_299] : memref<1000000x64xf32, #tpu.memory_space<hbm>> -> memref<1000000x64xf32, #tpu.memory_space<hbm>>
    %dma_start3A_301 = tpu.memref_slice %arg9[%dma_start3A_290] : memref<4x!tpu.dma_semaphore, #tpu.memory_space<semaphore_mem>> -> memref<1x!tpu.dma_semaphore, #tpu.memory_space<semaphore_mem>>
    %dma_start3A_302 = tpu.memref_squeeze %dma_start3A_301 : memref<1x!tpu.dma_semaphore, #tpu.memory_space<semaphore_mem>> -> memref<!tpu.dma_semaphore, #tpu.memory_space<semaphore_mem>>
    tpu.enqueue_indirect_dma source(%dma_start3A_300 : memref<1000000x64xf32, #tpu.memory_space<hbm>>) target(%dma_start3A_294 : memref<100x64xf32, #tpu.memory_space<vmem>>) offsets(%dma_start3A_297 : memref<100xi32, #tpu.memory_space<vmem>>) semaphore(%dma_start3A_302 : memref<!tpu.dma_semaphore, #tpu.memory_space<semaphore_mem>>)
    %dma_start3A_303 = arith.constant 2 : i32
    %dma_start3A_304 = arith.constant 3 : i32
    %dma_start3A_305 = arith.constant 2 : i32
    %dma_start3A_306 = arith.constant 2 : i32
    %dma_start3A_307 = arith.constant 300 : i32
    %dma_start3A_308 = arith.constant 0 : i32
    %dma_start3A_309 = tpu.memref_slice %arg7[%dma_start3A_305, %dma_start3A_307, %dma_start3A_308] : memref<4x400x64xf32, #tpu.memory_space<vmem>> -> memref<1x100x64xf32, #tpu.memory_space<vmem>>
    %dma_start3A_310 = tpu.memref_squeeze %dma_start3A_309 : memref<1x100x64xf32, #tpu.memory_space<vmem>> -> memref<100x64xf32, #tpu.memory_space<vmem>>
    %dma_start3A_311 = arith.constant 0 : i32
    %dma_start3A_312 = tpu.memref_slice %arg6[%dma_start3A_303, %dma_start3A_304, %dma_start3A_311] : memref<4x4x100xi32, #tpu.memory_space<vmem>> -> memref<1x1x100xi32, #tpu.memory_space<vmem>>
    %dma_start3A_313 = tpu.memref_squeeze %dma_start3A_312 : memref<1x1x100xi32, #tpu.memory_space<vmem>> -> memref<100xi32, #tpu.memory_space<vmem>>
    %dma_start3A_314 = arith.constant 0 : i32
    %dma_start3A_315 = arith.constant 0 : i32
    %dma_start3A_316 = tpu.memref_slice %arg3[%dma_start3A_314, %dma_start3A_315] : memref<1000000x64xf32, #tpu.memory_space<hbm>> -> memref<1000000x64xf32, #tpu.memory_space<hbm>>
    %dma_start3A_317 = tpu.memref_slice %arg9[%dma_start3A_306] : memref<4x!tpu.dma_semaphore, #tpu.memory_space<semaphore_mem>> -> memref<1x!tpu.dma_semaphore, #tpu.memory_space<semaphore_mem>>
    %dma_start3A_318 = tpu.memref_squeeze %dma_start3A_317 : memref<1x!tpu.dma_semaphore, #tpu.memory_space<semaphore_mem>> -> memref<!tpu.dma_semaphore, #tpu.memory_space<semaphore_mem>>
    tpu.enqueue_indirect_dma source(%dma_start3A_316 : memref<1000000x64xf32, #tpu.memory_space<hbm>>) target(%dma_start3A_310 : memref<100x64xf32, #tpu.memory_space<vmem>>) offsets(%dma_start3A_313 : memref<100xi32, #tpu.memory_space<vmem>>) semaphore(%dma_start3A_318 : memref<!tpu.dma_semaphore, #tpu.memory_space<semaphore_mem>>)
    %dma_start3A_319 = arith.constant 3 : i32
    %dma_start3A_320 = arith.constant 3 : i32
    %dma_start3A_321 = arith.constant 3 : i32
    %dma_start3A_322 = arith.constant 0 : i32
    %dma_start3A_323 = arith.constant 0 : i32
    %dma_start3A_324 = tpu.memref_slice %arg6[%dma_start3A_320, %dma_start3A_322, %dma_start3A_323] : memref<4x4x100xi32, #tpu.memory_space<vmem>> -> memref<1x4x100xi32, #tpu.memory_space<vmem>>
    %dma_start3A_325 = tpu.memref_squeeze %dma_start3A_324 : memref<1x4x100xi32, #tpu.memory_space<vmem>> -> memref<4x100xi32, #tpu.memory_space<vmem>>
    %dma_start3A_326 = arith.constant 0 : i32
    %dma_start3A_327 = arith.constant 0 : i32
    %dma_start3A_328 = tpu.memref_slice %arg2[%add3A, %dma_start3A_319, %dma_start3A_326, %dma_start3A_327] : memref<32x64x4x100xi32, #tpu.memory_space<hbm>> -> memref<1x1x4x100xi32, #tpu.memory_space<hbm>>
    %dma_start3A_329 = tpu.memref_squeeze %dma_start3A_328 : memref<1x1x4x100xi32, #tpu.memory_space<hbm>> -> memref<4x100xi32, #tpu.memory_space<hbm>>
    %dma_start3A_330 = tpu.memref_slice %arg11[%dma_start3A_321] : memref<4x!tpu.dma_semaphore, #tpu.memory_space<semaphore_mem>> -> memref<1x!tpu.dma_semaphore, #tpu.memory_space<semaphore_mem>>
    %dma_start3A_331 = tpu.memref_squeeze %dma_start3A_330 : memref<1x!tpu.dma_semaphore, #tpu.memory_space<semaphore_mem>> -> memref<!tpu.dma_semaphore, #tpu.memory_space<semaphore_mem>>
    %dma_start3A_332 = arith.constant 0 : i32
    %dma_start3A_333 = arith.constant 0 : i32
    %dma_start3A_334 = tpu.memref_slice %arg6[%dma_start3A_320, %dma_start3A_332, %dma_start3A_333] : memref<4x4x100xi32, #tpu.memory_space<vmem>> -> memref<1x4x100xi32, #tpu.memory_space<vmem>>
    %dma_start3A_335 = tpu.memref_squeeze %dma_start3A_334 : memref<1x4x100xi32, #tpu.memory_space<vmem>> -> memref<4x100xi32, #tpu.memory_space<vmem>>
    %dma_start3A_336 = arith.constant 0 : i32
    %dma_start3A_337 = arith.constant 0 : i32
    %dma_start3A_338 = tpu.memref_slice %arg2[%add3A, %dma_start3A_319, %dma_start3A_336, %dma_start3A_337] : memref<32x64x4x100xi32, #tpu.memory_space<hbm>> -> memref<1x1x4x100xi32, #tpu.memory_space<hbm>>
    %dma_start3A_339 = tpu.memref_squeeze %dma_start3A_338 : memref<1x1x4x100xi32, #tpu.memory_space<hbm>> -> memref<4x100xi32, #tpu.memory_space<hbm>>
    tpu.enqueue_dma source(%dma_start3A_339 : memref<4x100xi32, #tpu.memory_space<hbm>>) target(%dma_start3A_335 : memref<4x100xi32, #tpu.memory_space<vmem>>) target_semaphore(%dma_start3A_331 : memref<!tpu.dma_semaphore, #tpu.memory_space<semaphore_mem>>)
    %scan3A = arith.constant 0 : i32
    %scan3A_340 = arith.constant 16 : i32
    %scan3A_341 = arith.addi %scan3A, %scan3A_340 : i32
    %scan3A_342 = arith.constant 1 : i32
    scf.for %scan3A_362 = %scan3A to %scan3A_341 step %scan3A_342  : i32 {
      %mul3A_363 = arith.constant 4 : i32
      %mul3A_364 = arith.muli %scan3A_362, %mul3A_363 : i32
      %add3A_365 = arith.constant 0 : i32
      %add3A_366 = arith.addi %add3A_365, %mul3A_364 : i32
      %add3A_367 = arith.constant 0 : i32
      %add3A_368 = arith.addi %add3A_366, %add3A_367 : i32
      %gt3A = arith.constant 0 : i32
      %gt3A_369 = arith.cmpi sgt, %add3A_368, %gt3A : i32
      %convert_element_type3A = arith.extui %gt3A_369 : i1 to i32
      %cond3A = arith.constant 0 : i32
      %cond3A_370 = arith.cmpi ne, %convert_element_type3A, %cond3A : i32
      scf.if %cond3A_370 {
        %sub3A_806 = arith.constant 1 : i32
        %sub3A_807 = arith.subi %add3A_368, %sub3A_806 : i32
        %mul3A_808 = arith.constant 400 : i32
        %mul3A_809 = arith.muli %sub3A_807, %mul3A_808 : i32
        %add3A_810 = arith.addi %mul3A_2, %mul3A_809 : i32
        %dma_wait3A_811 = arith.constant 3 : i32
        %dma_wait3A_812 = arith.constant 3 : i32
        %dma_wait3A_813 = arith.constant 0 : i32
        %dma_wait3A_814 = arith.constant 0 : i32
        %dma_wait3A_815 = tpu.memref_slice %arg7[%dma_wait3A_811, %dma_wait3A_813, %dma_wait3A_814] : memref<4x400x64xf32, #tpu.memory_space<vmem>> -> memref<1x400x64xf32, #tpu.memory_space<vmem>>
        %dma_wait3A_816 = tpu.memref_squeeze %dma_wait3A_815 : memref<1x400x64xf32, #tpu.memory_space<vmem>> -> memref<400x64xf32, #tpu.memory_space<vmem>>
        %dma_wait3A_817 = arith.constant 0 : i32
        %dma_wait3A_818 = tpu.memref_slice %arg5[%add3A_810, %dma_wait3A_817] : memref<819200x64xf32, #tpu.memory_space<hbm>> -> memref<400x64xf32, #tpu.memory_space<hbm>>
        %dma_wait3A_819 = tpu.memref_slice %arg10[%dma_wait3A_812] : memref<4x!tpu.dma_semaphore, #tpu.memory_space<semaphore_mem>> -> memref<1x!tpu.dma_semaphore, #tpu.memory_space<semaphore_mem>>
        %dma_wait3A_820 = tpu.memref_squeeze %dma_wait3A_819 : memref<1x!tpu.dma_semaphore, #tpu.memory_space<semaphore_mem>> -> memref<!tpu.dma_semaphore, #tpu.memory_space<semaphore_mem>>
        %dma_wait3A_821 = arith.constant 0 : i32
        %dma_wait3A_822 = tpu.memref_slice %arg5[%add3A_810, %dma_wait3A_821] : memref<819200x64xf32, #tpu.memory_space<hbm>> -> memref<400x64xf32, #tpu.memory_space<hbm>>
        %dma_wait3A_823 = arith.constant 0 : i32
        %dma_wait3A_824 = arith.constant 0 : i32
        %dma_wait3A_825 = tpu.memref_slice %arg7[%dma_wait3A_811, %dma_wait3A_823, %dma_wait3A_824] : memref<4x400x64xf32, #tpu.memory_space<vmem>> -> memref<1x400x64xf32, #tpu.memory_space<vmem>>
        %dma_wait3A_826 = tpu.memref_squeeze %dma_wait3A_825 : memref<1x400x64xf32, #tpu.memory_space<vmem>> -> memref<400x64xf32, #tpu.memory_space<vmem>>
        tpu.wait_dma2 semaphore(%dma_wait3A_820 : memref<!tpu.dma_semaphore, #tpu.memory_space<semaphore_mem>>) src(%dma_wait3A_826 : memref<400x64xf32, #tpu.memory_space<vmem>>) dst(%dma_wait3A_822 : memref<400x64xf32, #tpu.memory_space<hbm>>)
      } else {
      }
      %add3A_371 = arith.constant 4 : i32
      %add3A_372 = arith.addi %add3A_368, %add3A_371 : i32
      %sub3A = arith.constant 1 : i32
      %sub3A_373 = arith.subi %add3A_372, %sub3A : i32
      %lt3A = arith.constant 64 : i32
      %lt3A_374 = arith.cmpi slt, %sub3A_373, %lt3A : i32
      %convert_element_type3A_375 = arith.extui %lt3A_374 : i1 to i32
      %cond3A_376 = arith.constant 0 : i32
      %cond3A_377 = arith.cmpi ne, %convert_element_type3A_375, %cond3A_376 : i32
      scf.if %cond3A_377 {
        %dma_wait3A_806 = arith.constant 0 : i32
        %dma_wait3A_807 = arith.constant 3 : i32
        %dma_wait3A_808 = arith.constant 3 : i32
        %dma_wait3A_809 = arith.constant 0 : i32
        %dma_wait3A_810 = arith.constant 0 : i32
        %dma_wait3A_811 = tpu.memref_slice %arg6[%dma_wait3A_807, %dma_wait3A_809, %dma_wait3A_810] : memref<4x4x100xi32, #tpu.memory_space<vmem>> -> memref<1x4x100xi32, #tpu.memory_space<vmem>>
        %dma_wait3A_812 = tpu.memref_squeeze %dma_wait3A_811 : memref<1x4x100xi32, #tpu.memory_space<vmem>> -> memref<4x100xi32, #tpu.memory_space<vmem>>
        %dma_wait3A_813 = arith.constant 0 : i32
        %dma_wait3A_814 = arith.constant 0 : i32
        %dma_wait3A_815 = tpu.memref_slice %arg2[%add3A, %dma_wait3A_806, %dma_wait3A_813, %dma_wait3A_814] : memref<32x64x4x100xi32, #tpu.memory_space<hbm>> -> memref<1x1x4x100xi32, #tpu.memory_space<hbm>>
        %dma_wait3A_816 = tpu.memref_squeeze %dma_wait3A_815 : memref<1x1x4x100xi32, #tpu.memory_space<hbm>> -> memref<4x100xi32, #tpu.memory_space<hbm>>
        %dma_wait3A_817 = tpu.memref_slice %arg11[%dma_wait3A_808] : memref<4x!tpu.dma_semaphore, #tpu.memory_space<semaphore_mem>> -> memref<1x!tpu.dma_semaphore, #tpu.memory_space<semaphore_mem>>
        %dma_wait3A_818 = tpu.memref_squeeze %dma_wait3A_817 : memref<1x!tpu.dma_semaphore, #tpu.memory_space<semaphore_mem>> -> memref<!tpu.dma_semaphore, #tpu.memory_space<semaphore_mem>>
        %dma_wait3A_819 = arith.constant 0 : i32
        %dma_wait3A_820 = arith.constant 0 : i32
        %dma_wait3A_821 = tpu.memref_slice %arg6[%dma_wait3A_807, %dma_wait3A_819, %dma_wait3A_820] : memref<4x4x100xi32, #tpu.memory_space<vmem>> -> memref<1x4x100xi32, #tpu.memory_space<vmem>>
        %dma_wait3A_822 = tpu.memref_squeeze %dma_wait3A_821 : memref<1x4x100xi32, #tpu.memory_space<vmem>> -> memref<4x100xi32, #tpu.memory_space<vmem>>
        %dma_wait3A_823 = arith.constant 0 : i32
        %dma_wait3A_824 = arith.constant 0 : i32
        %dma_wait3A_825 = tpu.memref_slice %arg2[%add3A, %dma_wait3A_806, %dma_wait3A_823, %dma_wait3A_824] : memref<32x64x4x100xi32, #tpu.memory_space<hbm>> -> memref<1x1x4x100xi32, #tpu.memory_space<hbm>>
        %dma_wait3A_826 = tpu.memref_squeeze %dma_wait3A_825 : memref<1x1x4x100xi32, #tpu.memory_space<hbm>> -> memref<4x100xi32, #tpu.memory_space<hbm>>
        tpu.wait_dma2 semaphore(%dma_wait3A_818 : memref<!tpu.dma_semaphore, #tpu.memory_space<semaphore_mem>>) src(%dma_wait3A_826 : memref<4x100xi32, #tpu.memory_space<hbm>>) dst(%dma_wait3A_822 : memref<4x100xi32, #tpu.memory_space<vmem>>)
        %add3A_827 = arith.constant 4 : i32
        %add3A_828 = arith.addi %add3A_368, %add3A_827 : i32
        %sub3A_829 = arith.constant 1 : i32
        %sub3A_830 = arith.subi %add3A_828, %sub3A_829 : i32
        %dma_start3A_831 = arith.constant 3 : i32
        %dma_start3A_832 = arith.constant 0 : i32
        %dma_start3A_833 = arith.constant 3 : i32
        %dma_start3A_834 = arith.constant 3 : i32
        %dma_start3A_835 = arith.constant 0 : i32
        %dma_start3A_836 = arith.constant 0 : i32
        %dma_start3A_837 = tpu.memref_slice %arg7[%dma_start3A_833, %dma_start3A_835, %dma_start3A_836] : memref<4x400x64xf32, #tpu.memory_space<vmem>> -> memref<1x100x64xf32, #tpu.memory_space<vmem>>
        %dma_start3A_838 = tpu.memref_squeeze %dma_start3A_837 : memref<1x100x64xf32, #tpu.memory_space<vmem>> -> memref<100x64xf32, #tpu.memory_space<vmem>>
        %dma_start3A_839 = arith.constant 0 : i32
        %dma_start3A_840 = tpu.memref_slice %arg6[%dma_start3A_831, %dma_start3A_832, %dma_start3A_839] : memref<4x4x100xi32, #tpu.memory_space<vmem>> -> memref<1x1x100xi32, #tpu.memory_space<vmem>>
        %dma_start3A_841 = tpu.memref_squeeze %dma_start3A_840 : memref<1x1x100xi32, #tpu.memory_space<vmem>> -> memref<100xi32, #tpu.memory_space<vmem>>
        %dma_start3A_842 = arith.constant 0 : i32
        %dma_start3A_843 = arith.constant 0 : i32
        %dma_start3A_844 = tpu.memref_slice %arg3[%dma_start3A_842, %dma_start3A_843] : memref<1000000x64xf32, #tpu.memory_space<hbm>> -> memref<1000000x64xf32, #tpu.memory_space<hbm>>
        %dma_start3A_845 = tpu.memref_slice %arg9[%dma_start3A_834] : memref<4x!tpu.dma_semaphore, #tpu.memory_space<semaphore_mem>> -> memref<1x!tpu.dma_semaphore, #tpu.memory_space<semaphore_mem>>
        %dma_start3A_846 = tpu.memref_squeeze %dma_start3A_845 : memref<1x!tpu.dma_semaphore, #tpu.memory_space<semaphore_mem>> -> memref<!tpu.dma_semaphore, #tpu.memory_space<semaphore_mem>>
        tpu.enqueue_indirect_dma source(%dma_start3A_844 : memref<1000000x64xf32, #tpu.memory_space<hbm>>) target(%dma_start3A_838 : memref<100x64xf32, #tpu.memory_space<vmem>>) offsets(%dma_start3A_841 : memref<100xi32, #tpu.memory_space<vmem>>) semaphore(%dma_start3A_846 : memref<!tpu.dma_semaphore, #tpu.memory_space<semaphore_mem>>)
        %dma_start3A_847 = arith.constant 3 : i32
        %dma_start3A_848 = arith.constant 1 : i32
        %dma_start3A_849 = arith.constant 3 : i32
        %dma_start3A_850 = arith.constant 3 : i32
        %dma_start3A_851 = arith.constant 100 : i32
        %dma_start3A_852 = arith.constant 0 : i32
        %dma_start3A_853 = tpu.memref_slice %arg7[%dma_start3A_849, %dma_start3A_851, %dma_start3A_852] : memref<4x400x64xf32, #tpu.memory_space<vmem>> -> memref<1x100x64xf32, #tpu.memory_space<vmem>>
        %dma_start3A_854 = tpu.memref_squeeze %dma_start3A_853 : memref<1x100x64xf32, #tpu.memory_space<vmem>> -> memref<100x64xf32, #tpu.memory_space<vmem>>
        %dma_start3A_855 = arith.constant 0 : i32
        %dma_start3A_856 = tpu.memref_slice %arg6[%dma_start3A_847, %dma_start3A_848, %dma_start3A_855] : memref<4x4x100xi32, #tpu.memory_space<vmem>> -> memref<1x1x100xi32, #tpu.memory_space<vmem>>
        %dma_start3A_857 = tpu.memref_squeeze %dma_start3A_856 : memref<1x1x100xi32, #tpu.memory_space<vmem>> -> memref<100xi32, #tpu.memory_space<vmem>>
        %dma_start3A_858 = arith.constant 0 : i32
        %dma_start3A_859 = arith.constant 0 : i32
        %dma_start3A_860 = tpu.memref_slice %arg3[%dma_start3A_858, %dma_start3A_859] : memref<1000000x64xf32, #tpu.memory_space<hbm>> -> memref<1000000x64xf32, #tpu.memory_space<hbm>>
        %dma_start3A_861 = tpu.memref_slice %arg9[%dma_start3A_850] : memref<4x!tpu.dma_semaphore, #tpu.memory_space<semaphore_mem>> -> memref<1x!tpu.dma_semaphore, #tpu.memory_space<semaphore_mem>>
        %dma_start3A_862 = tpu.memref_squeeze %dma_start3A_861 : memref<1x!tpu.dma_semaphore, #tpu.memory_space<semaphore_mem>> -> memref<!tpu.dma_semaphore, #tpu.memory_space<semaphore_mem>>
        tpu.enqueue_indirect_dma source(%dma_start3A_860 : memref<1000000x64xf32, #tpu.memory_space<hbm>>) target(%dma_start3A_854 : memref<100x64xf32, #tpu.memory_space<vmem>>) offsets(%dma_start3A_857 : memref<100xi32, #tpu.memory_space<vmem>>) semaphore(%dma_start3A_862 : memref<!tpu.dma_semaphore, #tpu.memory_space<semaphore_mem>>)
        %dma_start3A_863 = arith.constant 3 : i32
        %dma_start3A_864 = arith.constant 2 : i32
        %dma_start3A_865 = arith.constant 3 : i32
        %dma_start3A_866 = arith.constant 3 : i32
        %dma_start3A_867 = arith.constant 200 : i32
        %dma_start3A_868 = arith.constant 0 : i32
        %dma_start3A_869 = tpu.memref_slice %arg7[%dma_start3A_865, %dma_start3A_867, %dma_start3A_868] : memref<4x400x64xf32, #tpu.memory_space<vmem>> -> memref<1x100x64xf32, #tpu.memory_space<vmem>>
        %dma_start3A_870 = tpu.memref_squeeze %dma_start3A_869 : memref<1x100x64xf32, #tpu.memory_space<vmem>> -> memref<100x64xf32, #tpu.memory_space<vmem>>
        %dma_start3A_871 = arith.constant 0 : i32
        %dma_start3A_872 = tpu.memref_slice %arg6[%dma_start3A_863, %dma_start3A_864, %dma_start3A_871] : memref<4x4x100xi32, #tpu.memory_space<vmem>> -> memref<1x1x100xi32, #tpu.memory_space<vmem>>
        %dma_start3A_873 = tpu.memref_squeeze %dma_start3A_872 : memref<1x1x100xi32, #tpu.memory_space<vmem>> -> memref<100xi32, #tpu.memory_space<vmem>>
        %dma_start3A_874 = arith.constant 0 : i32
        %dma_start3A_875 = arith.constant 0 : i32
        %dma_start3A_876 = tpu.memref_slice %arg3[%dma_start3A_874, %dma_start3A_875] : memref<1000000x64xf32, #tpu.memory_space<hbm>> -> memref<1000000x64xf32, #tpu.memory_space<hbm>>
        %dma_start3A_877 = tpu.memref_slice %arg9[%dma_start3A_866] : memref<4x!tpu.dma_semaphore, #tpu.memory_space<semaphore_mem>> -> memref<1x!tpu.dma_semaphore, #tpu.memory_space<semaphore_mem>>
        %dma_start3A_878 = tpu.memref_squeeze %dma_start3A_877 : memref<1x!tpu.dma_semaphore, #tpu.memory_space<semaphore_mem>> -> memref<!tpu.dma_semaphore, #tpu.memory_space<semaphore_mem>>
        tpu.enqueue_indirect_dma source(%dma_start3A_876 : memref<1000000x64xf32, #tpu.memory_space<hbm>>) target(%dma_start3A_870 : memref<100x64xf32, #tpu.memory_space<vmem>>) offsets(%dma_start3A_873 : memref<100xi32, #tpu.memory_space<vmem>>) semaphore(%dma_start3A_878 : memref<!tpu.dma_semaphore, #tpu.memory_space<semaphore_mem>>)
        %dma_start3A_879 = arith.constant 3 : i32
        %dma_start3A_880 = arith.constant 3 : i32
        %dma_start3A_881 = arith.constant 3 : i32
        %dma_start3A_882 = arith.constant 3 : i32
        %dma_start3A_883 = arith.constant 300 : i32
        %dma_start3A_884 = arith.constant 0 : i32
        %dma_start3A_885 = tpu.memref_slice %arg7[%dma_start3A_881, %dma_start3A_883, %dma_start3A_884] : memref<4x400x64xf32, #tpu.memory_space<vmem>> -> memref<1x100x64xf32, #tpu.memory_space<vmem>>
        %dma_start3A_886 = tpu.memref_squeeze %dma_start3A_885 : memref<1x100x64xf32, #tpu.memory_space<vmem>> -> memref<100x64xf32, #tpu.memory_space<vmem>>
        %dma_start3A_887 = arith.constant 0 : i32
        %dma_start3A_888 = tpu.memref_slice %arg6[%dma_start3A_879, %dma_start3A_880, %dma_start3A_887] : memref<4x4x100xi32, #tpu.memory_space<vmem>> -> memref<1x1x100xi32, #tpu.memory_space<vmem>>
        %dma_start3A_889 = tpu.memref_squeeze %dma_start3A_888 : memref<1x1x100xi32, #tpu.memory_space<vmem>> -> memref<100xi32, #tpu.memory_space<vmem>>
        %dma_start3A_890 = arith.constant 0 : i32
        %dma_start3A_891 = arith.constant 0 : i32
        %dma_start3A_892 = tpu.memref_slice %arg3[%dma_start3A_890, %dma_start3A_891] : memref<1000000x64xf32, #tpu.memory_space<hbm>> -> memref<1000000x64xf32, #tpu.memory_space<hbm>>
        %dma_start3A_893 = tpu.memref_slice %arg9[%dma_start3A_882] : memref<4x!tpu.dma_semaphore, #tpu.memory_space<semaphore_mem>> -> memref<1x!tpu.dma_semaphore, #tpu.memory_space<semaphore_mem>>
        %dma_start3A_894 = tpu.memref_squeeze %dma_start3A_893 : memref<1x!tpu.dma_semaphore, #tpu.memory_space<semaphore_mem>> -> memref<!tpu.dma_semaphore, #tpu.memory_space<semaphore_mem>>
        tpu.enqueue_indirect_dma source(%dma_start3A_892 : memref<1000000x64xf32, #tpu.memory_space<hbm>>) target(%dma_start3A_886 : memref<100x64xf32, #tpu.memory_space<vmem>>) offsets(%dma_start3A_889 : memref<100xi32, #tpu.memory_space<vmem>>) semaphore(%dma_start3A_894 : memref<!tpu.dma_semaphore, #tpu.memory_space<semaphore_mem>>)
      } else {
      }
      %dma_wait3A_378 = arith.constant 0 : i32
      %dma_wait3A_379 = arith.constant 0 : i32
      %dma_wait3A_380 = arith.constant 0 : i32
      %dma_wait3A_381 = arith.constant 0 : i32
      %dma_wait3A_382 = arith.constant 0 : i32
      %dma_wait3A_383 = arith.constant 0 : i32
      %dma_wait3A_384 = tpu.memref_slice %arg7[%dma_wait3A_380, %dma_wait3A_382, %dma_wait3A_383] : memref<4x400x64xf32, #tpu.memory_space<vmem>> -> memref<1x100x64xf32, #tpu.memory_space<vmem>>
      %dma_wait3A_385 = tpu.memref_squeeze %dma_wait3A_384 : memref<1x100x64xf32, #tpu.memory_space<vmem>> -> memref<100x64xf32, #tpu.memory_space<vmem>>
      %dma_wait3A_386 = arith.constant 0 : i32
      %dma_wait3A_387 = tpu.memref_slice %arg6[%dma_wait3A_378, %dma_wait3A_379, %dma_wait3A_386] : memref<4x4x100xi32, #tpu.memory_space<vmem>> -> memref<1x1x100xi32, #tpu.memory_space<vmem>>
      %dma_wait3A_388 = tpu.memref_squeeze %dma_wait3A_387 : memref<1x1x100xi32, #tpu.memory_space<vmem>> -> memref<100xi32, #tpu.memory_space<vmem>>
      %dma_wait3A_389 = arith.constant 0 : i32
      %dma_wait3A_390 = arith.constant 0 : i32
      %dma_wait3A_391 = tpu.memref_slice %arg3[%dma_wait3A_389, %dma_wait3A_390] : memref<1000000x64xf32, #tpu.memory_space<hbm>> -> memref<1000000x64xf32, #tpu.memory_space<hbm>>
      %dma_wait3A_392 = tpu.memref_slice %arg9[%dma_wait3A_381] : memref<4x!tpu.dma_semaphore, #tpu.memory_space<semaphore_mem>> -> memref<1x!tpu.dma_semaphore, #tpu.memory_space<semaphore_mem>>
      %dma_wait3A_393 = tpu.memref_squeeze %dma_wait3A_392 : memref<1x!tpu.dma_semaphore, #tpu.memory_space<semaphore_mem>> -> memref<!tpu.dma_semaphore, #tpu.memory_space<semaphore_mem>>
      tpu.wait_indirect_dma semaphore(%dma_wait3A_393 : memref<!tpu.dma_semaphore, #tpu.memory_space<semaphore_mem>>) src(%dma_wait3A_391 : memref<1000000x64xf32, #tpu.memory_space<hbm>>) dst(%dma_wait3A_385 : memref<100x64xf32, #tpu.memory_space<vmem>>)
      %dma_wait3A_394 = arith.constant 0 : i32
      %dma_wait3A_395 = arith.constant 1 : i32
      %dma_wait3A_396 = arith.constant 0 : i32
      %dma_wait3A_397 = arith.constant 0 : i32
      %dma_wait3A_398 = arith.constant 100 : i32
      %dma_wait3A_399 = arith.constant 0 : i32
      %dma_wait3A_400 = tpu.memref_slice %arg7[%dma_wait3A_396, %dma_wait3A_398, %dma_wait3A_399] : memref<4x400x64xf32, #tpu.memory_space<vmem>> -> memref<1x100x64xf32, #tpu.memory_space<vmem>>
      %dma_wait3A_401 = tpu.memref_squeeze %dma_wait3A_400 : memref<1x100x64xf32, #tpu.memory_space<vmem>> -> memref<100x64xf32, #tpu.memory_space<vmem>>
      %dma_wait3A_402 = arith.constant 0 : i32
      %dma_wait3A_403 = tpu.memref_slice %arg6[%dma_wait3A_394, %dma_wait3A_395, %dma_wait3A_402] : memref<4x4x100xi32, #tpu.memory_space<vmem>> -> memref<1x1x100xi32, #tpu.memory_space<vmem>>
      %dma_wait3A_404 = tpu.memref_squeeze %dma_wait3A_403 : memref<1x1x100xi32, #tpu.memory_space<vmem>> -> memref<100xi32, #tpu.memory_space<vmem>>
      %dma_wait3A_405 = arith.constant 0 : i32
      %dma_wait3A_406 = arith.constant 0 : i32
      %dma_wait3A_407 = tpu.memref_slice %arg3[%dma_wait3A_405, %dma_wait3A_406] : memref<1000000x64xf32, #tpu.memory_space<hbm>> -> memref<1000000x64xf32, #tpu.memory_space<hbm>>
      %dma_wait3A_408 = tpu.memref_slice %arg9[%dma_wait3A_397] : memref<4x!tpu.dma_semaphore, #tpu.memory_space<semaphore_mem>> -> memref<1x!tpu.dma_semaphore, #tpu.memory_space<semaphore_mem>>
      %dma_wait3A_409 = tpu.memref_squeeze %dma_wait3A_408 : memref<1x!tpu.dma_semaphore, #tpu.memory_space<semaphore_mem>> -> memref<!tpu.dma_semaphore, #tpu.memory_space<semaphore_mem>>
      tpu.wait_indirect_dma semaphore(%dma_wait3A_409 : memref<!tpu.dma_semaphore, #tpu.memory_space<semaphore_mem>>) src(%dma_wait3A_407 : memref<1000000x64xf32, #tpu.memory_space<hbm>>) dst(%dma_wait3A_401 : memref<100x64xf32, #tpu.memory_space<vmem>>)
      %dma_wait3A_410 = arith.constant 0 : i32
      %dma_wait3A_411 = arith.constant 2 : i32
      %dma_wait3A_412 = arith.constant 0 : i32
      %dma_wait3A_413 = arith.constant 0 : i32
      %dma_wait3A_414 = arith.constant 200 : i32
      %dma_wait3A_415 = arith.constant 0 : i32
      %dma_wait3A_416 = tpu.memref_slice %arg7[%dma_wait3A_412, %dma_wait3A_414, %dma_wait3A_415] : memref<4x400x64xf32, #tpu.memory_space<vmem>> -> memref<1x100x64xf32, #tpu.memory_space<vmem>>
      %dma_wait3A_417 = tpu.memref_squeeze %dma_wait3A_416 : memref<1x100x64xf32, #tpu.memory_space<vmem>> -> memref<100x64xf32, #tpu.memory_space<vmem>>
      %dma_wait3A_418 = arith.constant 0 : i32
      %dma_wait3A_419 = tpu.memref_slice %arg6[%dma_wait3A_410, %dma_wait3A_411, %dma_wait3A_418] : memref<4x4x100xi32, #tpu.memory_space<vmem>> -> memref<1x1x100xi32, #tpu.memory_space<vmem>>
      %dma_wait3A_420 = tpu.memref_squeeze %dma_wait3A_419 : memref<1x1x100xi32, #tpu.memory_space<vmem>> -> memref<100xi32, #tpu.memory_space<vmem>>
      %dma_wait3A_421 = arith.constant 0 : i32
      %dma_wait3A_422 = arith.constant 0 : i32
      %dma_wait3A_423 = tpu.memref_slice %arg3[%dma_wait3A_421, %dma_wait3A_422] : memref<1000000x64xf32, #tpu.memory_space<hbm>> -> memref<1000000x64xf32, #tpu.memory_space<hbm>>
      %dma_wait3A_424 = tpu.memref_slice %arg9[%dma_wait3A_413] : memref<4x!tpu.dma_semaphore, #tpu.memory_space<semaphore_mem>> -> memref<1x!tpu.dma_semaphore, #tpu.memory_space<semaphore_mem>>
      %dma_wait3A_425 = tpu.memref_squeeze %dma_wait3A_424 : memref<1x!tpu.dma_semaphore, #tpu.memory_space<semaphore_mem>> -> memref<!tpu.dma_semaphore, #tpu.memory_space<semaphore_mem>>
      tpu.wait_indirect_dma semaphore(%dma_wait3A_425 : memref<!tpu.dma_semaphore, #tpu.memory_space<semaphore_mem>>) src(%dma_wait3A_423 : memref<1000000x64xf32, #tpu.memory_space<hbm>>) dst(%dma_wait3A_417 : memref<100x64xf32, #tpu.memory_space<vmem>>)
      %dma_wait3A_426 = arith.constant 0 : i32
      %dma_wait3A_427 = arith.constant 3 : i32
      %dma_wait3A_428 = arith.constant 0 : i32
      %dma_wait3A_429 = arith.constant 0 : i32
      %dma_wait3A_430 = arith.constant 300 : i32
      %dma_wait3A_431 = arith.constant 0 : i32
      %dma_wait3A_432 = tpu.memref_slice %arg7[%dma_wait3A_428, %dma_wait3A_430, %dma_wait3A_431] : memref<4x400x64xf32, #tpu.memory_space<vmem>> -> memref<1x100x64xf32, #tpu.memory_space<vmem>>
      %dma_wait3A_433 = tpu.memref_squeeze %dma_wait3A_432 : memref<1x100x64xf32, #tpu.memory_space<vmem>> -> memref<100x64xf32, #tpu.memory_space<vmem>>
      %dma_wait3A_434 = arith.constant 0 : i32
      %dma_wait3A_435 = tpu.memref_slice %arg6[%dma_wait3A_426, %dma_wait3A_427, %dma_wait3A_434] : memref<4x4x100xi32, #tpu.memory_space<vmem>> -> memref<1x1x100xi32, #tpu.memory_space<vmem>>
      %dma_wait3A_436 = tpu.memref_squeeze %dma_wait3A_435 : memref<1x1x100xi32, #tpu.memory_space<vmem>> -> memref<100xi32, #tpu.memory_space<vmem>>
      %dma_wait3A_437 = arith.constant 0 : i32
      %dma_wait3A_438 = arith.constant 0 : i32
      %dma_wait3A_439 = tpu.memref_slice %arg3[%dma_wait3A_437, %dma_wait3A_438] : memref<1000000x64xf32, #tpu.memory_space<hbm>> -> memref<1000000x64xf32, #tpu.memory_space<hbm>>
      %dma_wait3A_440 = tpu.memref_slice %arg9[%dma_wait3A_429] : memref<4x!tpu.dma_semaphore, #tpu.memory_space<semaphore_mem>> -> memref<1x!tpu.dma_semaphore, #tpu.memory_space<semaphore_mem>>
      %dma_wait3A_441 = tpu.memref_squeeze %dma_wait3A_440 : memref<1x!tpu.dma_semaphore, #tpu.memory_space<semaphore_mem>> -> memref<!tpu.dma_semaphore, #tpu.memory_space<semaphore_mem>>
      tpu.wait_indirect_dma semaphore(%dma_wait3A_441 : memref<!tpu.dma_semaphore, #tpu.memory_space<semaphore_mem>>) src(%dma_wait3A_439 : memref<1000000x64xf32, #tpu.memory_space<hbm>>) dst(%dma_wait3A_433 : memref<100x64xf32, #tpu.memory_space<vmem>>)
      %add3A_442 = arith.constant 4 : i32
      %add3A_443 = arith.addi %add3A_368, %add3A_442 : i32
      %lt3A_444 = arith.constant 64 : i32
      %lt3A_445 = arith.cmpi slt, %add3A_443, %lt3A_444 : i32
      %convert_element_type3A_446 = arith.extui %lt3A_445 : i1 to i32
      %cond3A_447 = arith.constant 0 : i32
      %cond3A_448 = arith.cmpi ne, %convert_element_type3A_446, %cond3A_447 : i32
      scf.if %cond3A_448 {
        %add3A_806 = arith.constant 4 : i32
        %add3A_807 = arith.addi %add3A_368, %add3A_806 : i32
        %dma_start3A_808 = arith.constant 0 : i32
        %dma_start3A_809 = arith.constant 0 : i32
        %dma_start3A_810 = arith.constant 0 : i32
        %dma_start3A_811 = arith.constant 0 : i32
        %dma_start3A_812 = tpu.memref_slice %arg6[%dma_start3A_808, %dma_start3A_810, %dma_start3A_811] : memref<4x4x100xi32, #tpu.memory_space<vmem>> -> memref<1x4x100xi32, #tpu.memory_space<vmem>>
        %dma_start3A_813 = tpu.memref_squeeze %dma_start3A_812 : memref<1x4x100xi32, #tpu.memory_space<vmem>> -> memref<4x100xi32, #tpu.memory_space<vmem>>
        %dma_start3A_814 = arith.constant 0 : i32
        %dma_start3A_815 = arith.constant 0 : i32
        %dma_start3A_816 = tpu.memref_slice %arg2[%add3A, %add3A_807, %dma_start3A_814, %dma_start3A_815] : memref<32x64x4x100xi32, #tpu.memory_space<hbm>> -> memref<1x1x4x100xi32, #tpu.memory_space<hbm>>
        %dma_start3A_817 = tpu.memref_squeeze %dma_start3A_816 : memref<1x1x4x100xi32, #tpu.memory_space<hbm>> -> memref<4x100xi32, #tpu.memory_space<hbm>>
        %dma_start3A_818 = tpu.memref_slice %arg11[%dma_start3A_809] : memref<4x!tpu.dma_semaphore, #tpu.memory_space<semaphore_mem>> -> memref<1x!tpu.dma_semaphore, #tpu.memory_space<semaphore_mem>>
        %dma_start3A_819 = tpu.memref_squeeze %dma_start3A_818 : memref<1x!tpu.dma_semaphore, #tpu.memory_space<semaphore_mem>> -> memref<!tpu.dma_semaphore, #tpu.memory_space<semaphore_mem>>
        %dma_start3A_820 = arith.constant 0 : i32
        %dma_start3A_821 = arith.constant 0 : i32
        %dma_start3A_822 = tpu.memref_slice %arg6[%dma_start3A_808, %dma_start3A_820, %dma_start3A_821] : memref<4x4x100xi32, #tpu.memory_space<vmem>> -> memref<1x4x100xi32, #tpu.memory_space<vmem>>
        %dma_start3A_823 = tpu.memref_squeeze %dma_start3A_822 : memref<1x4x100xi32, #tpu.memory_space<vmem>> -> memref<4x100xi32, #tpu.memory_space<vmem>>
        %dma_start3A_824 = arith.constant 0 : i32
        %dma_start3A_825 = arith.constant 0 : i32
        %dma_start3A_826 = tpu.memref_slice %arg2[%add3A, %add3A_807, %dma_start3A_824, %dma_start3A_825] : memref<32x64x4x100xi32, #tpu.memory_space<hbm>> -> memref<1x1x4x100xi32, #tpu.memory_space<hbm>>
        %dma_start3A_827 = tpu.memref_squeeze %dma_start3A_826 : memref<1x1x4x100xi32, #tpu.memory_space<hbm>> -> memref<4x100xi32, #tpu.memory_space<hbm>>
        tpu.enqueue_dma source(%dma_start3A_827 : memref<4x100xi32, #tpu.memory_space<hbm>>) target(%dma_start3A_823 : memref<4x100xi32, #tpu.memory_space<vmem>>) target_semaphore(%dma_start3A_819 : memref<!tpu.dma_semaphore, #tpu.memory_space<semaphore_mem>>)
      } else {
      }
      %scan3A_449 = arith.constant 0 : i32
      %scan3A_450 = arith.constant 200 : i32
      %scan3A_451 = arith.addi %scan3A_449, %scan3A_450 : i32
      %scan3A_452 = arith.constant 1 : i32
      scf.for %scan3A_806 = %scan3A_449 to %scan3A_451 step %scan3A_452  : i32 {
        %mul3A_807 = arith.constant 1 : i32
        %mul3A_808 = arith.muli %scan3A_806, %mul3A_807 : i32
        %add3A_809 = arith.constant 0 : i32
        %add3A_810 = arith.addi %add3A_809, %mul3A_808 : i32
        %get3A = arith.index_cast %add3A_810 : i32 to index
        %get3A_811 = arith.constant 0 : index
        %get3A_812 = tpu.vector_load %arg8[%get3A, %get3A_811] {strides = array<i32>} : memref<200x64xf32, #tpu.memory_space<vmem>>, vector<1x16xf32>,
        %get3A_813 = vector.shape_cast %get3A_812 : vector<1x16xf32> to vector<16xf32>
        %add3A_814 = arith.constant 0 : i32
        %add3A_815 = arith.addi %add3A_814, %add3A_810 : i32
        %get3A_816 = arith.constant 0 : i32
        %get3A_817 = arith.index_cast %get3A_816 : i32 to index
        %get3A_818 = arith.index_cast %add3A_815 : i32 to index
        %get3A_819 = arith.constant 0 : index
        %get3A_820 = tpu.vector_load %arg7[%get3A_817, %get3A_818, %get3A_819] {strides = array<i32>} : memref<4x400x64xf32, #tpu.memory_space<vmem>>, vector<1x1x16xf32>,
        %get3A_821 = vector.shape_cast %get3A_820 : vector<1x1x16xf32> to vector<16xf32>
        %mul3A_822 = arith.constant 8.000000e+00 : f32
        %mul3A_823 = vector.broadcast %mul3A_822 : f32 to vector<16xf32>
        %mul3A_824 = arith.mulf %get3A_821, %mul3A_823 : vector<16xf32>
        %add3A_825 = arith.addf %mul3A_824, %get3A_813 : vector<16xf32>
        %swap3A = arith.constant 0 : i32
        %swap3A_826 = arith.index_cast %swap3A : i32 to index
        %swap3A_827 = arith.index_cast %add3A_815 : i32 to index
        %swap3A_828 = arith.constant 0 : index
        %swap3A_829 = tpu.vector_load %arg7[%swap3A_826, %swap3A_827, %swap3A_828] {strides = array<i32>} : memref<4x400x64xf32, #tpu.memory_space<vmem>>, vector<1x1x16xf32>,
        %swap3A_830 = vector.shape_cast %swap3A_829 : vector<1x1x16xf32> to vector<16xf32>
        %swap3A_831 = vector.shape_cast %add3A_825 : vector<16xf32> to vector<1x1x16xf32>
        tpu.vector_store %arg7[%swap3A_826, %swap3A_827, %swap3A_828], %swap3A_831 {strides = array<i32>} : memref<4x400x64xf32, #tpu.memory_space<vmem>>, vector<1x1x16xf32>,
        %add3A_832 = arith.constant 200 : i32
        %add3A_833 = arith.addi %add3A_832, %add3A_810 : i32
        %get3A_834 = arith.constant 0 : i32
        %get3A_835 = arith.index_cast %get3A_834 : i32 to index
        %get3A_836 = arith.index_cast %add3A_833 : i32 to index
        %get3A_837 = arith.constant 0 : index
        %get3A_838 = tpu.vector_load %arg7[%get3A_835, %get3A_836, %get3A_837] {strides = array<i32>} : memref<4x400x64xf32, #tpu.memory_space<vmem>>, vector<1x1x16xf32>,
        %get3A_839 = vector.shape_cast %get3A_838 : vector<1x1x16xf32> to vector<16xf32>
        %mul3A_840 = arith.constant 8.000000e+00 : f32
        %mul3A_841 = vector.broadcast %mul3A_840 : f32 to vector<16xf32>
        %mul3A_842 = arith.mulf %get3A_839, %mul3A_841 : vector<16xf32>
        %add3A_843 = arith.addf %mul3A_842, %get3A_813 : vector<16xf32>
        %swap3A_844 = arith.constant 0 : i32
        %swap3A_845 = arith.index_cast %swap3A_844 : i32 to index
        %swap3A_846 = arith.index_cast %add3A_833 : i32 to index
        %swap3A_847 = arith.constant 0 : index
        %swap3A_848 = tpu.vector_load %arg7[%swap3A_845, %swap3A_846, %swap3A_847] {strides = array<i32>} : memref<4x400x64xf32, #tpu.memory_space<vmem>>, vector<1x1x16xf32>,
        %swap3A_849 = vector.shape_cast %swap3A_848 : vector<1x1x16xf32> to vector<16xf32>
        %swap3A_850 = vector.shape_cast %add3A_843 : vector<16xf32> to vector<1x1x16xf32>
        tpu.vector_store %arg7[%swap3A_845, %swap3A_846, %swap3A_847], %swap3A_850 {strides = array<i32>} : memref<4x400x64xf32, #tpu.memory_space<vmem>>, vector<1x1x16xf32>,
        %get3A_851 = arith.index_cast %add3A_810 : i32 to index
        %get3A_852 = arith.constant 16 : index
        %get3A_853 = tpu.vector_load %arg8[%get3A_851, %get3A_852] {strides = array<i32>} : memref<200x64xf32, #tpu.memory_space<vmem>>, vector<1x16xf32>,
        %get3A_854 = vector.shape_cast %get3A_853 : vector<1x16xf32> to vector<16xf32>
        %add3A_855 = arith.constant 0 : i32
        %add3A_856 = arith.addi %add3A_855, %add3A_810 : i32
        %get3A_857 = arith.constant 0 : i32
        %get3A_858 = arith.index_cast %get3A_857 : i32 to index
        %get3A_859 = arith.index_cast %add3A_856 : i32 to index
        %get3A_860 = arith.constant 16 : index
        %get3A_861 = tpu.vector_load %arg7[%get3A_858, %get3A_859, %get3A_860] {strides = array<i32>} : memref<4x400x64xf32, #tpu.memory_space<vmem>>, vector<1x1x16xf32>,
        %get3A_862 = vector.shape_cast %get3A_861 : vector<1x1x16xf32> to vector<16xf32>
        %mul3A_863 = arith.constant 8.000000e+00 : f32
        %mul3A_864 = vector.broadcast %mul3A_863 : f32 to vector<16xf32>
        %mul3A_865 = arith.mulf %get3A_862, %mul3A_864 : vector<16xf32>
        %add3A_866 = arith.addf %mul3A_865, %get3A_854 : vector<16xf32>
        %swap3A_867 = arith.constant 0 : i32
        %swap3A_868 = arith.index_cast %swap3A_867 : i32 to index
        %swap3A_869 = arith.index_cast %add3A_856 : i32 to index
        %swap3A_870 = arith.constant 16 : index
        %swap3A_871 = tpu.vector_load %arg7[%swap3A_868, %swap3A_869, %swap3A_870] {strides = array<i32>} : memref<4x400x64xf32, #tpu.memory_space<vmem>>, vector<1x1x16xf32>,
        %swap3A_872 = vector.shape_cast %swap3A_871 : vector<1x1x16xf32> to vector<16xf32>
        %swap3A_873 = vector.shape_cast %add3A_866 : vector<16xf32> to vector<1x1x16xf32>
        tpu.vector_store %arg7[%swap3A_868, %swap3A_869, %swap3A_870], %swap3A_873 {strides = array<i32>} : memref<4x400x64xf32, #tpu.memory_space<vmem>>, vector<1x1x16xf32>,
        %add3A_874 = arith.constant 200 : i32
        %add3A_875 = arith.addi %add3A_874, %add3A_810 : i32
        %get3A_876 = arith.constant 0 : i32
        %get3A_877 = arith.index_cast %get3A_876 : i32 to index
        %get3A_878 = arith.index_cast %add3A_875 : i32 to index
        %get3A_879 = arith.constant 16 : index
        %get3A_880 = tpu.vector_load %arg7[%get3A_877, %get3A_878, %get3A_879] {strides = array<i32>} : memref<4x400x64xf32, #tpu.memory_space<vmem>>, vector<1x1x16xf32>,
        %get3A_881 = vector.shape_cast %get3A_880 : vector<1x1x16xf32> to vector<16xf32>
        %mul3A_882 = arith.constant 8.000000e+00 : f32
        %mul3A_883 = vector.broadcast %mul3A_882 : f32 to vector<16xf32>
        %mul3A_884 = arith.mulf %get3A_881, %mul3A_883 : vector<16xf32>
        %add3A_885 = arith.addf %mul3A_884, %get3A_854 : vector<16xf32>
        %swap3A_886 = arith.constant 0 : i32
        %swap3A_887 = arith.index_cast %swap3A_886 : i32 to index
        %swap3A_888 = arith.index_cast %add3A_875 : i32 to index
        %swap3A_889 = arith.constant 16 : index
        %swap3A_890 = tpu.vector_load %arg7[%swap3A_887, %swap3A_888, %swap3A_889] {strides = array<i32>} : memref<4x400x64xf32, #tpu.memory_space<vmem>>, vector<1x1x16xf32>,
        %swap3A_891 = vector.shape_cast %swap3A_890 : vector<1x1x16xf32> to vector<16xf32>
        %swap3A_892 = vector.shape_cast %add3A_885 : vector<16xf32> to vector<1x1x16xf32>
        tpu.vector_store %arg7[%swap3A_887, %swap3A_888, %swap3A_889], %swap3A_892 {strides = array<i32>} : memref<4x400x64xf32, #tpu.memory_space<vmem>>, vector<1x1x16xf32>,
        %get3A_893 = arith.index_cast %add3A_810 : i32 to index
        %get3A_894 = arith.constant 32 : index
        %get3A_895 = tpu.vector_load %arg8[%get3A_893, %get3A_894] {strides = array<i32>} : memref<200x64xf32, #tpu.memory_space<vmem>>, vector<1x16xf32>,
        %get3A_896 = vector.shape_cast %get3A_895 : vector<1x16xf32> to vector<16xf32>
        %add3A_897 = arith.constant 0 : i32
        %add3A_898 = arith.addi %add3A_897, %add3A_810 : i32
        %get3A_899 = arith.constant 0 : i32
        %get3A_900 = arith.index_cast %get3A_899 : i32 to index
        %get3A_901 = arith.index_cast %add3A_898 : i32 to index
        %get3A_902 = arith.constant 32 : index
        %get3A_903 = tpu.vector_load %arg7[%get3A_900, %get3A_901, %get3A_902] {strides = array<i32>} : memref<4x400x64xf32, #tpu.memory_space<vmem>>, vector<1x1x16xf32>,
        %get3A_904 = vector.shape_cast %get3A_903 : vector<1x1x16xf32> to vector<16xf32>
        %mul3A_905 = arith.constant 8.000000e+00 : f32
        %mul3A_906 = vector.broadcast %mul3A_905 : f32 to vector<16xf32>
        %mul3A_907 = arith.mulf %get3A_904, %mul3A_906 : vector<16xf32>
        %add3A_908 = arith.addf %mul3A_907, %get3A_896 : vector<16xf32>
        %swap3A_909 = arith.constant 0 : i32
        %swap3A_910 = arith.index_cast %swap3A_909 : i32 to index
        %swap3A_911 = arith.index_cast %add3A_898 : i32 to index
        %swap3A_912 = arith.constant 32 : index
        %swap3A_913 = tpu.vector_load %arg7[%swap3A_910, %swap3A_911, %swap3A_912] {strides = array<i32>} : memref<4x400x64xf32, #tpu.memory_space<vmem>>, vector<1x1x16xf32>,
        %swap3A_914 = vector.shape_cast %swap3A_913 : vector<1x1x16xf32> to vector<16xf32>
        %swap3A_915 = vector.shape_cast %add3A_908 : vector<16xf32> to vector<1x1x16xf32>
        tpu.vector_store %arg7[%swap3A_910, %swap3A_911, %swap3A_912], %swap3A_915 {strides = array<i32>} : memref<4x400x64xf32, #tpu.memory_space<vmem>>, vector<1x1x16xf32>,
        %add3A_916 = arith.constant 200 : i32
        %add3A_917 = arith.addi %add3A_916, %add3A_810 : i32
        %get3A_918 = arith.constant 0 : i32
        %get3A_919 = arith.index_cast %get3A_918 : i32 to index
        %get3A_920 = arith.index_cast %add3A_917 : i32 to index
        %get3A_921 = arith.constant 32 : index
        %get3A_922 = tpu.vector_load %arg7[%get3A_919, %get3A_920, %get3A_921] {strides = array<i32>} : memref<4x400x64xf32, #tpu.memory_space<vmem>>, vector<1x1x16xf32>,
        %get3A_923 = vector.shape_cast %get3A_922 : vector<1x1x16xf32> to vector<16xf32>
        %mul3A_924 = arith.constant 8.000000e+00 : f32
        %mul3A_925 = vector.broadcast %mul3A_924 : f32 to vector<16xf32>
        %mul3A_926 = arith.mulf %get3A_923, %mul3A_925 : vector<16xf32>
        %add3A_927 = arith.addf %mul3A_926, %get3A_896 : vector<16xf32>
        %swap3A_928 = arith.constant 0 : i32
        %swap3A_929 = arith.index_cast %swap3A_928 : i32 to index
        %swap3A_930 = arith.index_cast %add3A_917 : i32 to index
        %swap3A_931 = arith.constant 32 : index
        %swap3A_932 = tpu.vector_load %arg7[%swap3A_929, %swap3A_930, %swap3A_931] {strides = array<i32>} : memref<4x400x64xf32, #tpu.memory_space<vmem>>, vector<1x1x16xf32>,
        %swap3A_933 = vector.shape_cast %swap3A_932 : vector<1x1x16xf32> to vector<16xf32>
        %swap3A_934 = vector.shape_cast %add3A_927 : vector<16xf32> to vector<1x1x16xf32>
        tpu.vector_store %arg7[%swap3A_929, %swap3A_930, %swap3A_931], %swap3A_934 {strides = array<i32>} : memref<4x400x64xf32, #tpu.memory_space<vmem>>, vector<1x1x16xf32>,
        %get3A_935 = arith.index_cast %add3A_810 : i32 to index
        %get3A_936 = arith.constant 48 : index
        %get3A_937 = tpu.vector_load %arg8[%get3A_935, %get3A_936] {strides = array<i32>} : memref<200x64xf32, #tpu.memory_space<vmem>>, vector<1x16xf32>,
        %get3A_938 = vector.shape_cast %get3A_937 : vector<1x16xf32> to vector<16xf32>
        %add3A_939 = arith.constant 0 : i32
        %add3A_940 = arith.addi %add3A_939, %add3A_810 : i32
        %get3A_941 = arith.constant 0 : i32
        %get3A_942 = arith.index_cast %get3A_941 : i32 to index
        %get3A_943 = arith.index_cast %add3A_940 : i32 to index
        %get3A_944 = arith.constant 48 : index
        %get3A_945 = tpu.vector_load %arg7[%get3A_942, %get3A_943, %get3A_944] {strides = array<i32>} : memref<4x400x64xf32, #tpu.memory_space<vmem>>, vector<1x1x16xf32>,
        %get3A_946 = vector.shape_cast %get3A_945 : vector<1x1x16xf32> to vector<16xf32>
        %mul3A_947 = arith.constant 8.000000e+00 : f32
        %mul3A_948 = vector.broadcast %mul3A_947 : f32 to vector<16xf32>
        %mul3A_949 = arith.mulf %get3A_946, %mul3A_948 : vector<16xf32>
        %add3A_950 = arith.addf %mul3A_949, %get3A_938 : vector<16xf32>
        %swap3A_951 = arith.constant 0 : i32
        %swap3A_952 = arith.index_cast %swap3A_951 : i32 to index
        %swap3A_953 = arith.index_cast %add3A_940 : i32 to index
        %swap3A_954 = arith.constant 48 : index
        %swap3A_955 = tpu.vector_load %arg7[%swap3A_952, %swap3A_953, %swap3A_954] {strides = array<i32>} : memref<4x400x64xf32, #tpu.memory_space<vmem>>, vector<1x1x16xf32>,
        %swap3A_956 = vector.shape_cast %swap3A_955 : vector<1x1x16xf32> to vector<16xf32>
        %swap3A_957 = vector.shape_cast %add3A_950 : vector<16xf32> to vector<1x1x16xf32>
        tpu.vector_store %arg7[%swap3A_952, %swap3A_953, %swap3A_954], %swap3A_957 {strides = array<i32>} : memref<4x400x64xf32, #tpu.memory_space<vmem>>, vector<1x1x16xf32>,
        %add3A_958 = arith.constant 200 : i32
        %add3A_959 = arith.addi %add3A_958, %add3A_810 : i32
        %get3A_960 = arith.constant 0 : i32
        %get3A_961 = arith.index_cast %get3A_960 : i32 to index
        %get3A_962 = arith.index_cast %add3A_959 : i32 to index
        %get3A_963 = arith.constant 48 : index
        %get3A_964 = tpu.vector_load %arg7[%get3A_961, %get3A_962, %get3A_963] {strides = array<i32>} : memref<4x400x64xf32, #tpu.memory_space<vmem>>, vector<1x1x16xf32>,
        %get3A_965 = vector.shape_cast %get3A_964 : vector<1x1x16xf32> to vector<16xf32>
        %mul3A_966 = arith.constant 8.000000e+00 : f32
        %mul3A_967 = vector.broadcast %mul3A_966 : f32 to vector<16xf32>
        %mul3A_968 = arith.mulf %get3A_965, %mul3A_967 : vector<16xf32>
        %add3A_969 = arith.addf %mul3A_968, %get3A_938 : vector<16xf32>
        %swap3A_970 = arith.constant 0 : i32
        %swap3A_971 = arith.index_cast %swap3A_970 : i32 to index
        %swap3A_972 = arith.index_cast %add3A_959 : i32 to index
        %swap3A_973 = arith.constant 48 : index
        %swap3A_974 = tpu.vector_load %arg7[%swap3A_971, %swap3A_972, %swap3A_973] {strides = array<i32>} : memref<4x400x64xf32, #tpu.memory_space<vmem>>, vector<1x1x16xf32>,
        %swap3A_975 = vector.shape_cast %swap3A_974 : vector<1x1x16xf32> to vector<16xf32>
        %swap3A_976 = vector.shape_cast %add3A_969 : vector<16xf32> to vector<1x1x16xf32>
        tpu.vector_store %arg7[%swap3A_971, %swap3A_972, %swap3A_973], %swap3A_976 {strides = array<i32>} : memref<4x400x64xf32, #tpu.memory_space<vmem>>, vector<1x1x16xf32>,
      }
      %scan3A_453 = arith.constant 200 : i32
      %mul3A_454 = arith.constant 400 : i32
      %mul3A_455 = arith.muli %add3A_368, %mul3A_454 : i32
      %add3A_456 = arith.addi %mul3A_2, %mul3A_455 : i32
      %dma_start3A_457 = arith.constant 0 : i32
      %dma_start3A_458 = arith.constant 0 : i32
      %dma_start3A_459 = arith.constant 0 : i32
      %dma_start3A_460 = arith.constant 0 : i32
      %dma_start3A_461 = tpu.memref_slice %arg7[%dma_start3A_457, %dma_start3A_459, %dma_start3A_460] : memref<4x400x64xf32, #tpu.memory_space<vmem>> -> memref<1x400x64xf32, #tpu.memory_space<vmem>>
      %dma_start3A_462 = tpu.memref_squeeze %dma_start3A_461 : memref<1x400x64xf32, #tpu.memory_space<vmem>> -> memref<400x64xf32, #tpu.memory_space<vmem>>
      %dma_start3A_463 = arith.constant 0 : i32
      %dma_start3A_464 = tpu.memref_slice %arg5[%add3A_456, %dma_start3A_463] : memref<819200x64xf32, #tpu.memory_space<hbm>> -> memref<400x64xf32, #tpu.memory_space<hbm>>
      %dma_start3A_465 = tpu.memref_slice %arg10[%dma_start3A_458] : memref<4x!tpu.dma_semaphore, #tpu.memory_space<semaphore_mem>> -> memref<1x!tpu.dma_semaphore, #tpu.memory_space<semaphore_mem>>
      %dma_start3A_466 = tpu.memref_squeeze %dma_start3A_465 : memref<1x!tpu.dma_semaphore, #tpu.memory_space<semaphore_mem>> -> memref<!tpu.dma_semaphore, #tpu.memory_space<semaphore_mem>>
      %dma_start3A_467 = arith.constant 0 : i32
      %dma_start3A_468 = tpu.memref_slice %arg5[%add3A_456, %dma_start3A_467] : memref<819200x64xf32, #tpu.memory_space<hbm>> -> memref<400x64xf32, #tpu.memory_space<hbm>>
      %dma_start3A_469 = arith.constant 0 : i32
      %dma_start3A_470 = arith.constant 0 : i32
      %dma_start3A_471 = tpu.memref_slice %arg7[%dma_start3A_457, %dma_start3A_469, %dma_start3A_470] : memref<4x400x64xf32, #tpu.memory_space<vmem>> -> memref<1x400x64xf32, #tpu.memory_space<vmem>>
      %dma_start3A_472 = tpu.memref_squeeze %dma_start3A_471 : memref<1x400x64xf32, #tpu.memory_space<vmem>> -> memref<400x64xf32, #tpu.memory_space<vmem>>
      tpu.enqueue_dma source(%dma_start3A_472 : memref<400x64xf32, #tpu.memory_space<vmem>>) target(%dma_start3A_468 : memref<400x64xf32, #tpu.memory_space<hbm>>) target_semaphore(%dma_start3A_466 : memref<!tpu.dma_semaphore, #tpu.memory_space<semaphore_mem>>)
      %add3A_473 = arith.constant 1 : i32
      %add3A_474 = arith.addi %add3A_366, %add3A_473 : i32
      %gt3A_475 = arith.constant 0 : i32
      %gt3A_476 = arith.cmpi sgt, %add3A_474, %gt3A_475 : i32
      %convert_element_type3A_477 = arith.extui %gt3A_476 : i1 to i32
      %cond3A_478 = arith.constant 0 : i32
      %cond3A_479 = arith.cmpi ne, %convert_element_type3A_477, %cond3A_478 : i32
      scf.if %cond3A_479 {
        %sub3A_806 = arith.constant 1 : i32
        %sub3A_807 = arith.subi %add3A_474, %sub3A_806 : i32
        %mul3A_808 = arith.constant 400 : i32
        %mul3A_809 = arith.muli %sub3A_807, %mul3A_808 : i32
        %add3A_810 = arith.addi %mul3A_2, %mul3A_809 : i32
        %dma_wait3A_811 = arith.constant 0 : i32
        %dma_wait3A_812 = arith.constant 0 : i32
        %dma_wait3A_813 = arith.constant 0 : i32
        %dma_wait3A_814 = arith.constant 0 : i32
        %dma_wait3A_815 = tpu.memref_slice %arg7[%dma_wait3A_811, %dma_wait3A_813, %dma_wait3A_814] : memref<4x400x64xf32, #tpu.memory_space<vmem>> -> memref<1x400x64xf32, #tpu.memory_space<vmem>>
        %dma_wait3A_816 = tpu.memref_squeeze %dma_wait3A_815 : memref<1x400x64xf32, #tpu.memory_space<vmem>> -> memref<400x64xf32, #tpu.memory_space<vmem>>
        %dma_wait3A_817 = arith.constant 0 : i32
        %dma_wait3A_818 = tpu.memref_slice %arg5[%add3A_810, %dma_wait3A_817] : memref<819200x64xf32, #tpu.memory_space<hbm>> -> memref<400x64xf32, #tpu.memory_space<hbm>>
        %dma_wait3A_819 = tpu.memref_slice %arg10[%dma_wait3A_812] : memref<4x!tpu.dma_semaphore, #tpu.memory_space<semaphore_mem>> -> memref<1x!tpu.dma_semaphore, #tpu.memory_space<semaphore_mem>>
        %dma_wait3A_820 = tpu.memref_squeeze %dma_wait3A_819 : memref<1x!tpu.dma_semaphore, #tpu.memory_space<semaphore_mem>> -> memref<!tpu.dma_semaphore, #tpu.memory_space<semaphore_mem>>
        %dma_wait3A_821 = arith.constant 0 : i32
        %dma_wait3A_822 = tpu.memref_slice %arg5[%add3A_810, %dma_wait3A_821] : memref<819200x64xf32, #tpu.memory_space<hbm>> -> memref<400x64xf32, #tpu.memory_space<hbm>>
        %dma_wait3A_823 = arith.constant 0 : i32
        %dma_wait3A_824 = arith.constant 0 : i32
        %dma_wait3A_825 = tpu.memref_slice %arg7[%dma_wait3A_811, %dma_wait3A_823, %dma_wait3A_824] : memref<4x400x64xf32, #tpu.memory_space<vmem>> -> memref<1x400x64xf32, #tpu.memory_space<vmem>>
        %dma_wait3A_826 = tpu.memref_squeeze %dma_wait3A_825 : memref<1x400x64xf32, #tpu.memory_space<vmem>> -> memref<400x64xf32, #tpu.memory_space<vmem>>
        tpu.wait_dma2 semaphore(%dma_wait3A_820 : memref<!tpu.dma_semaphore, #tpu.memory_space<semaphore_mem>>) src(%dma_wait3A_826 : memref<400x64xf32, #tpu.memory_space<vmem>>) dst(%dma_wait3A_822 : memref<400x64xf32, #tpu.memory_space<hbm>>)
      } else {
      }
      %add3A_480 = arith.constant 4 : i32
      %add3A_481 = arith.addi %add3A_474, %add3A_480 : i32
      %sub3A_482 = arith.constant 1 : i32
      %sub3A_483 = arith.subi %add3A_481, %sub3A_482 : i32
      %lt3A_484 = arith.constant 64 : i32
      %lt3A_485 = arith.cmpi slt, %sub3A_483, %lt3A_484 : i32
      %convert_element_type3A_486 = arith.extui %lt3A_485 : i1 to i32
      %cond3A_487 = arith.constant 0 : i32
      %cond3A_488 = arith.cmpi ne, %convert_element_type3A_486, %cond3A_487 : i32
      scf.if %cond3A_488 {
        %dma_wait3A_806 = arith.constant 0 : i32
        %dma_wait3A_807 = arith.constant 0 : i32
        %dma_wait3A_808 = arith.constant 0 : i32
        %dma_wait3A_809 = arith.constant 0 : i32
        %dma_wait3A_810 = arith.constant 0 : i32
        %dma_wait3A_811 = tpu.memref_slice %arg6[%dma_wait3A_807, %dma_wait3A_809, %dma_wait3A_810] : memref<4x4x100xi32, #tpu.memory_space<vmem>> -> memref<1x4x100xi32, #tpu.memory_space<vmem>>
        %dma_wait3A_812 = tpu.memref_squeeze %dma_wait3A_811 : memref<1x4x100xi32, #tpu.memory_space<vmem>> -> memref<4x100xi32, #tpu.memory_space<vmem>>
        %dma_wait3A_813 = arith.constant 0 : i32
        %dma_wait3A_814 = arith.constant 0 : i32
        %dma_wait3A_815 = tpu.memref_slice %arg2[%add3A, %dma_wait3A_806, %dma_wait3A_813, %dma_wait3A_814] : memref<32x64x4x100xi32, #tpu.memory_space<hbm>> -> memref<1x1x4x100xi32, #tpu.memory_space<hbm>>
        %dma_wait3A_816 = tpu.memref_squeeze %dma_wait3A_815 : memref<1x1x4x100xi32, #tpu.memory_space<hbm>> -> memref<4x100xi32, #tpu.memory_space<hbm>>
        %dma_wait3A_817 = tpu.memref_slice %arg11[%dma_wait3A_808] : memref<4x!tpu.dma_semaphore, #tpu.memory_space<semaphore_mem>> -> memref<1x!tpu.dma_semaphore, #tpu.memory_space<semaphore_mem>>
        %dma_wait3A_818 = tpu.memref_squeeze %dma_wait3A_817 : memref<1x!tpu.dma_semaphore, #tpu.memory_space<semaphore_mem>> -> memref<!tpu.dma_semaphore, #tpu.memory_space<semaphore_mem>>
        %dma_wait3A_819 = arith.constant 0 : i32
        %dma_wait3A_820 = arith.constant 0 : i32
        %dma_wait3A_821 = tpu.memref_slice %arg6[%dma_wait3A_807, %dma_wait3A_819, %dma_wait3A_820] : memref<4x4x100xi32, #tpu.memory_space<vmem>> -> memref<1x4x100xi32, #tpu.memory_space<vmem>>
        %dma_wait3A_822 = tpu.memref_squeeze %dma_wait3A_821 : memref<1x4x100xi32, #tpu.memory_space<vmem>> -> memref<4x100xi32, #tpu.memory_space<vmem>>
        %dma_wait3A_823 = arith.constant 0 : i32
        %dma_wait3A_824 = arith.constant 0 : i32
        %dma_wait3A_825 = tpu.memref_slice %arg2[%add3A, %dma_wait3A_806, %dma_wait3A_823, %dma_wait3A_824] : memref<32x64x4x100xi32, #tpu.memory_space<hbm>> -> memref<1x1x4x100xi32, #tpu.memory_space<hbm>>
        %dma_wait3A_826 = tpu.memref_squeeze %dma_wait3A_825 : memref<1x1x4x100xi32, #tpu.memory_space<hbm>> -> memref<4x100xi32, #tpu.memory_space<hbm>>
        tpu.wait_dma2 semaphore(%dma_wait3A_818 : memref<!tpu.dma_semaphore, #tpu.memory_space<semaphore_mem>>) src(%dma_wait3A_826 : memref<4x100xi32, #tpu.memory_space<hbm>>) dst(%dma_wait3A_822 : memref<4x100xi32, #tpu.memory_space<vmem>>)
        %add3A_827 = arith.constant 4 : i32
        %add3A_828 = arith.addi %add3A_474, %add3A_827 : i32
        %sub3A_829 = arith.constant 1 : i32
        %sub3A_830 = arith.subi %add3A_828, %sub3A_829 : i32
        %dma_start3A_831 = arith.constant 0 : i32
        %dma_start3A_832 = arith.constant 0 : i32
        %dma_start3A_833 = arith.constant 0 : i32
        %dma_start3A_834 = arith.constant 0 : i32
        %dma_start3A_835 = arith.constant 0 : i32
        %dma_start3A_836 = arith.constant 0 : i32
        %dma_start3A_837 = tpu.memref_slice %arg7[%dma_start3A_833, %dma_start3A_835, %dma_start3A_836] : memref<4x400x64xf32, #tpu.memory_space<vmem>> -> memref<1x100x64xf32, #tpu.memory_space<vmem>>
        %dma_start3A_838 = tpu.memref_squeeze %dma_start3A_837 : memref<1x100x64xf32, #tpu.memory_space<vmem>> -> memref<100x64xf32, #tpu.memory_space<vmem>>
        %dma_start3A_839 = arith.constant 0 : i32
        %dma_start3A_840 = tpu.memref_slice %arg6[%dma_start3A_831, %dma_start3A_832, %dma_start3A_839] : memref<4x4x100xi32, #tpu.memory_space<vmem>> -> memref<1x1x100xi32, #tpu.memory_space<vmem>>
        %dma_start3A_841 = tpu.memref_squeeze %dma_start3A_840 : memref<1x1x100xi32, #tpu.memory_space<vmem>> -> memref<100xi32, #tpu.memory_space<vmem>>
        %dma_start3A_842 = arith.constant 0 : i32
        %dma_start3A_843 = arith.constant 0 : i32
        %dma_start3A_844 = tpu.memref_slice %arg3[%dma_start3A_842, %dma_start3A_843] : memref<1000000x64xf32, #tpu.memory_space<hbm>> -> memref<1000000x64xf32, #tpu.memory_space<hbm>>
        %dma_start3A_845 = tpu.memref_slice %arg9[%dma_start3A_834] : memref<4x!tpu.dma_semaphore, #tpu.memory_space<semaphore_mem>> -> memref<1x!tpu.dma_semaphore, #tpu.memory_space<semaphore_mem>>
        %dma_start3A_846 = tpu.memref_squeeze %dma_start3A_845 : memref<1x!tpu.dma_semaphore, #tpu.memory_space<semaphore_mem>> -> memref<!tpu.dma_semaphore, #tpu.memory_space<semaphore_mem>>
        tpu.enqueue_indirect_dma source(%dma_start3A_844 : memref<1000000x64xf32, #tpu.memory_space<hbm>>) target(%dma_start3A_838 : memref<100x64xf32, #tpu.memory_space<vmem>>) offsets(%dma_start3A_841 : memref<100xi32, #tpu.memory_space<vmem>>) semaphore(%dma_start3A_846 : memref<!tpu.dma_semaphore, #tpu.memory_space<semaphore_mem>>)
        %dma_start3A_847 = arith.constant 0 : i32
        %dma_start3A_848 = arith.constant 1 : i32
        %dma_start3A_849 = arith.constant 0 : i32
        %dma_start3A_850 = arith.constant 0 : i32
        %dma_start3A_851 = arith.constant 100 : i32
        %dma_start3A_852 = arith.constant 0 : i32
        %dma_start3A_853 = tpu.memref_slice %arg7[%dma_start3A_849, %dma_start3A_851, %dma_start3A_852] : memref<4x400x64xf32, #tpu.memory_space<vmem>> -> memref<1x100x64xf32, #tpu.memory_space<vmem>>
        %dma_start3A_854 = tpu.memref_squeeze %dma_start3A_853 : memref<1x100x64xf32, #tpu.memory_space<vmem>> -> memref<100x64xf32, #tpu.memory_space<vmem>>
        %dma_start3A_855 = arith.constant 0 : i32
        %dma_start3A_856 = tpu.memref_slice %arg6[%dma_start3A_847, %dma_start3A_848, %dma_start3A_855] : memref<4x4x100xi32, #tpu.memory_space<vmem>> -> memref<1x1x100xi32, #tpu.memory_space<vmem>>
        %dma_start3A_857 = tpu.memref_squeeze %dma_start3A_856 : memref<1x1x100xi32, #tpu.memory_space<vmem>> -> memref<100xi32, #tpu.memory_space<vmem>>
        %dma_start3A_858 = arith.constant 0 : i32
        %dma_start3A_859 = arith.constant 0 : i32
        %dma_start3A_860 = tpu.memref_slice %arg3[%dma_start3A_858, %dma_start3A_859] : memref<1000000x64xf32, #tpu.memory_space<hbm>> -> memref<1000000x64xf32, #tpu.memory_space<hbm>>
        %dma_start3A_861 = tpu.memref_slice %arg9[%dma_start3A_850] : memref<4x!tpu.dma_semaphore, #tpu.memory_space<semaphore_mem>> -> memref<1x!tpu.dma_semaphore, #tpu.memory_space<semaphore_mem>>
        %dma_start3A_862 = tpu.memref_squeeze %dma_start3A_861 : memref<1x!tpu.dma_semaphore, #tpu.memory_space<semaphore_mem>> -> memref<!tpu.dma_semaphore, #tpu.memory_space<semaphore_mem>>
        tpu.enqueue_indirect_dma source(%dma_start3A_860 : memref<1000000x64xf32, #tpu.memory_space<hbm>>) target(%dma_start3A_854 : memref<100x64xf32, #tpu.memory_space<vmem>>) offsets(%dma_start3A_857 : memref<100xi32, #tpu.memory_space<vmem>>) semaphore(%dma_start3A_862 : memref<!tpu.dma_semaphore, #tpu.memory_space<semaphore_mem>>)
        %dma_start3A_863 = arith.constant 0 : i32
        %dma_start3A_864 = arith.constant 2 : i32
        %dma_start3A_865 = arith.constant 0 : i32
        %dma_start3A_866 = arith.constant 0 : i32
        %dma_start3A_867 = arith.constant 200 : i32
        %dma_start3A_868 = arith.constant 0 : i32
        %dma_start3A_869 = tpu.memref_slice %arg7[%dma_start3A_865, %dma_start3A_867, %dma_start3A_868] : memref<4x400x64xf32, #tpu.memory_space<vmem>> -> memref<1x100x64xf32, #tpu.memory_space<vmem>>
        %dma_start3A_870 = tpu.memref_squeeze %dma_start3A_869 : memref<1x100x64xf32, #tpu.memory_space<vmem>> -> memref<100x64xf32, #tpu.memory_space<vmem>>
        %dma_start3A_871 = arith.constant 0 : i32
        %dma_start3A_872 = tpu.memref_slice %arg6[%dma_start3A_863, %dma_start3A_864, %dma_start3A_871] : memref<4x4x100xi32, #tpu.memory_space<vmem>> -> memref<1x1x100xi32, #tpu.memory_space<vmem>>
        %dma_start3A_873 = tpu.memref_squeeze %dma_start3A_872 : memref<1x1x100xi32, #tpu.memory_space<vmem>> -> memref<100xi32, #tpu.memory_space<vmem>>
        %dma_start3A_874 = arith.constant 0 : i32
        %dma_start3A_875 = arith.constant 0 : i32
        %dma_start3A_876 = tpu.memref_slice %arg3[%dma_start3A_874, %dma_start3A_875] : memref<1000000x64xf32, #tpu.memory_space<hbm>> -> memref<1000000x64xf32, #tpu.memory_space<hbm>>
        %dma_start3A_877 = tpu.memref_slice %arg9[%dma_start3A_866] : memref<4x!tpu.dma_semaphore, #tpu.memory_space<semaphore_mem>> -> memref<1x!tpu.dma_semaphore, #tpu.memory_space<semaphore_mem>>
        %dma_start3A_878 = tpu.memref_squeeze %dma_start3A_877 : memref<1x!tpu.dma_semaphore, #tpu.memory_space<semaphore_mem>> -> memref<!tpu.dma_semaphore, #tpu.memory_space<semaphore_mem>>
        tpu.enqueue_indirect_dma source(%dma_start3A_876 : memref<1000000x64xf32, #tpu.memory_space<hbm>>) target(%dma_start3A_870 : memref<100x64xf32, #tpu.memory_space<vmem>>) offsets(%dma_start3A_873 : memref<100xi32, #tpu.memory_space<vmem>>) semaphore(%dma_start3A_878 : memref<!tpu.dma_semaphore, #tpu.memory_space<semaphore_mem>>)
        %dma_start3A_879 = arith.constant 0 : i32
        %dma_start3A_880 = arith.constant 3 : i32
        %dma_start3A_881 = arith.constant 0 : i32
        %dma_start3A_882 = arith.constant 0 : i32
        %dma_start3A_883 = arith.constant 300 : i32
        %dma_start3A_884 = arith.constant 0 : i32
        %dma_start3A_885 = tpu.memref_slice %arg7[%dma_start3A_881, %dma_start3A_883, %dma_start3A_884] : memref<4x400x64xf32, #tpu.memory_space<vmem>> -> memref<1x100x64xf32, #tpu.memory_space<vmem>>
        %dma_start3A_886 = tpu.memref_squeeze %dma_start3A_885 : memref<1x100x64xf32, #tpu.memory_space<vmem>> -> memref<100x64xf32, #tpu.memory_space<vmem>>
        %dma_start3A_887 = arith.constant 0 : i32
        %dma_start3A_888 = tpu.memref_slice %arg6[%dma_start3A_879, %dma_start3A_880, %dma_start3A_887] : memref<4x4x100xi32, #tpu.memory_space<vmem>> -> memref<1x1x100xi32, #tpu.memory_space<vmem>>
        %dma_start3A_889 = tpu.memref_squeeze %dma_start3A_888 : memref<1x1x100xi32, #tpu.memory_space<vmem>> -> memref<100xi32, #tpu.memory_space<vmem>>
        %dma_start3A_890 = arith.constant 0 : i32
        %dma_start3A_891 = arith.constant 0 : i32
        %dma_start3A_892 = tpu.memref_slice %arg3[%dma_start3A_890, %dma_start3A_891] : memref<1000000x64xf32, #tpu.memory_space<hbm>> -> memref<1000000x64xf32, #tpu.memory_space<hbm>>
        %dma_start3A_893 = tpu.memref_slice %arg9[%dma_start3A_882] : memref<4x!tpu.dma_semaphore, #tpu.memory_space<semaphore_mem>> -> memref<1x!tpu.dma_semaphore, #tpu.memory_space<semaphore_mem>>
        %dma_start3A_894 = tpu.memref_squeeze %dma_start3A_893 : memref<1x!tpu.dma_semaphore, #tpu.memory_space<semaphore_mem>> -> memref<!tpu.dma_semaphore, #tpu.memory_space<semaphore_mem>>
        tpu.enqueue_indirect_dma source(%dma_start3A_892 : memref<1000000x64xf32, #tpu.memory_space<hbm>>) target(%dma_start3A_886 : memref<100x64xf32, #tpu.memory_space<vmem>>) offsets(%dma_start3A_889 : memref<100xi32, #tpu.memory_space<vmem>>) semaphore(%dma_start3A_894 : memref<!tpu.dma_semaphore, #tpu.memory_space<semaphore_mem>>)
      } else {
      }
      %dma_wait3A_489 = arith.constant 1 : i32
      %dma_wait3A_490 = arith.constant 0 : i32
      %dma_wait3A_491 = arith.constant 1 : i32
      %dma_wait3A_492 = arith.constant 1 : i32
      %dma_wait3A_493 = arith.constant 0 : i32
      %dma_wait3A_494 = arith.constant 0 : i32
      %dma_wait3A_495 = tpu.memref_slice %arg7[%dma_wait3A_491, %dma_wait3A_493, %dma_wait3A_494] : memref<4x400x64xf32, #tpu.memory_space<vmem>> -> memref<1x100x64xf32, #tpu.memory_space<vmem>>
      %dma_wait3A_496 = tpu.memref_squeeze %dma_wait3A_495 : memref<1x100x64xf32, #tpu.memory_space<vmem>> -> memref<100x64xf32, #tpu.memory_space<vmem>>
      %dma_wait3A_497 = arith.constant 0 : i32
      %dma_wait3A_498 = tpu.memref_slice %arg6[%dma_wait3A_489, %dma_wait3A_490, %dma_wait3A_497] : memref<4x4x100xi32, #tpu.memory_space<vmem>> -> memref<1x1x100xi32, #tpu.memory_space<vmem>>
      %dma_wait3A_499 = tpu.memref_squeeze %dma_wait3A_498 : memref<1x1x100xi32, #tpu.memory_space<vmem>> -> memref<100xi32, #tpu.memory_space<vmem>>
      %dma_wait3A_500 = arith.constant 0 : i32
      %dma_wait3A_501 = arith.constant 0 : i32
      %dma_wait3A_502 = tpu.memref_slice %arg3[%dma_wait3A_500, %dma_wait3A_501] : memref<1000000x64xf32, #tpu.memory_space<hbm>> -> memref<1000000x64xf32, #tpu.memory_space<hbm>>
      %dma_wait3A_503 = tpu.memref_slice %arg9[%dma_wait3A_492] : memref<4x!tpu.dma_semaphore, #tpu.memory_space<semaphore_mem>> -> memref<1x!tpu.dma_semaphore, #tpu.memory_space<semaphore_mem>>
      %dma_wait3A_504 = tpu.memref_squeeze %dma_wait3A_503 : memref<1x!tpu.dma_semaphore, #tpu.memory_space<semaphore_mem>> -> memref<!tpu.dma_semaphore, #tpu.memory_space<semaphore_mem>>
      tpu.wait_indirect_dma semaphore(%dma_wait3A_504 : memref<!tpu.dma_semaphore, #tpu.memory_space<semaphore_mem>>) src(%dma_wait3A_502 : memref<1000000x64xf32, #tpu.memory_space<hbm>>) dst(%dma_wait3A_496 : memref<100x64xf32, #tpu.memory_space<vmem>>)
      %dma_wait3A_505 = arith.constant 1 : i32
      %dma_wait3A_506 = arith.constant 1 : i32
      %dma_wait3A_507 = arith.constant 1 : i32
      %dma_wait3A_508 = arith.constant 1 : i32
      %dma_wait3A_509 = arith.constant 100 : i32
      %dma_wait3A_510 = arith.constant 0 : i32
      %dma_wait3A_511 = tpu.memref_slice %arg7[%dma_wait3A_507, %dma_wait3A_509, %dma_wait3A_510] : memref<4x400x64xf32, #tpu.memory_space<vmem>> -> memref<1x100x64xf32, #tpu.memory_space<vmem>>
      %dma_wait3A_512 = tpu.memref_squeeze %dma_wait3A_511 : memref<1x100x64xf32, #tpu.memory_space<vmem>> -> memref<100x64xf32, #tpu.memory_space<vmem>>
      %dma_wait3A_513 = arith.constant 0 : i32
      %dma_wait3A_514 = tpu.memref_slice %arg6[%dma_wait3A_505, %dma_wait3A_506, %dma_wait3A_513] : memref<4x4x100xi32, #tpu.memory_space<vmem>> -> memref<1x1x100xi32, #tpu.memory_space<vmem>>
      %dma_wait3A_515 = tpu.memref_squeeze %dma_wait3A_514 : memref<1x1x100xi32, #tpu.memory_space<vmem>> -> memref<100xi32, #tpu.memory_space<vmem>>
      %dma_wait3A_516 = arith.constant 0 : i32
      %dma_wait3A_517 = arith.constant 0 : i32
      %dma_wait3A_518 = tpu.memref_slice %arg3[%dma_wait3A_516, %dma_wait3A_517] : memref<1000000x64xf32, #tpu.memory_space<hbm>> -> memref<1000000x64xf32, #tpu.memory_space<hbm>>
      %dma_wait3A_519 = tpu.memref_slice %arg9[%dma_wait3A_508] : memref<4x!tpu.dma_semaphore, #tpu.memory_space<semaphore_mem>> -> memref<1x!tpu.dma_semaphore, #tpu.memory_space<semaphore_mem>>
      %dma_wait3A_520 = tpu.memref_squeeze %dma_wait3A_519 : memref<1x!tpu.dma_semaphore, #tpu.memory_space<semaphore_mem>> -> memref<!tpu.dma_semaphore, #tpu.memory_space<semaphore_mem>>
      tpu.wait_indirect_dma semaphore(%dma_wait3A_520 : memref<!tpu.dma_semaphore, #tpu.memory_space<semaphore_mem>>) src(%dma_wait3A_518 : memref<1000000x64xf32, #tpu.memory_space<hbm>>) dst(%dma_wait3A_512 : memref<100x64xf32, #tpu.memory_space<vmem>>)
      %dma_wait3A_521 = arith.constant 1 : i32
      %dma_wait3A_522 = arith.constant 2 : i32
      %dma_wait3A_523 = arith.constant 1 : i32
      %dma_wait3A_524 = arith.constant 1 : i32
      %dma_wait3A_525 = arith.constant 200 : i32
      %dma_wait3A_526 = arith.constant 0 : i32
      %dma_wait3A_527 = tpu.memref_slice %arg7[%dma_wait3A_523, %dma_wait3A_525, %dma_wait3A_526] : memref<4x400x64xf32, #tpu.memory_space<vmem>> -> memref<1x100x64xf32, #tpu.memory_space<vmem>>
      %dma_wait3A_528 = tpu.memref_squeeze %dma_wait3A_527 : memref<1x100x64xf32, #tpu.memory_space<vmem>> -> memref<100x64xf32, #tpu.memory_space<vmem>>
      %dma_wait3A_529 = arith.constant 0 : i32
      %dma_wait3A_530 = tpu.memref_slice %arg6[%dma_wait3A_521, %dma_wait3A_522, %dma_wait3A_529] : memref<4x4x100xi32, #tpu.memory_space<vmem>> -> memref<1x1x100xi32, #tpu.memory_space<vmem>>
      %dma_wait3A_531 = tpu.memref_squeeze %dma_wait3A_530 : memref<1x1x100xi32, #tpu.memory_space<vmem>> -> memref<100xi32, #tpu.memory_space<vmem>>
      %dma_wait3A_532 = arith.constant 0 : i32
      %dma_wait3A_533 = arith.constant 0 : i32
      %dma_wait3A_534 = tpu.memref_slice %arg3[%dma_wait3A_532, %dma_wait3A_533] : memref<1000000x64xf32, #tpu.memory_space<hbm>> -> memref<1000000x64xf32, #tpu.memory_space<hbm>>
      %dma_wait3A_535 = tpu.memref_slice %arg9[%dma_wait3A_524] : memref<4x!tpu.dma_semaphore, #tpu.memory_space<semaphore_mem>> -> memref<1x!tpu.dma_semaphore, #tpu.memory_space<semaphore_mem>>
      %dma_wait3A_536 = tpu.memref_squeeze %dma_wait3A_535 : memref<1x!tpu.dma_semaphore, #tpu.memory_space<semaphore_mem>> -> memref<!tpu.dma_semaphore, #tpu.memory_space<semaphore_mem>>
      tpu.wait_indirect_dma semaphore(%dma_wait3A_536 : memref<!tpu.dma_semaphore, #tpu.memory_space<semaphore_mem>>) src(%dma_wait3A_534 : memref<1000000x64xf32, #tpu.memory_space<hbm>>) dst(%dma_wait3A_528 : memref<100x64xf32, #tpu.memory_space<vmem>>)
      %dma_wait3A_537 = arith.constant 1 : i32
      %dma_wait3A_538 = arith.constant 3 : i32
      %dma_wait3A_539 = arith.constant 1 : i32
      %dma_wait3A_540 = arith.constant 1 : i32
      %dma_wait3A_541 = arith.constant 300 : i32
      %dma_wait3A_542 = arith.constant 0 : i32
      %dma_wait3A_543 = tpu.memref_slice %arg7[%dma_wait3A_539, %dma_wait3A_541, %dma_wait3A_542] : memref<4x400x64xf32, #tpu.memory_space<vmem>> -> memref<1x100x64xf32, #tpu.memory_space<vmem>>
      %dma_wait3A_544 = tpu.memref_squeeze %dma_wait3A_543 : memref<1x100x64xf32, #tpu.memory_space<vmem>> -> memref<100x64xf32, #tpu.memory_space<vmem>>
      %dma_wait3A_545 = arith.constant 0 : i32
      %dma_wait3A_546 = tpu.memref_slice %arg6[%dma_wait3A_537, %dma_wait3A_538, %dma_wait3A_545] : memref<4x4x100xi32, #tpu.memory_space<vmem>> -> memref<1x1x100xi32, #tpu.memory_space<vmem>>
      %dma_wait3A_547 = tpu.memref_squeeze %dma_wait3A_546 : memref<1x1x100xi32, #tpu.memory_space<vmem>> -> memref<100xi32, #tpu.memory_space<vmem>>
      %dma_wait3A_548 = arith.constant 0 : i32
      %dma_wait3A_549 = arith.constant 0 : i32
      %dma_wait3A_550 = tpu.memref_slice %arg3[%dma_wait3A_548, %dma_wait3A_549] : memref<1000000x64xf32, #tpu.memory_space<hbm>> -> memref<1000000x64xf32, #tpu.memory_space<hbm>>
      %dma_wait3A_551 = tpu.memref_slice %arg9[%dma_wait3A_540] : memref<4x!tpu.dma_semaphore, #tpu.memory_space<semaphore_mem>> -> memref<1x!tpu.dma_semaphore, #tpu.memory_space<semaphore_mem>>
      %dma_wait3A_552 = tpu.memref_squeeze %dma_wait3A_551 : memref<1x!tpu.dma_semaphore, #tpu.memory_space<semaphore_mem>> -> memref<!tpu.dma_semaphore, #tpu.memory_space<semaphore_mem>>
      tpu.wait_indirect_dma semaphore(%dma_wait3A_552 : memref<!tpu.dma_semaphore, #tpu.memory_space<semaphore_mem>>) src(%dma_wait3A_550 : memref<1000000x64xf32, #tpu.memory_space<hbm>>) dst(%dma_wait3A_544 : memref<100x64xf32, #tpu.memory_space<vmem>>)
      %add3A_553 = arith.constant 4 : i32
      %add3A_554 = arith.addi %add3A_474, %add3A_553 : i32
      %lt3A_555 = arith.constant 64 : i32
      %lt3A_556 = arith.cmpi slt, %add3A_554, %lt3A_555 : i32
      %convert_element_type3A_557 = arith.extui %lt3A_556 : i1 to i32
      %cond3A_558 = arith.constant 0 : i32
      %cond3A_559 = arith.cmpi ne, %convert_element_type3A_557, %cond3A_558 : i32
      scf.if %cond3A_559 {
        %add3A_806 = arith.constant 4 : i32
        %add3A_807 = arith.addi %add3A_474, %add3A_806 : i32
        %dma_start3A_808 = arith.constant 1 : i32
        %dma_start3A_809 = arith.constant 1 : i32
        %dma_start3A_810 = arith.constant 0 : i32
        %dma_start3A_811 = arith.constant 0 : i32
        %dma_start3A_812 = tpu.memref_slice %arg6[%dma_start3A_808, %dma_start3A_810, %dma_start3A_811] : memref<4x4x100xi32, #tpu.memory_space<vmem>> -> memref<1x4x100xi32, #tpu.memory_space<vmem>>
        %dma_start3A_813 = tpu.memref_squeeze %dma_start3A_812 : memref<1x4x100xi32, #tpu.memory_space<vmem>> -> memref<4x100xi32, #tpu.memory_space<vmem>>
        %dma_start3A_814 = arith.constant 0 : i32
        %dma_start3A_815 = arith.constant 0 : i32
        %dma_start3A_816 = tpu.memref_slice %arg2[%add3A, %add3A_807, %dma_start3A_814, %dma_start3A_815] : memref<32x64x4x100xi32, #tpu.memory_space<hbm>> -> memref<1x1x4x100xi32, #tpu.memory_space<hbm>>
        %dma_start3A_817 = tpu.memref_squeeze %dma_start3A_816 : memref<1x1x4x100xi32, #tpu.memory_space<hbm>> -> memref<4x100xi32, #tpu.memory_space<hbm>>
        %dma_start3A_818 = tpu.memref_slice %arg11[%dma_start3A_809] : memref<4x!tpu.dma_semaphore, #tpu.memory_space<semaphore_mem>> -> memref<1x!tpu.dma_semaphore, #tpu.memory_space<semaphore_mem>>
        %dma_start3A_819 = tpu.memref_squeeze %dma_start3A_818 : memref<1x!tpu.dma_semaphore, #tpu.memory_space<semaphore_mem>> -> memref<!tpu.dma_semaphore, #tpu.memory_space<semaphore_mem>>
        %dma_start3A_820 = arith.constant 0 : i32
        %dma_start3A_821 = arith.constant 0 : i32
        %dma_start3A_822 = tpu.memref_slice %arg6[%dma_start3A_808, %dma_start3A_820, %dma_start3A_821] : memref<4x4x100xi32, #tpu.memory_space<vmem>> -> memref<1x4x100xi32, #tpu.memory_space<vmem>>
        %dma_start3A_823 = tpu.memref_squeeze %dma_start3A_822 : memref<1x4x100xi32, #tpu.memory_space<vmem>> -> memref<4x100xi32, #tpu.memory_space<vmem>>
        %dma_start3A_824 = arith.constant 0 : i32
        %dma_start3A_825 = arith.constant 0 : i32
        %dma_start3A_826 = tpu.memref_slice %arg2[%add3A, %add3A_807, %dma_start3A_824, %dma_start3A_825] : memref<32x64x4x100xi32, #tpu.memory_space<hbm>> -> memref<1x1x4x100xi32, #tpu.memory_space<hbm>>
        %dma_start3A_827 = tpu.memref_squeeze %dma_start3A_826 : memref<1x1x4x100xi32, #tpu.memory_space<hbm>> -> memref<4x100xi32, #tpu.memory_space<hbm>>
        tpu.enqueue_dma source(%dma_start3A_827 : memref<4x100xi32, #tpu.memory_space<hbm>>) target(%dma_start3A_823 : memref<4x100xi32, #tpu.memory_space<vmem>>) target_semaphore(%dma_start3A_819 : memref<!tpu.dma_semaphore, #tpu.memory_space<semaphore_mem>>)
      } else {
      }
      %scan3A_560 = arith.constant 0 : i32
      %scan3A_561 = arith.constant 200 : i32
      %scan3A_562 = arith.addi %scan3A_560, %scan3A_561 : i32
      %scan3A_563 = arith.constant 1 : i32
      scf.for %scan3A_806 = %scan3A_560 to %scan3A_562 step %scan3A_563  : i32 {
        %mul3A_807 = arith.constant 1 : i32
        %mul3A_808 = arith.muli %scan3A_806, %mul3A_807 : i32
        %add3A_809 = arith.constant 0 : i32
        %add3A_810 = arith.addi %add3A_809, %mul3A_808 : i32
        %get3A = arith.index_cast %add3A_810 : i32 to index
        %get3A_811 = arith.constant 0 : index
        %get3A_812 = tpu.vector_load %arg8[%get3A, %get3A_811] {strides = array<i32>} : memref<200x64xf32, #tpu.memory_space<vmem>>, vector<1x16xf32>,
        %get3A_813 = vector.shape_cast %get3A_812 : vector<1x16xf32> to vector<16xf32>
        %add3A_814 = arith.constant 0 : i32
        %add3A_815 = arith.addi %add3A_814, %add3A_810 : i32
        %get3A_816 = arith.constant 1 : i32
        %get3A_817 = arith.index_cast %get3A_816 : i32 to index
        %get3A_818 = arith.index_cast %add3A_815 : i32 to index
        %get3A_819 = arith.constant 0 : index
        %get3A_820 = tpu.vector_load %arg7[%get3A_817, %get3A_818, %get3A_819] {strides = array<i32>} : memref<4x400x64xf32, #tpu.memory_space<vmem>>, vector<1x1x16xf32>,
        %get3A_821 = vector.shape_cast %get3A_820 : vector<1x1x16xf32> to vector<16xf32>
        %mul3A_822 = arith.constant 8.000000e+00 : f32
        %mul3A_823 = vector.broadcast %mul3A_822 : f32 to vector<16xf32>
        %mul3A_824 = arith.mulf %get3A_821, %mul3A_823 : vector<16xf32>
        %add3A_825 = arith.addf %mul3A_824, %get3A_813 : vector<16xf32>
        %swap3A = arith.constant 1 : i32
        %swap3A_826 = arith.index_cast %swap3A : i32 to index
        %swap3A_827 = arith.index_cast %add3A_815 : i32 to index
        %swap3A_828 = arith.constant 0 : index
        %swap3A_829 = tpu.vector_load %arg7[%swap3A_826, %swap3A_827, %swap3A_828] {strides = array<i32>} : memref<4x400x64xf32, #tpu.memory_space<vmem>>, vector<1x1x16xf32>,
        %swap3A_830 = vector.shape_cast %swap3A_829 : vector<1x1x16xf32> to vector<16xf32>
        %swap3A_831 = vector.shape_cast %add3A_825 : vector<16xf32> to vector<1x1x16xf32>
        tpu.vector_store %arg7[%swap3A_826, %swap3A_827, %swap3A_828], %swap3A_831 {strides = array<i32>} : memref<4x400x64xf32, #tpu.memory_space<vmem>>, vector<1x1x16xf32>,
        %add3A_832 = arith.constant 200 : i32
        %add3A_833 = arith.addi %add3A_832, %add3A_810 : i32
        %get3A_834 = arith.constant 1 : i32
        %get3A_835 = arith.index_cast %get3A_834 : i32 to index
        %get3A_836 = arith.index_cast %add3A_833 : i32 to index
        %get3A_837 = arith.constant 0 : index
        %get3A_838 = tpu.vector_load %arg7[%get3A_835, %get3A_836, %get3A_837] {strides = array<i32>} : memref<4x400x64xf32, #tpu.memory_space<vmem>>, vector<1x1x16xf32>,
        %get3A_839 = vector.shape_cast %get3A_838 : vector<1x1x16xf32> to vector<16xf32>
        %mul3A_840 = arith.constant 8.000000e+00 : f32
        %mul3A_841 = vector.broadcast %mul3A_840 : f32 to vector<16xf32>
        %mul3A_842 = arith.mulf %get3A_839, %mul3A_841 : vector<16xf32>
        %add3A_843 = arith.addf %mul3A_842, %get3A_813 : vector<16xf32>
        %swap3A_844 = arith.constant 1 : i32
        %swap3A_845 = arith.index_cast %swap3A_844 : i32 to index
        %swap3A_846 = arith.index_cast %add3A_833 : i32 to index
        %swap3A_847 = arith.constant 0 : index
        %swap3A_848 = tpu.vector_load %arg7[%swap3A_845, %swap3A_846, %swap3A_847] {strides = array<i32>} : memref<4x400x64xf32, #tpu.memory_space<vmem>>, vector<1x1x16xf32>,
        %swap3A_849 = vector.shape_cast %swap3A_848 : vector<1x1x16xf32> to vector<16xf32>
        %swap3A_850 = vector.shape_cast %add3A_843 : vector<16xf32> to vector<1x1x16xf32>
        tpu.vector_store %arg7[%swap3A_845, %swap3A_846, %swap3A_847], %swap3A_850 {strides = array<i32>} : memref<4x400x64xf32, #tpu.memory_space<vmem>>, vector<1x1x16xf32>,
        %get3A_851 = arith.index_cast %add3A_810 : i32 to index
        %get3A_852 = arith.constant 16 : index
        %get3A_853 = tpu.vector_load %arg8[%get3A_851, %get3A_852] {strides = array<i32>} : memref<200x64xf32, #tpu.memory_space<vmem>>, vector<1x16xf32>,
        %get3A_854 = vector.shape_cast %get3A_853 : vector<1x16xf32> to vector<16xf32>
        %add3A_855 = arith.constant 0 : i32
        %add3A_856 = arith.addi %add3A_855, %add3A_810 : i32
        %get3A_857 = arith.constant 1 : i32
        %get3A_858 = arith.index_cast %get3A_857 : i32 to index
        %get3A_859 = arith.index_cast %add3A_856 : i32 to index
        %get3A_860 = arith.constant 16 : index
        %get3A_861 = tpu.vector_load %arg7[%get3A_858, %get3A_859, %get3A_860] {strides = array<i32>} : memref<4x400x64xf32, #tpu.memory_space<vmem>>, vector<1x1x16xf32>,
        %get3A_862 = vector.shape_cast %get3A_861 : vector<1x1x16xf32> to vector<16xf32>
        %mul3A_863 = arith.constant 8.000000e+00 : f32
        %mul3A_864 = vector.broadcast %mul3A_863 : f32 to vector<16xf32>
        %mul3A_865 = arith.mulf %get3A_862, %mul3A_864 : vector<16xf32>
        %add3A_866 = arith.addf %mul3A_865, %get3A_854 : vector<16xf32>
        %swap3A_867 = arith.constant 1 : i32
        %swap3A_868 = arith.index_cast %swap3A_867 : i32 to index
        %swap3A_869 = arith.index_cast %add3A_856 : i32 to index
        %swap3A_870 = arith.constant 16 : index
        %swap3A_871 = tpu.vector_load %arg7[%swap3A_868, %swap3A_869, %swap3A_870] {strides = array<i32>} : memref<4x400x64xf32, #tpu.memory_space<vmem>>, vector<1x1x16xf32>,
        %swap3A_872 = vector.shape_cast %swap3A_871 : vector<1x1x16xf32> to vector<16xf32>
        %swap3A_873 = vector.shape_cast %add3A_866 : vector<16xf32> to vector<1x1x16xf32>
        tpu.vector_store %arg7[%swap3A_868, %swap3A_869, %swap3A_870], %swap3A_873 {strides = array<i32>} : memref<4x400x64xf32, #tpu.memory_space<vmem>>, vector<1x1x16xf32>,
        %add3A_874 = arith.constant 200 : i32
        %add3A_875 = arith.addi %add3A_874, %add3A_810 : i32
        %get3A_876 = arith.constant 1 : i32
        %get3A_877 = arith.index_cast %get3A_876 : i32 to index
        %get3A_878 = arith.index_cast %add3A_875 : i32 to index
        %get3A_879 = arith.constant 16 : index
        %get3A_880 = tpu.vector_load %arg7[%get3A_877, %get3A_878, %get3A_879] {strides = array<i32>} : memref<4x400x64xf32, #tpu.memory_space<vmem>>, vector<1x1x16xf32>,
        %get3A_881 = vector.shape_cast %get3A_880 : vector<1x1x16xf32> to vector<16xf32>
        %mul3A_882 = arith.constant 8.000000e+00 : f32
        %mul3A_883 = vector.broadcast %mul3A_882 : f32 to vector<16xf32>
        %mul3A_884 = arith.mulf %get3A_881, %mul3A_883 : vector<16xf32>
        %add3A_885 = arith.addf %mul3A_884, %get3A_854 : vector<16xf32>
        %swap3A_886 = arith.constant 1 : i32
        %swap3A_887 = arith.index_cast %swap3A_886 : i32 to index
        %swap3A_888 = arith.index_cast %add3A_875 : i32 to index
        %swap3A_889 = arith.constant 16 : index
        %swap3A_890 = tpu.vector_load %arg7[%swap3A_887, %swap3A_888, %swap3A_889] {strides = array<i32>} : memref<4x400x64xf32, #tpu.memory_space<vmem>>, vector<1x1x16xf32>,
        %swap3A_891 = vector.shape_cast %swap3A_890 : vector<1x1x16xf32> to vector<16xf32>
        %swap3A_892 = vector.shape_cast %add3A_885 : vector<16xf32> to vector<1x1x16xf32>
        tpu.vector_store %arg7[%swap3A_887, %swap3A_888, %swap3A_889], %swap3A_892 {strides = array<i32>} : memref<4x400x64xf32, #tpu.memory_space<vmem>>, vector<1x1x16xf32>,
        %get3A_893 = arith.index_cast %add3A_810 : i32 to index
        %get3A_894 = arith.constant 32 : index
        %get3A_895 = tpu.vector_load %arg8[%get3A_893, %get3A_894] {strides = array<i32>} : memref<200x64xf32, #tpu.memory_space<vmem>>, vector<1x16xf32>,
        %get3A_896 = vector.shape_cast %get3A_895 : vector<1x16xf32> to vector<16xf32>
        %add3A_897 = arith.constant 0 : i32
        %add3A_898 = arith.addi %add3A_897, %add3A_810 : i32
        %get3A_899 = arith.constant 1 : i32
        %get3A_900 = arith.index_cast %get3A_899 : i32 to index
        %get3A_901 = arith.index_cast %add3A_898 : i32 to index
        %get3A_902 = arith.constant 32 : index
        %get3A_903 = tpu.vector_load %arg7[%get3A_900, %get3A_901, %get3A_902] {strides = array<i32>} : memref<4x400x64xf32, #tpu.memory_space<vmem>>, vector<1x1x16xf32>,
        %get3A_904 = vector.shape_cast %get3A_903 : vector<1x1x16xf32> to vector<16xf32>
        %mul3A_905 = arith.constant 8.000000e+00 : f32
        %mul3A_906 = vector.broadcast %mul3A_905 : f32 to vector<16xf32>
        %mul3A_907 = arith.mulf %get3A_904, %mul3A_906 : vector<16xf32>
        %add3A_908 = arith.addf %mul3A_907, %get3A_896 : vector<16xf32>
        %swap3A_909 = arith.constant 1 : i32
        %swap3A_910 = arith.index_cast %swap3A_909 : i32 to index
        %swap3A_911 = arith.index_cast %add3A_898 : i32 to index
        %swap3A_912 = arith.constant 32 : index
        %swap3A_913 = tpu.vector_load %arg7[%swap3A_910, %swap3A_911, %swap3A_912] {strides = array<i32>} : memref<4x400x64xf32, #tpu.memory_space<vmem>>, vector<1x1x16xf32>,
        %swap3A_914 = vector.shape_cast %swap3A_913 : vector<1x1x16xf32> to vector<16xf32>
        %swap3A_915 = vector.shape_cast %add3A_908 : vector<16xf32> to vector<1x1x16xf32>
        tpu.vector_store %arg7[%swap3A_910, %swap3A_911, %swap3A_912], %swap3A_915 {strides = array<i32>} : memref<4x400x64xf32, #tpu.memory_space<vmem>>, vector<1x1x16xf32>,
        %add3A_916 = arith.constant 200 : i32
        %add3A_917 = arith.addi %add3A_916, %add3A_810 : i32
        %get3A_918 = arith.constant 1 : i32
        %get3A_919 = arith.index_cast %get3A_918 : i32 to index
        %get3A_920 = arith.index_cast %add3A_917 : i32 to index
        %get3A_921 = arith.constant 32 : index
        %get3A_922 = tpu.vector_load %arg7[%get3A_919, %get3A_920, %get3A_921] {strides = array<i32>} : memref<4x400x64xf32, #tpu.memory_space<vmem>>, vector<1x1x16xf32>,
        %get3A_923 = vector.shape_cast %get3A_922 : vector<1x1x16xf32> to vector<16xf32>
        %mul3A_924 = arith.constant 8.000000e+00 : f32
        %mul3A_925 = vector.broadcast %mul3A_924 : f32 to vector<16xf32>
        %mul3A_926 = arith.mulf %get3A_923, %mul3A_925 : vector<16xf32>
        %add3A_927 = arith.addf %mul3A_926, %get3A_896 : vector<16xf32>
        %swap3A_928 = arith.constant 1 : i32
        %swap3A_929 = arith.index_cast %swap3A_928 : i32 to index
        %swap3A_930 = arith.index_cast %add3A_917 : i32 to index
        %swap3A_931 = arith.constant 32 : index
        %swap3A_932 = tpu.vector_load %arg7[%swap3A_929, %swap3A_930, %swap3A_931] {strides = array<i32>} : memref<4x400x64xf32, #tpu.memory_space<vmem>>, vector<1x1x16xf32>,
        %swap3A_933 = vector.shape_cast %swap3A_932 : vector<1x1x16xf32> to vector<16xf32>
        %swap3A_934 = vector.shape_cast %add3A_927 : vector<16xf32> to vector<1x1x16xf32>
        tpu.vector_store %arg7[%swap3A_929, %swap3A_930, %swap3A_931], %swap3A_934 {strides = array<i32>} : memref<4x400x64xf32, #tpu.memory_space<vmem>>, vector<1x1x16xf32>,
        %get3A_935 = arith.index_cast %add3A_810 : i32 to index
        %get3A_936 = arith.constant 48 : index
        %get3A_937 = tpu.vector_load %arg8[%get3A_935, %get3A_936] {strides = array<i32>} : memref<200x64xf32, #tpu.memory_space<vmem>>, vector<1x16xf32>,
        %get3A_938 = vector.shape_cast %get3A_937 : vector<1x16xf32> to vector<16xf32>
        %add3A_939 = arith.constant 0 : i32
        %add3A_940 = arith.addi %add3A_939, %add3A_810 : i32
        %get3A_941 = arith.constant 1 : i32
        %get3A_942 = arith.index_cast %get3A_941 : i32 to index
        %get3A_943 = arith.index_cast %add3A_940 : i32 to index
        %get3A_944 = arith.constant 48 : index
        %get3A_945 = tpu.vector_load %arg7[%get3A_942, %get3A_943, %get3A_944] {strides = array<i32>} : memref<4x400x64xf32, #tpu.memory_space<vmem>>, vector<1x1x16xf32>,
        %get3A_946 = vector.shape_cast %get3A_945 : vector<1x1x16xf32> to vector<16xf32>
        %mul3A_947 = arith.constant 8.000000e+00 : f32
        %mul3A_948 = vector.broadcast %mul3A_947 : f32 to vector<16xf32>
        %mul3A_949 = arith.mulf %get3A_946, %mul3A_948 : vector<16xf32>
        %add3A_950 = arith.addf %mul3A_949, %get3A_938 : vector<16xf32>
        %swap3A_951 = arith.constant 1 : i32
        %swap3A_952 = arith.index_cast %swap3A_951 : i32 to index
        %swap3A_953 = arith.index_cast %add3A_940 : i32 to index
        %swap3A_954 = arith.constant 48 : index
        %swap3A_955 = tpu.vector_load %arg7[%swap3A_952, %swap3A_953, %swap3A_954] {strides = array<i32>} : memref<4x400x64xf32, #tpu.memory_space<vmem>>, vector<1x1x16xf32>,
        %swap3A_956 = vector.shape_cast %swap3A_955 : vector<1x1x16xf32> to vector<16xf32>
        %swap3A_957 = vector.shape_cast %add3A_950 : vector<16xf32> to vector<1x1x16xf32>
        tpu.vector_store %arg7[%swap3A_952, %swap3A_953, %swap3A_954], %swap3A_957 {strides = array<i32>} : memref<4x400x64xf32, #tpu.memory_space<vmem>>, vector<1x1x16xf32>,
        %add3A_958 = arith.constant 200 : i32
        %add3A_959 = arith.addi %add3A_958, %add3A_810 : i32
        %get3A_960 = arith.constant 1 : i32
        %get3A_961 = arith.index_cast %get3A_960 : i32 to index
        %get3A_962 = arith.index_cast %add3A_959 : i32 to index
        %get3A_963 = arith.constant 48 : index
        %get3A_964 = tpu.vector_load %arg7[%get3A_961, %get3A_962, %get3A_963] {strides = array<i32>} : memref<4x400x64xf32, #tpu.memory_space<vmem>>, vector<1x1x16xf32>,
        %get3A_965 = vector.shape_cast %get3A_964 : vector<1x1x16xf32> to vector<16xf32>
        %mul3A_966 = arith.constant 8.000000e+00 : f32
        %mul3A_967 = vector.broadcast %mul3A_966 : f32 to vector<16xf32>
        %mul3A_968 = arith.mulf %get3A_965, %mul3A_967 : vector<16xf32>
        %add3A_969 = arith.addf %mul3A_968, %get3A_938 : vector<16xf32>
        %swap3A_970 = arith.constant 1 : i32
        %swap3A_971 = arith.index_cast %swap3A_970 : i32 to index
        %swap3A_972 = arith.index_cast %add3A_959 : i32 to index
        %swap3A_973 = arith.constant 48 : index
        %swap3A_974 = tpu.vector_load %arg7[%swap3A_971, %swap3A_972, %swap3A_973] {strides = array<i32>} : memref<4x400x64xf32, #tpu.memory_space<vmem>>, vector<1x1x16xf32>,
        %swap3A_975 = vector.shape_cast %swap3A_974 : vector<1x1x16xf32> to vector<16xf32>
        %swap3A_976 = vector.shape_cast %add3A_969 : vector<16xf32> to vector<1x1x16xf32>
        tpu.vector_store %arg7[%swap3A_971, %swap3A_972, %swap3A_973], %swap3A_976 {strides = array<i32>} : memref<4x400x64xf32, #tpu.memory_space<vmem>>, vector<1x1x16xf32>,
      }
      %scan3A_564 = arith.constant 200 : i32
      %mul3A_565 = arith.constant 400 : i32
      %mul3A_566 = arith.muli %add3A_474, %mul3A_565 : i32
      %add3A_567 = arith.addi %mul3A_2, %mul3A_566 : i32
      %dma_start3A_568 = arith.constant 1 : i32
      %dma_start3A_569 = arith.constant 1 : i32
      %dma_start3A_570 = arith.constant 0 : i32
      %dma_start3A_571 = arith.constant 0 : i32
      %dma_start3A_572 = tpu.memref_slice %arg7[%dma_start3A_568, %dma_start3A_570, %dma_start3A_571] : memref<4x400x64xf32, #tpu.memory_space<vmem>> -> memref<1x400x64xf32, #tpu.memory_space<vmem>>
      %dma_start3A_573 = tpu.memref_squeeze %dma_start3A_572 : memref<1x400x64xf32, #tpu.memory_space<vmem>> -> memref<400x64xf32, #tpu.memory_space<vmem>>
      %dma_start3A_574 = arith.constant 0 : i32
      %dma_start3A_575 = tpu.memref_slice %arg5[%add3A_567, %dma_start3A_574] : memref<819200x64xf32, #tpu.memory_space<hbm>> -> memref<400x64xf32, #tpu.memory_space<hbm>>
      %dma_start3A_576 = tpu.memref_slice %arg10[%dma_start3A_569] : memref<4x!tpu.dma_semaphore, #tpu.memory_space<semaphore_mem>> -> memref<1x!tpu.dma_semaphore, #tpu.memory_space<semaphore_mem>>
      %dma_start3A_577 = tpu.memref_squeeze %dma_start3A_576 : memref<1x!tpu.dma_semaphore, #tpu.memory_space<semaphore_mem>> -> memref<!tpu.dma_semaphore, #tpu.memory_space<semaphore_mem>>
      %dma_start3A_578 = arith.constant 0 : i32
      %dma_start3A_579 = tpu.memref_slice %arg5[%add3A_567, %dma_start3A_578] : memref<819200x64xf32, #tpu.memory_space<hbm>> -> memref<400x64xf32, #tpu.memory_space<hbm>>
      %dma_start3A_580 = arith.constant 0 : i32
      %dma_start3A_581 = arith.constant 0 : i32
      %dma_start3A_582 = tpu.memref_slice %arg7[%dma_start3A_568, %dma_start3A_580, %dma_start3A_581] : memref<4x400x64xf32, #tpu.memory_space<vmem>> -> memref<1x400x64xf32, #tpu.memory_space<vmem>>
      %dma_start3A_583 = tpu.memref_squeeze %dma_start3A_582 : memref<1x400x64xf32, #tpu.memory_space<vmem>> -> memref<400x64xf32, #tpu.memory_space<vmem>>
      tpu.enqueue_dma source(%dma_start3A_583 : memref<400x64xf32, #tpu.memory_space<vmem>>) target(%dma_start3A_579 : memref<400x64xf32, #tpu.memory_space<hbm>>) target_semaphore(%dma_start3A_577 : memref<!tpu.dma_semaphore, #tpu.memory_space<semaphore_mem>>)
      %add3A_584 = arith.constant 2 : i32
      %add3A_585 = arith.addi %add3A_366, %add3A_584 : i32
      %gt3A_586 = arith.constant 0 : i32
      %gt3A_587 = arith.cmpi sgt, %add3A_585, %gt3A_586 : i32
      %convert_element_type3A_588 = arith.extui %gt3A_587 : i1 to i32
      %cond3A_589 = arith.constant 0 : i32
      %cond3A_590 = arith.cmpi ne, %convert_element_type3A_588, %cond3A_589 : i32
      scf.if %cond3A_590 {
        %sub3A_806 = arith.constant 1 : i32
        %sub3A_807 = arith.subi %add3A_585, %sub3A_806 : i32
        %mul3A_808 = arith.constant 400 : i32
        %mul3A_809 = arith.muli %sub3A_807, %mul3A_808 : i32
        %add3A_810 = arith.addi %mul3A_2, %mul3A_809 : i32
        %dma_wait3A_811 = arith.constant 1 : i32
        %dma_wait3A_812 = arith.constant 1 : i32
        %dma_wait3A_813 = arith.constant 0 : i32
        %dma_wait3A_814 = arith.constant 0 : i32
        %dma_wait3A_815 = tpu.memref_slice %arg7[%dma_wait3A_811, %dma_wait3A_813, %dma_wait3A_814] : memref<4x400x64xf32, #tpu.memory_space<vmem>> -> memref<1x400x64xf32, #tpu.memory_space<vmem>>
        %dma_wait3A_816 = tpu.memref_squeeze %dma_wait3A_815 : memref<1x400x64xf32, #tpu.memory_space<vmem>> -> memref<400x64xf32, #tpu.memory_space<vmem>>
        %dma_wait3A_817 = arith.constant 0 : i32
        %dma_wait3A_818 = tpu.memref_slice %arg5[%add3A_810, %dma_wait3A_817] : memref<819200x64xf32, #tpu.memory_space<hbm>> -> memref<400x64xf32, #tpu.memory_space<hbm>>
        %dma_wait3A_819 = tpu.memref_slice %arg10[%dma_wait3A_812] : memref<4x!tpu.dma_semaphore, #tpu.memory_space<semaphore_mem>> -> memref<1x!tpu.dma_semaphore, #tpu.memory_space<semaphore_mem>>
        %dma_wait3A_820 = tpu.memref_squeeze %dma_wait3A_819 : memref<1x!tpu.dma_semaphore, #tpu.memory_space<semaphore_mem>> -> memref<!tpu.dma_semaphore, #tpu.memory_space<semaphore_mem>>
        %dma_wait3A_821 = arith.constant 0 : i32
        %dma_wait3A_822 = tpu.memref_slice %arg5[%add3A_810, %dma_wait3A_821] : memref<819200x64xf32, #tpu.memory_space<hbm>> -> memref<400x64xf32, #tpu.memory_space<hbm>>
        %dma_wait3A_823 = arith.constant 0 : i32
        %dma_wait3A_824 = arith.constant 0 : i32
        %dma_wait3A_825 = tpu.memref_slice %arg7[%dma_wait3A_811, %dma_wait3A_823, %dma_wait3A_824] : memref<4x400x64xf32, #tpu.memory_space<vmem>> -> memref<1x400x64xf32, #tpu.memory_space<vmem>>
        %dma_wait3A_826 = tpu.memref_squeeze %dma_wait3A_825 : memref<1x400x64xf32, #tpu.memory_space<vmem>> -> memref<400x64xf32, #tpu.memory_space<vmem>>
        tpu.wait_dma2 semaphore(%dma_wait3A_820 : memref<!tpu.dma_semaphore, #tpu.memory_space<semaphore_mem>>) src(%dma_wait3A_826 : memref<400x64xf32, #tpu.memory_space<vmem>>) dst(%dma_wait3A_822 : memref<400x64xf32, #tpu.memory_space<hbm>>)
      } else {
      }
      %add3A_591 = arith.constant 4 : i32
      %add3A_592 = arith.addi %add3A_585, %add3A_591 : i32
      %sub3A_593 = arith.constant 1 : i32
      %sub3A_594 = arith.subi %add3A_592, %sub3A_593 : i32
      %lt3A_595 = arith.constant 64 : i32
      %lt3A_596 = arith.cmpi slt, %sub3A_594, %lt3A_595 : i32
      %convert_element_type3A_597 = arith.extui %lt3A_596 : i1 to i32
      %cond3A_598 = arith.constant 0 : i32
      %cond3A_599 = arith.cmpi ne, %convert_element_type3A_597, %cond3A_598 : i32
      scf.if %cond3A_599 {
        %dma_wait3A_806 = arith.constant 0 : i32
        %dma_wait3A_807 = arith.constant 1 : i32
        %dma_wait3A_808 = arith.constant 1 : i32
        %dma_wait3A_809 = arith.constant 0 : i32
        %dma_wait3A_810 = arith.constant 0 : i32
        %dma_wait3A_811 = tpu.memref_slice %arg6[%dma_wait3A_807, %dma_wait3A_809, %dma_wait3A_810] : memref<4x4x100xi32, #tpu.memory_space<vmem>> -> memref<1x4x100xi32, #tpu.memory_space<vmem>>
        %dma_wait3A_812 = tpu.memref_squeeze %dma_wait3A_811 : memref<1x4x100xi32, #tpu.memory_space<vmem>> -> memref<4x100xi32, #tpu.memory_space<vmem>>
        %dma_wait3A_813 = arith.constant 0 : i32
        %dma_wait3A_814 = arith.constant 0 : i32
        %dma_wait3A_815 = tpu.memref_slice %arg2[%add3A, %dma_wait3A_806, %dma_wait3A_813, %dma_wait3A_814] : memref<32x64x4x100xi32, #tpu.memory_space<hbm>> -> memref<1x1x4x100xi32, #tpu.memory_space<hbm>>
        %dma_wait3A_816 = tpu.memref_squeeze %dma_wait3A_815 : memref<1x1x4x100xi32, #tpu.memory_space<hbm>> -> memref<4x100xi32, #tpu.memory_space<hbm>>
        %dma_wait3A_817 = tpu.memref_slice %arg11[%dma_wait3A_808] : memref<4x!tpu.dma_semaphore, #tpu.memory_space<semaphore_mem>> -> memref<1x!tpu.dma_semaphore, #tpu.memory_space<semaphore_mem>>
        %dma_wait3A_818 = tpu.memref_squeeze %dma_wait3A_817 : memref<1x!tpu.dma_semaphore, #tpu.memory_space<semaphore_mem>> -> memref<!tpu.dma_semaphore, #tpu.memory_space<semaphore_mem>>
        %dma_wait3A_819 = arith.constant 0 : i32
        %dma_wait3A_820 = arith.constant 0 : i32
        %dma_wait3A_821 = tpu.memref_slice %arg6[%dma_wait3A_807, %dma_wait3A_819, %dma_wait3A_820] : memref<4x4x100xi32, #tpu.memory_space<vmem>> -> memref<1x4x100xi32, #tpu.memory_space<vmem>>
        %dma_wait3A_822 = tpu.memref_squeeze %dma_wait3A_821 : memref<1x4x100xi32, #tpu.memory_space<vmem>> -> memref<4x100xi32, #tpu.memory_space<vmem>>
        %dma_wait3A_823 = arith.constant 0 : i32
        %dma_wait3A_824 = arith.constant 0 : i32
        %dma_wait3A_825 = tpu.memref_slice %arg2[%add3A, %dma_wait3A_806, %dma_wait3A_823, %dma_wait3A_824] : memref<32x64x4x100xi32, #tpu.memory_space<hbm>> -> memref<1x1x4x100xi32, #tpu.memory_space<hbm>>
        %dma_wait3A_826 = tpu.memref_squeeze %dma_wait3A_825 : memref<1x1x4x100xi32, #tpu.memory_space<hbm>> -> memref<4x100xi32, #tpu.memory_space<hbm>>
        tpu.wait_dma2 semaphore(%dma_wait3A_818 : memref<!tpu.dma_semaphore, #tpu.memory_space<semaphore_mem>>) src(%dma_wait3A_826 : memref<4x100xi32, #tpu.memory_space<hbm>>) dst(%dma_wait3A_822 : memref<4x100xi32, #tpu.memory_space<vmem>>)
        %add3A_827 = arith.constant 4 : i32
        %add3A_828 = arith.addi %add3A_585, %add3A_827 : i32
        %sub3A_829 = arith.constant 1 : i32
        %sub3A_830 = arith.subi %add3A_828, %sub3A_829 : i32
        %dma_start3A_831 = arith.constant 1 : i32
        %dma_start3A_832 = arith.constant 0 : i32
        %dma_start3A_833 = arith.constant 1 : i32
        %dma_start3A_834 = arith.constant 1 : i32
        %dma_start3A_835 = arith.constant 0 : i32
        %dma_start3A_836 = arith.constant 0 : i32
        %dma_start3A_837 = tpu.memref_slice %arg7[%dma_start3A_833, %dma_start3A_835, %dma_start3A_836] : memref<4x400x64xf32, #tpu.memory_space<vmem>> -> memref<1x100x64xf32, #tpu.memory_space<vmem>>
        %dma_start3A_838 = tpu.memref_squeeze %dma_start3A_837 : memref<1x100x64xf32, #tpu.memory_space<vmem>> -> memref<100x64xf32, #tpu.memory_space<vmem>>
        %dma_start3A_839 = arith.constant 0 : i32
        %dma_start3A_840 = tpu.memref_slice %arg6[%dma_start3A_831, %dma_start3A_832, %dma_start3A_839] : memref<4x4x100xi32, #tpu.memory_space<vmem>> -> memref<1x1x100xi32, #tpu.memory_space<vmem>>
        %dma_start3A_841 = tpu.memref_squeeze %dma_start3A_840 : memref<1x1x100xi32, #tpu.memory_space<vmem>> -> memref<100xi32, #tpu.memory_space<vmem>>
        %dma_start3A_842 = arith.constant 0 : i32
        %dma_start3A_843 = arith.constant 0 : i32
        %dma_start3A_844 = tpu.memref_slice %arg3[%dma_start3A_842, %dma_start3A_843] : memref<1000000x64xf32, #tpu.memory_space<hbm>> -> memref<1000000x64xf32, #tpu.memory_space<hbm>>
        %dma_start3A_845 = tpu.memref_slice %arg9[%dma_start3A_834] : memref<4x!tpu.dma_semaphore, #tpu.memory_space<semaphore_mem>> -> memref<1x!tpu.dma_semaphore, #tpu.memory_space<semaphore_mem>>
        %dma_start3A_846 = tpu.memref_squeeze %dma_start3A_845 : memref<1x!tpu.dma_semaphore, #tpu.memory_space<semaphore_mem>> -> memref<!tpu.dma_semaphore, #tpu.memory_space<semaphore_mem>>
        tpu.enqueue_indirect_dma source(%dma_start3A_844 : memref<1000000x64xf32, #tpu.memory_space<hbm>>) target(%dma_start3A_838 : memref<100x64xf32, #tpu.memory_space<vmem>>) offsets(%dma_start3A_841 : memref<100xi32, #tpu.memory_space<vmem>>) semaphore(%dma_start3A_846 : memref<!tpu.dma_semaphore, #tpu.memory_space<semaphore_mem>>)
        %dma_start3A_847 = arith.constant 1 : i32
        %dma_start3A_848 = arith.constant 1 : i32
        %dma_start3A_849 = arith.constant 1 : i32
        %dma_start3A_850 = arith.constant 1 : i32
        %dma_start3A_851 = arith.constant 100 : i32
        %dma_start3A_852 = arith.constant 0 : i32
        %dma_start3A_853 = tpu.memref_slice %arg7[%dma_start3A_849, %dma_start3A_851, %dma_start3A_852] : memref<4x400x64xf32, #tpu.memory_space<vmem>> -> memref<1x100x64xf32, #tpu.memory_space<vmem>>
        %dma_start3A_854 = tpu.memref_squeeze %dma_start3A_853 : memref<1x100x64xf32, #tpu.memory_space<vmem>> -> memref<100x64xf32, #tpu.memory_space<vmem>>
        %dma_start3A_855 = arith.constant 0 : i32
        %dma_start3A_856 = tpu.memref_slice %arg6[%dma_start3A_847, %dma_start3A_848, %dma_start3A_855] : memref<4x4x100xi32, #tpu.memory_space<vmem>> -> memref<1x1x100xi32, #tpu.memory_space<vmem>>
        %dma_start3A_857 = tpu.memref_squeeze %dma_start3A_856 : memref<1x1x100xi32, #tpu.memory_space<vmem>> -> memref<100xi32, #tpu.memory_space<vmem>>
        %dma_start3A_858 = arith.constant 0 : i32
        %dma_start3A_859 = arith.constant 0 : i32
        %dma_start3A_860 = tpu.memref_slice %arg3[%dma_start3A_858, %dma_start3A_859] : memref<1000000x64xf32, #tpu.memory_space<hbm>> -> memref<1000000x64xf32, #tpu.memory_space<hbm>>
        %dma_start3A_861 = tpu.memref_slice %arg9[%dma_start3A_850] : memref<4x!tpu.dma_semaphore, #tpu.memory_space<semaphore_mem>> -> memref<1x!tpu.dma_semaphore, #tpu.memory_space<semaphore_mem>>
        %dma_start3A_862 = tpu.memref_squeeze %dma_start3A_861 : memref<1x!tpu.dma_semaphore, #tpu.memory_space<semaphore_mem>> -> memref<!tpu.dma_semaphore, #tpu.memory_space<semaphore_mem>>
        tpu.enqueue_indirect_dma source(%dma_start3A_860 : memref<1000000x64xf32, #tpu.memory_space<hbm>>) target(%dma_start3A_854 : memref<100x64xf32, #tpu.memory_space<vmem>>) offsets(%dma_start3A_857 : memref<100xi32, #tpu.memory_space<vmem>>) semaphore(%dma_start3A_862 : memref<!tpu.dma_semaphore, #tpu.memory_space<semaphore_mem>>)
        %dma_start3A_863 = arith.constant 1 : i32
        %dma_start3A_864 = arith.constant 2 : i32
        %dma_start3A_865 = arith.constant 1 : i32
        %dma_start3A_866 = arith.constant 1 : i32
        %dma_start3A_867 = arith.constant 200 : i32
        %dma_start3A_868 = arith.constant 0 : i32
        %dma_start3A_869 = tpu.memref_slice %arg7[%dma_start3A_865, %dma_start3A_867, %dma_start3A_868] : memref<4x400x64xf32, #tpu.memory_space<vmem>> -> memref<1x100x64xf32, #tpu.memory_space<vmem>>
        %dma_start3A_870 = tpu.memref_squeeze %dma_start3A_869 : memref<1x100x64xf32, #tpu.memory_space<vmem>> -> memref<100x64xf32, #tpu.memory_space<vmem>>
        %dma_start3A_871 = arith.constant 0 : i32
        %dma_start3A_872 = tpu.memref_slice %arg6[%dma_start3A_863, %dma_start3A_864, %dma_start3A_871] : memref<4x4x100xi32, #tpu.memory_space<vmem>> -> memref<1x1x100xi32, #tpu.memory_space<vmem>>
        %dma_start3A_873 = tpu.memref_squeeze %dma_start3A_872 : memref<1x1x100xi32, #tpu.memory_space<vmem>> -> memref<100xi32, #tpu.memory_space<vmem>>
        %dma_start3A_874 = arith.constant 0 : i32
        %dma_start3A_875 = arith.constant 0 : i32
        %dma_start3A_876 = tpu.memref_slice %arg3[%dma_start3A_874, %dma_start3A_875] : memref<1000000x64xf32, #tpu.memory_space<hbm>> -> memref<1000000x64xf32, #tpu.memory_space<hbm>>
        %dma_start3A_877 = tpu.memref_slice %arg9[%dma_start3A_866] : memref<4x!tpu.dma_semaphore, #tpu.memory_space<semaphore_mem>> -> memref<1x!tpu.dma_semaphore, #tpu.memory_space<semaphore_mem>>
        %dma_start3A_878 = tpu.memref_squeeze %dma_start3A_877 : memref<1x!tpu.dma_semaphore, #tpu.memory_space<semaphore_mem>> -> memref<!tpu.dma_semaphore, #tpu.memory_space<semaphore_mem>>
        tpu.enqueue_indirect_dma source(%dma_start3A_876 : memref<1000000x64xf32, #tpu.memory_space<hbm>>) target(%dma_start3A_870 : memref<100x64xf32, #tpu.memory_space<vmem>>) offsets(%dma_start3A_873 : memref<100xi32, #tpu.memory_space<vmem>>) semaphore(%dma_start3A_878 : memref<!tpu.dma_semaphore, #tpu.memory_space<semaphore_mem>>)
        %dma_start3A_879 = arith.constant 1 : i32
        %dma_start3A_880 = arith.constant 3 : i32
        %dma_start3A_881 = arith.constant 1 : i32
        %dma_start3A_882 = arith.constant 1 : i32
        %dma_start3A_883 = arith.constant 300 : i32
        %dma_start3A_884 = arith.constant 0 : i32
        %dma_start3A_885 = tpu.memref_slice %arg7[%dma_start3A_881, %dma_start3A_883, %dma_start3A_884] : memref<4x400x64xf32, #tpu.memory_space<vmem>> -> memref<1x100x64xf32, #tpu.memory_space<vmem>>
        %dma_start3A_886 = tpu.memref_squeeze %dma_start3A_885 : memref<1x100x64xf32, #tpu.memory_space<vmem>> -> memref<100x64xf32, #tpu.memory_space<vmem>>
        %dma_start3A_887 = arith.constant 0 : i32
        %dma_start3A_888 = tpu.memref_slice %arg6[%dma_start3A_879, %dma_start3A_880, %dma_start3A_887] : memref<4x4x100xi32, #tpu.memory_space<vmem>> -> memref<1x1x100xi32, #tpu.memory_space<vmem>>
        %dma_start3A_889 = tpu.memref_squeeze %dma_start3A_888 : memref<1x1x100xi32, #tpu.memory_space<vmem>> -> memref<100xi32, #tpu.memory_space<vmem>>
        %dma_start3A_890 = arith.constant 0 : i32
        %dma_start3A_891 = arith.constant 0 : i32
        %dma_start3A_892 = tpu.memref_slice %arg3[%dma_start3A_890, %dma_start3A_891] : memref<1000000x64xf32, #tpu.memory_space<hbm>> -> memref<1000000x64xf32, #tpu.memory_space<hbm>>
        %dma_start3A_893 = tpu.memref_slice %arg9[%dma_start3A_882] : memref<4x!tpu.dma_semaphore, #tpu.memory_space<semaphore_mem>> -> memref<1x!tpu.dma_semaphore, #tpu.memory_space<semaphore_mem>>
        %dma_start3A_894 = tpu.memref_squeeze %dma_start3A_893 : memref<1x!tpu.dma_semaphore, #tpu.memory_space<semaphore_mem>> -> memref<!tpu.dma_semaphore, #tpu.memory_space<semaphore_mem>>
        tpu.enqueue_indirect_dma source(%dma_start3A_892 : memref<1000000x64xf32, #tpu.memory_space<hbm>>) target(%dma_start3A_886 : memref<100x64xf32, #tpu.memory_space<vmem>>) offsets(%dma_start3A_889 : memref<100xi32, #tpu.memory_space<vmem>>) semaphore(%dma_start3A_894 : memref<!tpu.dma_semaphore, #tpu.memory_space<semaphore_mem>>)
      } else {
      }
      %dma_wait3A_600 = arith.constant 2 : i32
      %dma_wait3A_601 = arith.constant 0 : i32
      %dma_wait3A_602 = arith.constant 2 : i32
      %dma_wait3A_603 = arith.constant 2 : i32
      %dma_wait3A_604 = arith.constant 0 : i32
      %dma_wait3A_605 = arith.constant 0 : i32
      %dma_wait3A_606 = tpu.memref_slice %arg7[%dma_wait3A_602, %dma_wait3A_604, %dma_wait3A_605] : memref<4x400x64xf32, #tpu.memory_space<vmem>> -> memref<1x100x64xf32, #tpu.memory_space<vmem>>
      %dma_wait3A_607 = tpu.memref_squeeze %dma_wait3A_606 : memref<1x100x64xf32, #tpu.memory_space<vmem>> -> memref<100x64xf32, #tpu.memory_space<vmem>>
      %dma_wait3A_608 = arith.constant 0 : i32
      %dma_wait3A_609 = tpu.memref_slice %arg6[%dma_wait3A_600, %dma_wait3A_601, %dma_wait3A_608] : memref<4x4x100xi32, #tpu.memory_space<vmem>> -> memref<1x1x100xi32, #tpu.memory_space<vmem>>
      %dma_wait3A_610 = tpu.memref_squeeze %dma_wait3A_609 : memref<1x1x100xi32, #tpu.memory_space<vmem>> -> memref<100xi32, #tpu.memory_space<vmem>>
      %dma_wait3A_611 = arith.constant 0 : i32
      %dma_wait3A_612 = arith.constant 0 : i32
      %dma_wait3A_613 = tpu.memref_slice %arg3[%dma_wait3A_611, %dma_wait3A_612] : memref<1000000x64xf32, #tpu.memory_space<hbm>> -> memref<1000000x64xf32, #tpu.memory_space<hbm>>
      %dma_wait3A_614 = tpu.memref_slice %arg9[%dma_wait3A_603] : memref<4x!tpu.dma_semaphore, #tpu.memory_space<semaphore_mem>> -> memref<1x!tpu.dma_semaphore, #tpu.memory_space<semaphore_mem>>
      %dma_wait3A_615 = tpu.memref_squeeze %dma_wait3A_614 : memref<1x!tpu.dma_semaphore, #tpu.memory_space<semaphore_mem>> -> memref<!tpu.dma_semaphore, #tpu.memory_space<semaphore_mem>>
      tpu.wait_indirect_dma semaphore(%dma_wait3A_615 : memref<!tpu.dma_semaphore, #tpu.memory_space<semaphore_mem>>) src(%dma_wait3A_613 : memref<1000000x64xf32, #tpu.memory_space<hbm>>) dst(%dma_wait3A_607 : memref<100x64xf32, #tpu.memory_space<vmem>>)
      %dma_wait3A_616 = arith.constant 2 : i32
      %dma_wait3A_617 = arith.constant 1 : i32
      %dma_wait3A_618 = arith.constant 2 : i32
      %dma_wait3A_619 = arith.constant 2 : i32
      %dma_wait3A_620 = arith.constant 100 : i32
      %dma_wait3A_621 = arith.constant 0 : i32
      %dma_wait3A_622 = tpu.memref_slice %arg7[%dma_wait3A_618, %dma_wait3A_620, %dma_wait3A_621] : memref<4x400x64xf32, #tpu.memory_space<vmem>> -> memref<1x100x64xf32, #tpu.memory_space<vmem>>
      %dma_wait3A_623 = tpu.memref_squeeze %dma_wait3A_622 : memref<1x100x64xf32, #tpu.memory_space<vmem>> -> memref<100x64xf32, #tpu.memory_space<vmem>>
      %dma_wait3A_624 = arith.constant 0 : i32
      %dma_wait3A_625 = tpu.memref_slice %arg6[%dma_wait3A_616, %dma_wait3A_617, %dma_wait3A_624] : memref<4x4x100xi32, #tpu.memory_space<vmem>> -> memref<1x1x100xi32, #tpu.memory_space<vmem>>
      %dma_wait3A_626 = tpu.memref_squeeze %dma_wait3A_625 : memref<1x1x100xi32, #tpu.memory_space<vmem>> -> memref<100xi32, #tpu.memory_space<vmem>>
      %dma_wait3A_627 = arith.constant 0 : i32
      %dma_wait3A_628 = arith.constant 0 : i32
      %dma_wait3A_629 = tpu.memref_slice %arg3[%dma_wait3A_627, %dma_wait3A_628] : memref<1000000x64xf32, #tpu.memory_space<hbm>> -> memref<1000000x64xf32, #tpu.memory_space<hbm>>
      %dma_wait3A_630 = tpu.memref_slice %arg9[%dma_wait3A_619] : memref<4x!tpu.dma_semaphore, #tpu.memory_space<semaphore_mem>> -> memref<1x!tpu.dma_semaphore, #tpu.memory_space<semaphore_mem>>
      %dma_wait3A_631 = tpu.memref_squeeze %dma_wait3A_630 : memref<1x!tpu.dma_semaphore, #tpu.memory_space<semaphore_mem>> -> memref<!tpu.dma_semaphore, #tpu.memory_space<semaphore_mem>>
      tpu.wait_indirect_dma semaphore(%dma_wait3A_631 : memref<!tpu.dma_semaphore, #tpu.memory_space<semaphore_mem>>) src(%dma_wait3A_629 : memref<1000000x64xf32, #tpu.memory_space<hbm>>) dst(%dma_wait3A_623 : memref<100x64xf32, #tpu.memory_space<vmem>>)
      %dma_wait3A_632 = arith.constant 2 : i32
      %dma_wait3A_633 = arith.constant 2 : i32
      %dma_wait3A_634 = arith.constant 2 : i32
      %dma_wait3A_635 = arith.constant 2 : i32
      %dma_wait3A_636 = arith.constant 200 : i32
      %dma_wait3A_637 = arith.constant 0 : i32
      %dma_wait3A_638 = tpu.memref_slice %arg7[%dma_wait3A_634, %dma_wait3A_636, %dma_wait3A_637] : memref<4x400x64xf32, #tpu.memory_space<vmem>> -> memref<1x100x64xf32, #tpu.memory_space<vmem>>
      %dma_wait3A_639 = tpu.memref_squeeze %dma_wait3A_638 : memref<1x100x64xf32, #tpu.memory_space<vmem>> -> memref<100x64xf32, #tpu.memory_space<vmem>>
      %dma_wait3A_640 = arith.constant 0 : i32
      %dma_wait3A_641 = tpu.memref_slice %arg6[%dma_wait3A_632, %dma_wait3A_633, %dma_wait3A_640] : memref<4x4x100xi32, #tpu.memory_space<vmem>> -> memref<1x1x100xi32, #tpu.memory_space<vmem>>
      %dma_wait3A_642 = tpu.memref_squeeze %dma_wait3A_641 : memref<1x1x100xi32, #tpu.memory_space<vmem>> -> memref<100xi32, #tpu.memory_space<vmem>>
      %dma_wait3A_643 = arith.constant 0 : i32
      %dma_wait3A_644 = arith.constant 0 : i32
      %dma_wait3A_645 = tpu.memref_slice %arg3[%dma_wait3A_643, %dma_wait3A_644] : memref<1000000x64xf32, #tpu.memory_space<hbm>> -> memref<1000000x64xf32, #tpu.memory_space<hbm>>
      %dma_wait3A_646 = tpu.memref_slice %arg9[%dma_wait3A_635] : memref<4x!tpu.dma_semaphore, #tpu.memory_space<semaphore_mem>> -> memref<1x!tpu.dma_semaphore, #tpu.memory_space<semaphore_mem>>
      %dma_wait3A_647 = tpu.memref_squeeze %dma_wait3A_646 : memref<1x!tpu.dma_semaphore, #tpu.memory_space<semaphore_mem>> -> memref<!tpu.dma_semaphore, #tpu.memory_space<semaphore_mem>>
      tpu.wait_indirect_dma semaphore(%dma_wait3A_647 : memref<!tpu.dma_semaphore, #tpu.memory_space<semaphore_mem>>) src(%dma_wait3A_645 : memref<1000000x64xf32, #tpu.memory_space<hbm>>) dst(%dma_wait3A_639 : memref<100x64xf32, #tpu.memory_space<vmem>>)
      %dma_wait3A_648 = arith.constant 2 : i32
      %dma_wait3A_649 = arith.constant 3 : i32
      %dma_wait3A_650 = arith.constant 2 : i32
      %dma_wait3A_651 = arith.constant 2 : i32
      %dma_wait3A_652 = arith.constant 300 : i32
      %dma_wait3A_653 = arith.constant 0 : i32
      %dma_wait3A_654 = tpu.memref_slice %arg7[%dma_wait3A_650, %dma_wait3A_652, %dma_wait3A_653] : memref<4x400x64xf32, #tpu.memory_space<vmem>> -> memref<1x100x64xf32, #tpu.memory_space<vmem>>
      %dma_wait3A_655 = tpu.memref_squeeze %dma_wait3A_654 : memref<1x100x64xf32, #tpu.memory_space<vmem>> -> memref<100x64xf32, #tpu.memory_space<vmem>>
      %dma_wait3A_656 = arith.constant 0 : i32
      %dma_wait3A_657 = tpu.memref_slice %arg6[%dma_wait3A_648, %dma_wait3A_649, %dma_wait3A_656] : memref<4x4x100xi32, #tpu.memory_space<vmem>> -> memref<1x1x100xi32, #tpu.memory_space<vmem>>
      %dma_wait3A_658 = tpu.memref_squeeze %dma_wait3A_657 : memref<1x1x100xi32, #tpu.memory_space<vmem>> -> memref<100xi32, #tpu.memory_space<vmem>>
      %dma_wait3A_659 = arith.constant 0 : i32
      %dma_wait3A_660 = arith.constant 0 : i32
      %dma_wait3A_661 = tpu.memref_slice %arg3[%dma_wait3A_659, %dma_wait3A_660] : memref<1000000x64xf32, #tpu.memory_space<hbm>> -> memref<1000000x64xf32, #tpu.memory_space<hbm>>
      %dma_wait3A_662 = tpu.memref_slice %arg9[%dma_wait3A_651] : memref<4x!tpu.dma_semaphore, #tpu.memory_space<semaphore_mem>> -> memref<1x!tpu.dma_semaphore, #tpu.memory_space<semaphore_mem>>
      %dma_wait3A_663 = tpu.memref_squeeze %dma_wait3A_662 : memref<1x!tpu.dma_semaphore, #tpu.memory_space<semaphore_mem>> -> memref<!tpu.dma_semaphore, #tpu.memory_space<semaphore_mem>>
      tpu.wait_indirect_dma semaphore(%dma_wait3A_663 : memref<!tpu.dma_semaphore, #tpu.memory_space<semaphore_mem>>) src(%dma_wait3A_661 : memref<1000000x64xf32, #tpu.memory_space<hbm>>) dst(%dma_wait3A_655 : memref<100x64xf32, #tpu.memory_space<vmem>>)
      %add3A_664 = arith.constant 4 : i32
      %add3A_665 = arith.addi %add3A_585, %add3A_664 : i32
      %lt3A_666 = arith.constant 64 : i32
      %lt3A_667 = arith.cmpi slt, %add3A_665, %lt3A_666 : i32
      %convert_element_type3A_668 = arith.extui %lt3A_667 : i1 to i32
      %cond3A_669 = arith.constant 0 : i32
      %cond3A_670 = arith.cmpi ne, %convert_element_type3A_668, %cond3A_669 : i32
      scf.if %cond3A_670 {
        %add3A_806 = arith.constant 4 : i32
        %add3A_807 = arith.addi %add3A_585, %add3A_806 : i32
        %dma_start3A_808 = arith.constant 2 : i32
        %dma_start3A_809 = arith.constant 2 : i32
        %dma_start3A_810 = arith.constant 0 : i32
        %dma_start3A_811 = arith.constant 0 : i32
        %dma_start3A_812 = tpu.memref_slice %arg6[%dma_start3A_808, %dma_start3A_810, %dma_start3A_811] : memref<4x4x100xi32, #tpu.memory_space<vmem>> -> memref<1x4x100xi32, #tpu.memory_space<vmem>>
        %dma_start3A_813 = tpu.memref_squeeze %dma_start3A_812 : memref<1x4x100xi32, #tpu.memory_space<vmem>> -> memref<4x100xi32, #tpu.memory_space<vmem>>
        %dma_start3A_814 = arith.constant 0 : i32
        %dma_start3A_815 = arith.constant 0 : i32
        %dma_start3A_816 = tpu.memref_slice %arg2[%add3A, %add3A_807, %dma_start3A_814, %dma_start3A_815] : memref<32x64x4x100xi32, #tpu.memory_space<hbm>> -> memref<1x1x4x100xi32, #tpu.memory_space<hbm>>
        %dma_start3A_817 = tpu.memref_squeeze %dma_start3A_816 : memref<1x1x4x100xi32, #tpu.memory_space<hbm>> -> memref<4x100xi32, #tpu.memory_space<hbm>>
        %dma_start3A_818 = tpu.memref_slice %arg11[%dma_start3A_809] : memref<4x!tpu.dma_semaphore, #tpu.memory_space<semaphore_mem>> -> memref<1x!tpu.dma_semaphore, #tpu.memory_space<semaphore_mem>>
        %dma_start3A_819 = tpu.memref_squeeze %dma_start3A_818 : memref<1x!tpu.dma_semaphore, #tpu.memory_space<semaphore_mem>> -> memref<!tpu.dma_semaphore, #tpu.memory_space<semaphore_mem>>
        %dma_start3A_820 = arith.constant 0 : i32
        %dma_start3A_821 = arith.constant 0 : i32
        %dma_start3A_822 = tpu.memref_slice %arg6[%dma_start3A_808, %dma_start3A_820, %dma_start3A_821] : memref<4x4x100xi32, #tpu.memory_space<vmem>> -> memref<1x4x100xi32, #tpu.memory_space<vmem>>
        %dma_start3A_823 = tpu.memref_squeeze %dma_start3A_822 : memref<1x4x100xi32, #tpu.memory_space<vmem>> -> memref<4x100xi32, #tpu.memory_space<vmem>>
        %dma_start3A_824 = arith.constant 0 : i32
        %dma_start3A_825 = arith.constant 0 : i32
        %dma_start3A_826 = tpu.memref_slice %arg2[%add3A, %add3A_807, %dma_start3A_824, %dma_start3A_825] : memref<32x64x4x100xi32, #tpu.memory_space<hbm>> -> memref<1x1x4x100xi32, #tpu.memory_space<hbm>>
        %dma_start3A_827 = tpu.memref_squeeze %dma_start3A_826 : memref<1x1x4x100xi32, #tpu.memory_space<hbm>> -> memref<4x100xi32, #tpu.memory_space<hbm>>
        tpu.enqueue_dma source(%dma_start3A_827 : memref<4x100xi32, #tpu.memory_space<hbm>>) target(%dma_start3A_823 : memref<4x100xi32, #tpu.memory_space<vmem>>) target_semaphore(%dma_start3A_819 : memref<!tpu.dma_semaphore, #tpu.memory_space<semaphore_mem>>)
      } else {
      }
      %scan3A_671 = arith.constant 0 : i32
      %scan3A_672 = arith.constant 200 : i32
      %scan3A_673 = arith.addi %scan3A_671, %scan3A_672 : i32
      %scan3A_674 = arith.constant 1 : i32
      scf.for %scan3A_806 = %scan3A_671 to %scan3A_673 step %scan3A_674  : i32 {
        %mul3A_807 = arith.constant 1 : i32
        %mul3A_808 = arith.muli %scan3A_806, %mul3A_807 : i32
        %add3A_809 = arith.constant 0 : i32
        %add3A_810 = arith.addi %add3A_809, %mul3A_808 : i32
        %get3A = arith.index_cast %add3A_810 : i32 to index
        %get3A_811 = arith.constant 0 : index
        %get3A_812 = tpu.vector_load %arg8[%get3A, %get3A_811] {strides = array<i32>} : memref<200x64xf32, #tpu.memory_space<vmem>>, vector<1x16xf32>,
        %get3A_813 = vector.shape_cast %get3A_812 : vector<1x16xf32> to vector<16xf32>
        %add3A_814 = arith.constant 0 : i32
        %add3A_815 = arith.addi %add3A_814, %add3A_810 : i32
        %get3A_816 = arith.constant 2 : i32
        %get3A_817 = arith.index_cast %get3A_816 : i32 to index
        %get3A_818 = arith.index_cast %add3A_815 : i32 to index
        %get3A_819 = arith.constant 0 : index
        %get3A_820 = tpu.vector_load %arg7[%get3A_817, %get3A_818, %get3A_819] {strides = array<i32>} : memref<4x400x64xf32, #tpu.memory_space<vmem>>, vector<1x1x16xf32>,
        %get3A_821 = vector.shape_cast %get3A_820 : vector<1x1x16xf32> to vector<16xf32>
        %mul3A_822 = arith.constant 8.000000e+00 : f32
        %mul3A_823 = vector.broadcast %mul3A_822 : f32 to vector<16xf32>
        %mul3A_824 = arith.mulf %get3A_821, %mul3A_823 : vector<16xf32>
        %add3A_825 = arith.addf %mul3A_824, %get3A_813 : vector<16xf32>
        %swap3A = arith.constant 2 : i32
        %swap3A_826 = arith.index_cast %swap3A : i32 to index
        %swap3A_827 = arith.index_cast %add3A_815 : i32 to index
        %swap3A_828 = arith.constant 0 : index
        %swap3A_829 = tpu.vector_load %arg7[%swap3A_826, %swap3A_827, %swap3A_828] {strides = array<i32>} : memref<4x400x64xf32, #tpu.memory_space<vmem>>, vector<1x1x16xf32>,
        %swap3A_830 = vector.shape_cast %swap3A_829 : vector<1x1x16xf32> to vector<16xf32>
        %swap3A_831 = vector.shape_cast %add3A_825 : vector<16xf32> to vector<1x1x16xf32>
        tpu.vector_store %arg7[%swap3A_826, %swap3A_827, %swap3A_828], %swap3A_831 {strides = array<i32>} : memref<4x400x64xf32, #tpu.memory_space<vmem>>, vector<1x1x16xf32>,
        %add3A_832 = arith.constant 200 : i32
        %add3A_833 = arith.addi %add3A_832, %add3A_810 : i32
        %get3A_834 = arith.constant 2 : i32
        %get3A_835 = arith.index_cast %get3A_834 : i32 to index
        %get3A_836 = arith.index_cast %add3A_833 : i32 to index
        %get3A_837 = arith.constant 0 : index
        %get3A_838 = tpu.vector_load %arg7[%get3A_835, %get3A_836, %get3A_837] {strides = array<i32>} : memref<4x400x64xf32, #tpu.memory_space<vmem>>, vector<1x1x16xf32>,
        %get3A_839 = vector.shape_cast %get3A_838 : vector<1x1x16xf32> to vector<16xf32>
        %mul3A_840 = arith.constant 8.000000e+00 : f32
        %mul3A_841 = vector.broadcast %mul3A_840 : f32 to vector<16xf32>
        %mul3A_842 = arith.mulf %get3A_839, %mul3A_841 : vector<16xf32>
        %add3A_843 = arith.addf %mul3A_842, %get3A_813 : vector<16xf32>
        %swap3A_844 = arith.constant 2 : i32
        %swap3A_845 = arith.index_cast %swap3A_844 : i32 to index
        %swap3A_846 = arith.index_cast %add3A_833 : i32 to index
        %swap3A_847 = arith.constant 0 : index
        %swap3A_848 = tpu.vector_load %arg7[%swap3A_845, %swap3A_846, %swap3A_847] {strides = array<i32>} : memref<4x400x64xf32, #tpu.memory_space<vmem>>, vector<1x1x16xf32>,
        %swap3A_849 = vector.shape_cast %swap3A_848 : vector<1x1x16xf32> to vector<16xf32>
        %swap3A_850 = vector.shape_cast %add3A_843 : vector<16xf32> to vector<1x1x16xf32>
        tpu.vector_store %arg7[%swap3A_845, %swap3A_846, %swap3A_847], %swap3A_850 {strides = array<i32>} : memref<4x400x64xf32, #tpu.memory_space<vmem>>, vector<1x1x16xf32>,
        %get3A_851 = arith.index_cast %add3A_810 : i32 to index
        %get3A_852 = arith.constant 16 : index
        %get3A_853 = tpu.vector_load %arg8[%get3A_851, %get3A_852] {strides = array<i32>} : memref<200x64xf32, #tpu.memory_space<vmem>>, vector<1x16xf32>,
        %get3A_854 = vector.shape_cast %get3A_853 : vector<1x16xf32> to vector<16xf32>
        %add3A_855 = arith.constant 0 : i32
        %add3A_856 = arith.addi %add3A_855, %add3A_810 : i32
        %get3A_857 = arith.constant 2 : i32
        %get3A_858 = arith.index_cast %get3A_857 : i32 to index
        %get3A_859 = arith.index_cast %add3A_856 : i32 to index
        %get3A_860 = arith.constant 16 : index
        %get3A_861 = tpu.vector_load %arg7[%get3A_858, %get3A_859, %get3A_860] {strides = array<i32>} : memref<4x400x64xf32, #tpu.memory_space<vmem>>, vector<1x1x16xf32>,
        %get3A_862 = vector.shape_cast %get3A_861 : vector<1x1x16xf32> to vector<16xf32>
        %mul3A_863 = arith.constant 8.000000e+00 : f32
        %mul3A_864 = vector.broadcast %mul3A_863 : f32 to vector<16xf32>
        %mul3A_865 = arith.mulf %get3A_862, %mul3A_864 : vector<16xf32>
        %add3A_866 = arith.addf %mul3A_865, %get3A_854 : vector<16xf32>
        %swap3A_867 = arith.constant 2 : i32
        %swap3A_868 = arith.index_cast %swap3A_867 : i32 to index
        %swap3A_869 = arith.index_cast %add3A_856 : i32 to index
        %swap3A_870 = arith.constant 16 : index
        %swap3A_871 = tpu.vector_load %arg7[%swap3A_868, %swap3A_869, %swap3A_870] {strides = array<i32>} : memref<4x400x64xf32, #tpu.memory_space<vmem>>, vector<1x1x16xf32>,
        %swap3A_872 = vector.shape_cast %swap3A_871 : vector<1x1x16xf32> to vector<16xf32>
        %swap3A_873 = vector.shape_cast %add3A_866 : vector<16xf32> to vector<1x1x16xf32>
        tpu.vector_store %arg7[%swap3A_868, %swap3A_869, %swap3A_870], %swap3A_873 {strides = array<i32>} : memref<4x400x64xf32, #tpu.memory_space<vmem>>, vector<1x1x16xf32>,
        %add3A_874 = arith.constant 200 : i32
        %add3A_875 = arith.addi %add3A_874, %add3A_810 : i32
        %get3A_876 = arith.constant 2 : i32
        %get3A_877 = arith.index_cast %get3A_876 : i32 to index
        %get3A_878 = arith.index_cast %add3A_875 : i32 to index
        %get3A_879 = arith.constant 16 : index
        %get3A_880 = tpu.vector_load %arg7[%get3A_877, %get3A_878, %get3A_879] {strides = array<i32>} : memref<4x400x64xf32, #tpu.memory_space<vmem>>, vector<1x1x16xf32>,
        %get3A_881 = vector.shape_cast %get3A_880 : vector<1x1x16xf32> to vector<16xf32>
        %mul3A_882 = arith.constant 8.000000e+00 : f32
        %mul3A_883 = vector.broadcast %mul3A_882 : f32 to vector<16xf32>
        %mul3A_884 = arith.mulf %get3A_881, %mul3A_883 : vector<16xf32>
        %add3A_885 = arith.addf %mul3A_884, %get3A_854 : vector<16xf32>
        %swap3A_886 = arith.constant 2 : i32
        %swap3A_887 = arith.index_cast %swap3A_886 : i32 to index
        %swap3A_888 = arith.index_cast %add3A_875 : i32 to index
        %swap3A_889 = arith.constant 16 : index
        %swap3A_890 = tpu.vector_load %arg7[%swap3A_887, %swap3A_888, %swap3A_889] {strides = array<i32>} : memref<4x400x64xf32, #tpu.memory_space<vmem>>, vector<1x1x16xf32>,
        %swap3A_891 = vector.shape_cast %swap3A_890 : vector<1x1x16xf32> to vector<16xf32>
        %swap3A_892 = vector.shape_cast %add3A_885 : vector<16xf32> to vector<1x1x16xf32>
        tpu.vector_store %arg7[%swap3A_887, %swap3A_888, %swap3A_889], %swap3A_892 {strides = array<i32>} : memref<4x400x64xf32, #tpu.memory_space<vmem>>, vector<1x1x16xf32>,
        %get3A_893 = arith.index_cast %add3A_810 : i32 to index
        %get3A_894 = arith.constant 32 : index
        %get3A_895 = tpu.vector_load %arg8[%get3A_893, %get3A_894] {strides = array<i32>} : memref<200x64xf32, #tpu.memory_space<vmem>>, vector<1x16xf32>,
        %get3A_896 = vector.shape_cast %get3A_895 : vector<1x16xf32> to vector<16xf32>
        %add3A_897 = arith.constant 0 : i32
        %add3A_898 = arith.addi %add3A_897, %add3A_810 : i32
        %get3A_899 = arith.constant 2 : i32
        %get3A_900 = arith.index_cast %get3A_899 : i32 to index
        %get3A_901 = arith.index_cast %add3A_898 : i32 to index
        %get3A_902 = arith.constant 32 : index
        %get3A_903 = tpu.vector_load %arg7[%get3A_900, %get3A_901, %get3A_902] {strides = array<i32>} : memref<4x400x64xf32, #tpu.memory_space<vmem>>, vector<1x1x16xf32>,
        %get3A_904 = vector.shape_cast %get3A_903 : vector<1x1x16xf32> to vector<16xf32>
        %mul3A_905 = arith.constant 8.000000e+00 : f32
        %mul3A_906 = vector.broadcast %mul3A_905 : f32 to vector<16xf32>
        %mul3A_907 = arith.mulf %get3A_904, %mul3A_906 : vector<16xf32>
        %add3A_908 = arith.addf %mul3A_907, %get3A_896 : vector<16xf32>
        %swap3A_909 = arith.constant 2 : i32
        %swap3A_910 = arith.index_cast %swap3A_909 : i32 to index
        %swap3A_911 = arith.index_cast %add3A_898 : i32 to index
        %swap3A_912 = arith.constant 32 : index
        %swap3A_913 = tpu.vector_load %arg7[%swap3A_910, %swap3A_911, %swap3A_912] {strides = array<i32>} : memref<4x400x64xf32, #tpu.memory_space<vmem>>, vector<1x1x16xf32>,
        %swap3A_914 = vector.shape_cast %swap3A_913 : vector<1x1x16xf32> to vector<16xf32>
        %swap3A_915 = vector.shape_cast %add3A_908 : vector<16xf32> to vector<1x1x16xf32>
        tpu.vector_store %arg7[%swap3A_910, %swap3A_911, %swap3A_912], %swap3A_915 {strides = array<i32>} : memref<4x400x64xf32, #tpu.memory_space<vmem>>, vector<1x1x16xf32>,
        %add3A_916 = arith.constant 200 : i32
        %add3A_917 = arith.addi %add3A_916, %add3A_810 : i32
        %get3A_918 = arith.constant 2 : i32
        %get3A_919 = arith.index_cast %get3A_918 : i32 to index
        %get3A_920 = arith.index_cast %add3A_917 : i32 to index
        %get3A_921 = arith.constant 32 : index
        %get3A_922 = tpu.vector_load %arg7[%get3A_919, %get3A_920, %get3A_921] {strides = array<i32>} : memref<4x400x64xf32, #tpu.memory_space<vmem>>, vector<1x1x16xf32>,
        %get3A_923 = vector.shape_cast %get3A_922 : vector<1x1x16xf32> to vector<16xf32>
        %mul3A_924 = arith.constant 8.000000e+00 : f32
        %mul3A_925 = vector.broadcast %mul3A_924 : f32 to vector<16xf32>
        %mul3A_926 = arith.mulf %get3A_923, %mul3A_925 : vector<16xf32>
        %add3A_927 = arith.addf %mul3A_926, %get3A_896 : vector<16xf32>
        %swap3A_928 = arith.constant 2 : i32
        %swap3A_929 = arith.index_cast %swap3A_928 : i32 to index
        %swap3A_930 = arith.index_cast %add3A_917 : i32 to index
        %swap3A_931 = arith.constant 32 : index
        %swap3A_932 = tpu.vector_load %arg7[%swap3A_929, %swap3A_930, %swap3A_931] {strides = array<i32>} : memref<4x400x64xf32, #tpu.memory_space<vmem>>, vector<1x1x16xf32>,
        %swap3A_933 = vector.shape_cast %swap3A_932 : vector<1x1x16xf32> to vector<16xf32>
        %swap3A_934 = vector.shape_cast %add3A_927 : vector<16xf32> to vector<1x1x16xf32>
        tpu.vector_store %arg7[%swap3A_929, %swap3A_930, %swap3A_931], %swap3A_934 {strides = array<i32>} : memref<4x400x64xf32, #tpu.memory_space<vmem>>, vector<1x1x16xf32>,
        %get3A_935 = arith.index_cast %add3A_810 : i32 to index
        %get3A_936 = arith.constant 48 : index
        %get3A_937 = tpu.vector_load %arg8[%get3A_935, %get3A_936] {strides = array<i32>} : memref<200x64xf32, #tpu.memory_space<vmem>>, vector<1x16xf32>,
        %get3A_938 = vector.shape_cast %get3A_937 : vector<1x16xf32> to vector<16xf32>
        %add3A_939 = arith.constant 0 : i32
        %add3A_940 = arith.addi %add3A_939, %add3A_810 : i32
        %get3A_941 = arith.constant 2 : i32
        %get3A_942 = arith.index_cast %get3A_941 : i32 to index
        %get3A_943 = arith.index_cast %add3A_940 : i32 to index
        %get3A_944 = arith.constant 48 : index
        %get3A_945 = tpu.vector_load %arg7[%get3A_942, %get3A_943, %get3A_944] {strides = array<i32>} : memref<4x400x64xf32, #tpu.memory_space<vmem>>, vector<1x1x16xf32>,
        %get3A_946 = vector.shape_cast %get3A_945 : vector<1x1x16xf32> to vector<16xf32>
        %mul3A_947 = arith.constant 8.000000e+00 : f32
        %mul3A_948 = vector.broadcast %mul3A_947 : f32 to vector<16xf32>
        %mul3A_949 = arith.mulf %get3A_946, %mul3A_948 : vector<16xf32>
        %add3A_950 = arith.addf %mul3A_949, %get3A_938 : vector<16xf32>
        %swap3A_951 = arith.constant 2 : i32
        %swap3A_952 = arith.index_cast %swap3A_951 : i32 to index
        %swap3A_953 = arith.index_cast %add3A_940 : i32 to index
        %swap3A_954 = arith.constant 48 : index
        %swap3A_955 = tpu.vector_load %arg7[%swap3A_952, %swap3A_953, %swap3A_954] {strides = array<i32>} : memref<4x400x64xf32, #tpu.memory_space<vmem>>, vector<1x1x16xf32>,
        %swap3A_956 = vector.shape_cast %swap3A_955 : vector<1x1x16xf32> to vector<16xf32>
        %swap3A_957 = vector.shape_cast %add3A_950 : vector<16xf32> to vector<1x1x16xf32>
        tpu.vector_store %arg7[%swap3A_952, %swap3A_953, %swap3A_954], %swap3A_957 {strides = array<i32>} : memref<4x400x64xf32, #tpu.memory_space<vmem>>, vector<1x1x16xf32>,
        %add3A_958 = arith.constant 200 : i32
        %add3A_959 = arith.addi %add3A_958, %add3A_810 : i32
        %get3A_960 = arith.constant 2 : i32
        %get3A_961 = arith.index_cast %get3A_960 : i32 to index
        %get3A_962 = arith.index_cast %add3A_959 : i32 to index
        %get3A_963 = arith.constant 48 : index
        %get3A_964 = tpu.vector_load %arg7[%get3A_961, %get3A_962, %get3A_963] {strides = array<i32>} : memref<4x400x64xf32, #tpu.memory_space<vmem>>, vector<1x1x16xf32>,
        %get3A_965 = vector.shape_cast %get3A_964 : vector<1x1x16xf32> to vector<16xf32>
        %mul3A_966 = arith.constant 8.000000e+00 : f32
        %mul3A_967 = vector.broadcast %mul3A_966 : f32 to vector<16xf32>
        %mul3A_968 = arith.mulf %get3A_965, %mul3A_967 : vector<16xf32>
        %add3A_969 = arith.addf %mul3A_968, %get3A_938 : vector<16xf32>
        %swap3A_970 = arith.constant 2 : i32
        %swap3A_971 = arith.index_cast %swap3A_970 : i32 to index
        %swap3A_972 = arith.index_cast %add3A_959 : i32 to index
        %swap3A_973 = arith.constant 48 : index
        %swap3A_974 = tpu.vector_load %arg7[%swap3A_971, %swap3A_972, %swap3A_973] {strides = array<i32>} : memref<4x400x64xf32, #tpu.memory_space<vmem>>, vector<1x1x16xf32>,
        %swap3A_975 = vector.shape_cast %swap3A_974 : vector<1x1x16xf32> to vector<16xf32>
        %swap3A_976 = vector.shape_cast %add3A_969 : vector<16xf32> to vector<1x1x16xf32>
        tpu.vector_store %arg7[%swap3A_971, %swap3A_972, %swap3A_973], %swap3A_976 {strides = array<i32>} : memref<4x400x64xf32, #tpu.memory_space<vmem>>, vector<1x1x16xf32>,
      }
      %scan3A_675 = arith.constant 200 : i32
      %mul3A_676 = arith.constant 400 : i32
      %mul3A_677 = arith.muli %add3A_585, %mul3A_676 : i32
      %add3A_678 = arith.addi %mul3A_2, %mul3A_677 : i32
      %dma_start3A_679 = arith.constant 2 : i32
      %dma_start3A_680 = arith.constant 2 : i32
      %dma_start3A_681 = arith.constant 0 : i32
      %dma_start3A_682 = arith.constant 0 : i32
      %dma_start3A_683 = tpu.memref_slice %arg7[%dma_start3A_679, %dma_start3A_681, %dma_start3A_682] : memref<4x400x64xf32, #tpu.memory_space<vmem>> -> memref<1x400x64xf32, #tpu.memory_space<vmem>>
      %dma_start3A_684 = tpu.memref_squeeze %dma_start3A_683 : memref<1x400x64xf32, #tpu.memory_space<vmem>> -> memref<400x64xf32, #tpu.memory_space<vmem>>
      %dma_start3A_685 = arith.constant 0 : i32
      %dma_start3A_686 = tpu.memref_slice %arg5[%add3A_678, %dma_start3A_685] : memref<819200x64xf32, #tpu.memory_space<hbm>> -> memref<400x64xf32, #tpu.memory_space<hbm>>
      %dma_start3A_687 = tpu.memref_slice %arg10[%dma_start3A_680] : memref<4x!tpu.dma_semaphore, #tpu.memory_space<semaphore_mem>> -> memref<1x!tpu.dma_semaphore, #tpu.memory_space<semaphore_mem>>
      %dma_start3A_688 = tpu.memref_squeeze %dma_start3A_687 : memref<1x!tpu.dma_semaphore, #tpu.memory_space<semaphore_mem>> -> memref<!tpu.dma_semaphore, #tpu.memory_space<semaphore_mem>>
      %dma_start3A_689 = arith.constant 0 : i32
      %dma_start3A_690 = tpu.memref_slice %arg5[%add3A_678, %dma_start3A_689] : memref<819200x64xf32, #tpu.memory_space<hbm>> -> memref<400x64xf32, #tpu.memory_space<hbm>>
      %dma_start3A_691 = arith.constant 0 : i32
      %dma_start3A_692 = arith.constant 0 : i32
      %dma_start3A_693 = tpu.memref_slice %arg7[%dma_start3A_679, %dma_start3A_691, %dma_start3A_692] : memref<4x400x64xf32, #tpu.memory_space<vmem>> -> memref<1x400x64xf32, #tpu.memory_space<vmem>>
      %dma_start3A_694 = tpu.memref_squeeze %dma_start3A_693 : memref<1x400x64xf32, #tpu.memory_space<vmem>> -> memref<400x64xf32, #tpu.memory_space<vmem>>
      tpu.enqueue_dma source(%dma_start3A_694 : memref<400x64xf32, #tpu.memory_space<vmem>>) target(%dma_start3A_690 : memref<400x64xf32, #tpu.memory_space<hbm>>) target_semaphore(%dma_start3A_688 : memref<!tpu.dma_semaphore, #tpu.memory_space<semaphore_mem>>)
      %add3A_695 = arith.constant 3 : i32
      %add3A_696 = arith.addi %add3A_366, %add3A_695 : i32
      %gt3A_697 = arith.constant 0 : i32
      %gt3A_698 = arith.cmpi sgt, %add3A_696, %gt3A_697 : i32
      %convert_element_type3A_699 = arith.extui %gt3A_698 : i1 to i32
      %cond3A_700 = arith.constant 0 : i32
      %cond3A_701 = arith.cmpi ne, %convert_element_type3A_699, %cond3A_700 : i32
      scf.if %cond3A_701 {
        %sub3A_806 = arith.constant 1 : i32
        %sub3A_807 = arith.subi %add3A_696, %sub3A_806 : i32
        %mul3A_808 = arith.constant 400 : i32
        %mul3A_809 = arith.muli %sub3A_807, %mul3A_808 : i32
        %add3A_810 = arith.addi %mul3A_2, %mul3A_809 : i32
        %dma_wait3A_811 = arith.constant 2 : i32
        %dma_wait3A_812 = arith.constant 2 : i32
        %dma_wait3A_813 = arith.constant 0 : i32
        %dma_wait3A_814 = arith.constant 0 : i32
        %dma_wait3A_815 = tpu.memref_slice %arg7[%dma_wait3A_811, %dma_wait3A_813, %dma_wait3A_814] : memref<4x400x64xf32, #tpu.memory_space<vmem>> -> memref<1x400x64xf32, #tpu.memory_space<vmem>>
        %dma_wait3A_816 = tpu.memref_squeeze %dma_wait3A_815 : memref<1x400x64xf32, #tpu.memory_space<vmem>> -> memref<400x64xf32, #tpu.memory_space<vmem>>
        %dma_wait3A_817 = arith.constant 0 : i32
        %dma_wait3A_818 = tpu.memref_slice %arg5[%add3A_810, %dma_wait3A_817] : memref<819200x64xf32, #tpu.memory_space<hbm>> -> memref<400x64xf32, #tpu.memory_space<hbm>>
        %dma_wait3A_819 = tpu.memref_slice %arg10[%dma_wait3A_812] : memref<4x!tpu.dma_semaphore, #tpu.memory_space<semaphore_mem>> -> memref<1x!tpu.dma_semaphore, #tpu.memory_space<semaphore_mem>>
        %dma_wait3A_820 = tpu.memref_squeeze %dma_wait3A_819 : memref<1x!tpu.dma_semaphore, #tpu.memory_space<semaphore_mem>> -> memref<!tpu.dma_semaphore, #tpu.memory_space<semaphore_mem>>
        %dma_wait3A_821 = arith.constant 0 : i32
        %dma_wait3A_822 = tpu.memref_slice %arg5[%add3A_810, %dma_wait3A_821] : memref<819200x64xf32, #tpu.memory_space<hbm>> -> memref<400x64xf32, #tpu.memory_space<hbm>>
        %dma_wait3A_823 = arith.constant 0 : i32
        %dma_wait3A_824 = arith.constant 0 : i32
        %dma_wait3A_825 = tpu.memref_slice %arg7[%dma_wait3A_811, %dma_wait3A_823, %dma_wait3A_824] : memref<4x400x64xf32, #tpu.memory_space<vmem>> -> memref<1x400x64xf32, #tpu.memory_space<vmem>>
        %dma_wait3A_826 = tpu.memref_squeeze %dma_wait3A_825 : memref<1x400x64xf32, #tpu.memory_space<vmem>> -> memref<400x64xf32, #tpu.memory_space<vmem>>
        tpu.wait_dma2 semaphore(%dma_wait3A_820 : memref<!tpu.dma_semaphore, #tpu.memory_space<semaphore_mem>>) src(%dma_wait3A_826 : memref<400x64xf32, #tpu.memory_space<vmem>>) dst(%dma_wait3A_822 : memref<400x64xf32, #tpu.memory_space<hbm>>)
      } else {
      }
      %add3A_702 = arith.constant 4 : i32
      %add3A_703 = arith.addi %add3A_696, %add3A_702 : i32
      %sub3A_704 = arith.constant 1 : i32
      %sub3A_705 = arith.subi %add3A_703, %sub3A_704 : i32
      %lt3A_706 = arith.constant 64 : i32
      %lt3A_707 = arith.cmpi slt, %sub3A_705, %lt3A_706 : i32
      %convert_element_type3A_708 = arith.extui %lt3A_707 : i1 to i32
      %cond3A_709 = arith.constant 0 : i32
      %cond3A_710 = arith.cmpi ne, %convert_element_type3A_708, %cond3A_709 : i32
      scf.if %cond3A_710 {
        %dma_wait3A_806 = arith.constant 0 : i32
        %dma_wait3A_807 = arith.constant 2 : i32
        %dma_wait3A_808 = arith.constant 2 : i32
        %dma_wait3A_809 = arith.constant 0 : i32
        %dma_wait3A_810 = arith.constant 0 : i32
        %dma_wait3A_811 = tpu.memref_slice %arg6[%dma_wait3A_807, %dma_wait3A_809, %dma_wait3A_810] : memref<4x4x100xi32, #tpu.memory_space<vmem>> -> memref<1x4x100xi32, #tpu.memory_space<vmem>>
        %dma_wait3A_812 = tpu.memref_squeeze %dma_wait3A_811 : memref<1x4x100xi32, #tpu.memory_space<vmem>> -> memref<4x100xi32, #tpu.memory_space<vmem>>
        %dma_wait3A_813 = arith.constant 0 : i32
        %dma_wait3A_814 = arith.constant 0 : i32
        %dma_wait3A_815 = tpu.memref_slice %arg2[%add3A, %dma_wait3A_806, %dma_wait3A_813, %dma_wait3A_814] : memref<32x64x4x100xi32, #tpu.memory_space<hbm>> -> memref<1x1x4x100xi32, #tpu.memory_space<hbm>>
        %dma_wait3A_816 = tpu.memref_squeeze %dma_wait3A_815 : memref<1x1x4x100xi32, #tpu.memory_space<hbm>> -> memref<4x100xi32, #tpu.memory_space<hbm>>
        %dma_wait3A_817 = tpu.memref_slice %arg11[%dma_wait3A_808] : memref<4x!tpu.dma_semaphore, #tpu.memory_space<semaphore_mem>> -> memref<1x!tpu.dma_semaphore, #tpu.memory_space<semaphore_mem>>
        %dma_wait3A_818 = tpu.memref_squeeze %dma_wait3A_817 : memref<1x!tpu.dma_semaphore, #tpu.memory_space<semaphore_mem>> -> memref<!tpu.dma_semaphore, #tpu.memory_space<semaphore_mem>>
        %dma_wait3A_819 = arith.constant 0 : i32
        %dma_wait3A_820 = arith.constant 0 : i32
        %dma_wait3A_821 = tpu.memref_slice %arg6[%dma_wait3A_807, %dma_wait3A_819, %dma_wait3A_820] : memref<4x4x100xi32, #tpu.memory_space<vmem>> -> memref<1x4x100xi32, #tpu.memory_space<vmem>>
        %dma_wait3A_822 = tpu.memref_squeeze %dma_wait3A_821 : memref<1x4x100xi32, #tpu.memory_space<vmem>> -> memref<4x100xi32, #tpu.memory_space<vmem>>
        %dma_wait3A_823 = arith.constant 0 : i32
        %dma_wait3A_824 = arith.constant 0 : i32
        %dma_wait3A_825 = tpu.memref_slice %arg2[%add3A, %dma_wait3A_806, %dma_wait3A_823, %dma_wait3A_824] : memref<32x64x4x100xi32, #tpu.memory_space<hbm>> -> memref<1x1x4x100xi32, #tpu.memory_space<hbm>>
        %dma_wait3A_826 = tpu.memref_squeeze %dma_wait3A_825 : memref<1x1x4x100xi32, #tpu.memory_space<hbm>> -> memref<4x100xi32, #tpu.memory_space<hbm>>
        tpu.wait_dma2 semaphore(%dma_wait3A_818 : memref<!tpu.dma_semaphore, #tpu.memory_space<semaphore_mem>>) src(%dma_wait3A_826 : memref<4x100xi32, #tpu.memory_space<hbm>>) dst(%dma_wait3A_822 : memref<4x100xi32, #tpu.memory_space<vmem>>)
        %add3A_827 = arith.constant 4 : i32
        %add3A_828 = arith.addi %add3A_696, %add3A_827 : i32
        %sub3A_829 = arith.constant 1 : i32
        %sub3A_830 = arith.subi %add3A_828, %sub3A_829 : i32
        %dma_start3A_831 = arith.constant 2 : i32
        %dma_start3A_832 = arith.constant 0 : i32
        %dma_start3A_833 = arith.constant 2 : i32
        %dma_start3A_834 = arith.constant 2 : i32
        %dma_start3A_835 = arith.constant 0 : i32
        %dma_start3A_836 = arith.constant 0 : i32
        %dma_start3A_837 = tpu.memref_slice %arg7[%dma_start3A_833, %dma_start3A_835, %dma_start3A_836] : memref<4x400x64xf32, #tpu.memory_space<vmem>> -> memref<1x100x64xf32, #tpu.memory_space<vmem>>
        %dma_start3A_838 = tpu.memref_squeeze %dma_start3A_837 : memref<1x100x64xf32, #tpu.memory_space<vmem>> -> memref<100x64xf32, #tpu.memory_space<vmem>>
        %dma_start3A_839 = arith.constant 0 : i32
        %dma_start3A_840 = tpu.memref_slice %arg6[%dma_start3A_831, %dma_start3A_832, %dma_start3A_839] : memref<4x4x100xi32, #tpu.memory_space<vmem>> -> memref<1x1x100xi32, #tpu.memory_space<vmem>>
        %dma_start3A_841 = tpu.memref_squeeze %dma_start3A_840 : memref<1x1x100xi32, #tpu.memory_space<vmem>> -> memref<100xi32, #tpu.memory_space<vmem>>
        %dma_start3A_842 = arith.constant 0 : i32
        %dma_start3A_843 = arith.constant 0 : i32
        %dma_start3A_844 = tpu.memref_slice %arg3[%dma_start3A_842, %dma_start3A_843] : memref<1000000x64xf32, #tpu.memory_space<hbm>> -> memref<1000000x64xf32, #tpu.memory_space<hbm>>
        %dma_start3A_845 = tpu.memref_slice %arg9[%dma_start3A_834] : memref<4x!tpu.dma_semaphore, #tpu.memory_space<semaphore_mem>> -> memref<1x!tpu.dma_semaphore, #tpu.memory_space<semaphore_mem>>
        %dma_start3A_846 = tpu.memref_squeeze %dma_start3A_845 : memref<1x!tpu.dma_semaphore, #tpu.memory_space<semaphore_mem>> -> memref<!tpu.dma_semaphore, #tpu.memory_space<semaphore_mem>>
        tpu.enqueue_indirect_dma source(%dma_start3A_844 : memref<1000000x64xf32, #tpu.memory_space<hbm>>) target(%dma_start3A_838 : memref<100x64xf32, #tpu.memory_space<vmem>>) offsets(%dma_start3A_841 : memref<100xi32, #tpu.memory_space<vmem>>) semaphore(%dma_start3A_846 : memref<!tpu.dma_semaphore, #tpu.memory_space<semaphore_mem>>)
        %dma_start3A_847 = arith.constant 2 : i32
        %dma_start3A_848 = arith.constant 1 : i32
        %dma_start3A_849 = arith.constant 2 : i32
        %dma_start3A_850 = arith.constant 2 : i32
        %dma_start3A_851 = arith.constant 100 : i32
        %dma_start3A_852 = arith.constant 0 : i32
        %dma_start3A_853 = tpu.memref_slice %arg7[%dma_start3A_849, %dma_start3A_851, %dma_start3A_852] : memref<4x400x64xf32, #tpu.memory_space<vmem>> -> memref<1x100x64xf32, #tpu.memory_space<vmem>>
        %dma_start3A_854 = tpu.memref_squeeze %dma_start3A_853 : memref<1x100x64xf32, #tpu.memory_space<vmem>> -> memref<100x64xf32, #tpu.memory_space<vmem>>
        %dma_start3A_855 = arith.constant 0 : i32
        %dma_start3A_856 = tpu.memref_slice %arg6[%dma_start3A_847, %dma_start3A_848, %dma_start3A_855] : memref<4x4x100xi32, #tpu.memory_space<vmem>> -> memref<1x1x100xi32, #tpu.memory_space<vmem>>
        %dma_start3A_857 = tpu.memref_squeeze %dma_start3A_856 : memref<1x1x100xi32, #tpu.memory_space<vmem>> -> memref<100xi32, #tpu.memory_space<vmem>>
        %dma_start3A_858 = arith.constant 0 : i32
        %dma_start3A_859 = arith.constant 0 : i32
        %dma_start3A_860 = tpu.memref_slice %arg3[%dma_start3A_858, %dma_start3A_859] : memref<1000000x64xf32, #tpu.memory_space<hbm>> -> memref<1000000x64xf32, #tpu.memory_space<hbm>>
        %dma_start3A_861 = tpu.memref_slice %arg9[%dma_start3A_850] : memref<4x!tpu.dma_semaphore, #tpu.memory_space<semaphore_mem>> -> memref<1x!tpu.dma_semaphore, #tpu.memory_space<semaphore_mem>>
        %dma_start3A_862 = tpu.memref_squeeze %dma_start3A_861 : memref<1x!tpu.dma_semaphore, #tpu.memory_space<semaphore_mem>> -> memref<!tpu.dma_semaphore, #tpu.memory_space<semaphore_mem>>
        tpu.enqueue_indirect_dma source(%dma_start3A_860 : memref<1000000x64xf32, #tpu.memory_space<hbm>>) target(%dma_start3A_854 : memref<100x64xf32, #tpu.memory_space<vmem>>) offsets(%dma_start3A_857 : memref<100xi32, #tpu.memory_space<vmem>>) semaphore(%dma_start3A_862 : memref<!tpu.dma_semaphore, #tpu.memory_space<semaphore_mem>>)
        %dma_start3A_863 = arith.constant 2 : i32
        %dma_start3A_864 = arith.constant 2 : i32
        %dma_start3A_865 = arith.constant 2 : i32
        %dma_start3A_866 = arith.constant 2 : i32
        %dma_start3A_867 = arith.constant 200 : i32
        %dma_start3A_868 = arith.constant 0 : i32
        %dma_start3A_869 = tpu.memref_slice %arg7[%dma_start3A_865, %dma_start3A_867, %dma_start3A_868] : memref<4x400x64xf32, #tpu.memory_space<vmem>> -> memref<1x100x64xf32, #tpu.memory_space<vmem>>
        %dma_start3A_870 = tpu.memref_squeeze %dma_start3A_869 : memref<1x100x64xf32, #tpu.memory_space<vmem>> -> memref<100x64xf32, #tpu.memory_space<vmem>>
        %dma_start3A_871 = arith.constant 0 : i32
        %dma_start3A_872 = tpu.memref_slice %arg6[%dma_start3A_863, %dma_start3A_864, %dma_start3A_871] : memref<4x4x100xi32, #tpu.memory_space<vmem>> -> memref<1x1x100xi32, #tpu.memory_space<vmem>>
        %dma_start3A_873 = tpu.memref_squeeze %dma_start3A_872 : memref<1x1x100xi32, #tpu.memory_space<vmem>> -> memref<100xi32, #tpu.memory_space<vmem>>
        %dma_start3A_874 = arith.constant 0 : i32
        %dma_start3A_875 = arith.constant 0 : i32
        %dma_start3A_876 = tpu.memref_slice %arg3[%dma_start3A_874, %dma_start3A_875] : memref<1000000x64xf32, #tpu.memory_space<hbm>> -> memref<1000000x64xf32, #tpu.memory_space<hbm>>
        %dma_start3A_877 = tpu.memref_slice %arg9[%dma_start3A_866] : memref<4x!tpu.dma_semaphore, #tpu.memory_space<semaphore_mem>> -> memref<1x!tpu.dma_semaphore, #tpu.memory_space<semaphore_mem>>
        %dma_start3A_878 = tpu.memref_squeeze %dma_start3A_877 : memref<1x!tpu.dma_semaphore, #tpu.memory_space<semaphore_mem>> -> memref<!tpu.dma_semaphore, #tpu.memory_space<semaphore_mem>>
        tpu.enqueue_indirect_dma source(%dma_start3A_876 : memref<1000000x64xf32, #tpu.memory_space<hbm>>) target(%dma_start3A_870 : memref<100x64xf32, #tpu.memory_space<vmem>>) offsets(%dma_start3A_873 : memref<100xi32, #tpu.memory_space<vmem>>) semaphore(%dma_start3A_878 : memref<!tpu.dma_semaphore, #tpu.memory_space<semaphore_mem>>)
        %dma_start3A_879 = arith.constant 2 : i32
        %dma_start3A_880 = arith.constant 3 : i32
        %dma_start3A_881 = arith.constant 2 : i32
        %dma_start3A_882 = arith.constant 2 : i32
        %dma_start3A_883 = arith.constant 300 : i32
        %dma_start3A_884 = arith.constant 0 : i32
        %dma_start3A_885 = tpu.memref_slice %arg7[%dma_start3A_881, %dma_start3A_883, %dma_start3A_884] : memref<4x400x64xf32, #tpu.memory_space<vmem>> -> memref<1x100x64xf32, #tpu.memory_space<vmem>>
        %dma_start3A_886 = tpu.memref_squeeze %dma_start3A_885 : memref<1x100x64xf32, #tpu.memory_space<vmem>> -> memref<100x64xf32, #tpu.memory_space<vmem>>
        %dma_start3A_887 = arith.constant 0 : i32
        %dma_start3A_888 = tpu.memref_slice %arg6[%dma_start3A_879, %dma_start3A_880, %dma_start3A_887] : memref<4x4x100xi32, #tpu.memory_space<vmem>> -> memref<1x1x100xi32, #tpu.memory_space<vmem>>
        %dma_start3A_889 = tpu.memref_squeeze %dma_start3A_888 : memref<1x1x100xi32, #tpu.memory_space<vmem>> -> memref<100xi32, #tpu.memory_space<vmem>>
        %dma_start3A_890 = arith.constant 0 : i32
        %dma_start3A_891 = arith.constant 0 : i32
        %dma_start3A_892 = tpu.memref_slice %arg3[%dma_start3A_890, %dma_start3A_891] : memref<1000000x64xf32, #tpu.memory_space<hbm>> -> memref<1000000x64xf32, #tpu.memory_space<hbm>>
        %dma_start3A_893 = tpu.memref_slice %arg9[%dma_start3A_882] : memref<4x!tpu.dma_semaphore, #tpu.memory_space<semaphore_mem>> -> memref<1x!tpu.dma_semaphore, #tpu.memory_space<semaphore_mem>>
        %dma_start3A_894 = tpu.memref_squeeze %dma_start3A_893 : memref<1x!tpu.dma_semaphore, #tpu.memory_space<semaphore_mem>> -> memref<!tpu.dma_semaphore, #tpu.memory_space<semaphore_mem>>
        tpu.enqueue_indirect_dma source(%dma_start3A_892 : memref<1000000x64xf32, #tpu.memory_space<hbm>>) target(%dma_start3A_886 : memref<100x64xf32, #tpu.memory_space<vmem>>) offsets(%dma_start3A_889 : memref<100xi32, #tpu.memory_space<vmem>>) semaphore(%dma_start3A_894 : memref<!tpu.dma_semaphore, #tpu.memory_space<semaphore_mem>>)
      } else {
      }
      %dma_wait3A_711 = arith.constant 3 : i32
      %dma_wait3A_712 = arith.constant 0 : i32
      %dma_wait3A_713 = arith.constant 3 : i32
      %dma_wait3A_714 = arith.constant 3 : i32
      %dma_wait3A_715 = arith.constant 0 : i32
      %dma_wait3A_716 = arith.constant 0 : i32
      %dma_wait3A_717 = tpu.memref_slice %arg7[%dma_wait3A_713, %dma_wait3A_715, %dma_wait3A_716] : memref<4x400x64xf32, #tpu.memory_space<vmem>> -> memref<1x100x64xf32, #tpu.memory_space<vmem>>
      %dma_wait3A_718 = tpu.memref_squeeze %dma_wait3A_717 : memref<1x100x64xf32, #tpu.memory_space<vmem>> -> memref<100x64xf32, #tpu.memory_space<vmem>>
      %dma_wait3A_719 = arith.constant 0 : i32
      %dma_wait3A_720 = tpu.memref_slice %arg6[%dma_wait3A_711, %dma_wait3A_712, %dma_wait3A_719] : memref<4x4x100xi32, #tpu.memory_space<vmem>> -> memref<1x1x100xi32, #tpu.memory_space<vmem>>
      %dma_wait3A_721 = tpu.memref_squeeze %dma_wait3A_720 : memref<1x1x100xi32, #tpu.memory_space<vmem>> -> memref<100xi32, #tpu.memory_space<vmem>>
      %dma_wait3A_722 = arith.constant 0 : i32
      %dma_wait3A_723 = arith.constant 0 : i32
      %dma_wait3A_724 = tpu.memref_slice %arg3[%dma_wait3A_722, %dma_wait3A_723] : memref<1000000x64xf32, #tpu.memory_space<hbm>> -> memref<1000000x64xf32, #tpu.memory_space<hbm>>
      %dma_wait3A_725 = tpu.memref_slice %arg9[%dma_wait3A_714] : memref<4x!tpu.dma_semaphore, #tpu.memory_space<semaphore_mem>> -> memref<1x!tpu.dma_semaphore, #tpu.memory_space<semaphore_mem>>
      %dma_wait3A_726 = tpu.memref_squeeze %dma_wait3A_725 : memref<1x!tpu.dma_semaphore, #tpu.memory_space<semaphore_mem>> -> memref<!tpu.dma_semaphore, #tpu.memory_space<semaphore_mem>>
      tpu.wait_indirect_dma semaphore(%dma_wait3A_726 : memref<!tpu.dma_semaphore, #tpu.memory_space<semaphore_mem>>) src(%dma_wait3A_724 : memref<1000000x64xf32, #tpu.memory_space<hbm>>) dst(%dma_wait3A_718 : memref<100x64xf32, #tpu.memory_space<vmem>>)
      %dma_wait3A_727 = arith.constant 3 : i32
      %dma_wait3A_728 = arith.constant 1 : i32
      %dma_wait3A_729 = arith.constant 3 : i32
      %dma_wait3A_730 = arith.constant 3 : i32
      %dma_wait3A_731 = arith.constant 100 : i32
      %dma_wait3A_732 = arith.constant 0 : i32
      %dma_wait3A_733 = tpu.memref_slice %arg7[%dma_wait3A_729, %dma_wait3A_731, %dma_wait3A_732] : memref<4x400x64xf32, #tpu.memory_space<vmem>> -> memref<1x100x64xf32, #tpu.memory_space<vmem>>
      %dma_wait3A_734 = tpu.memref_squeeze %dma_wait3A_733 : memref<1x100x64xf32, #tpu.memory_space<vmem>> -> memref<100x64xf32, #tpu.memory_space<vmem>>
      %dma_wait3A_735 = arith.constant 0 : i32
      %dma_wait3A_736 = tpu.memref_slice %arg6[%dma_wait3A_727, %dma_wait3A_728, %dma_wait3A_735] : memref<4x4x100xi32, #tpu.memory_space<vmem>> -> memref<1x1x100xi32, #tpu.memory_space<vmem>>
      %dma_wait3A_737 = tpu.memref_squeeze %dma_wait3A_736 : memref<1x1x100xi32, #tpu.memory_space<vmem>> -> memref<100xi32, #tpu.memory_space<vmem>>
      %dma_wait3A_738 = arith.constant 0 : i32
      %dma_wait3A_739 = arith.constant 0 : i32
      %dma_wait3A_740 = tpu.memref_slice %arg3[%dma_wait3A_738, %dma_wait3A_739] : memref<1000000x64xf32, #tpu.memory_space<hbm>> -> memref<1000000x64xf32, #tpu.memory_space<hbm>>
      %dma_wait3A_741 = tpu.memref_slice %arg9[%dma_wait3A_730] : memref<4x!tpu.dma_semaphore, #tpu.memory_space<semaphore_mem>> -> memref<1x!tpu.dma_semaphore, #tpu.memory_space<semaphore_mem>>
      %dma_wait3A_742 = tpu.memref_squeeze %dma_wait3A_741 : memref<1x!tpu.dma_semaphore, #tpu.memory_space<semaphore_mem>> -> memref<!tpu.dma_semaphore, #tpu.memory_space<semaphore_mem>>
      tpu.wait_indirect_dma semaphore(%dma_wait3A_742 : memref<!tpu.dma_semaphore, #tpu.memory_space<semaphore_mem>>) src(%dma_wait3A_740 : memref<1000000x64xf32, #tpu.memory_space<hbm>>) dst(%dma_wait3A_734 : memref<100x64xf32, #tpu.memory_space<vmem>>)
      %dma_wait3A_743 = arith.constant 3 : i32
      %dma_wait3A_744 = arith.constant 2 : i32
      %dma_wait3A_745 = arith.constant 3 : i32
      %dma_wait3A_746 = arith.constant 3 : i32
      %dma_wait3A_747 = arith.constant 200 : i32
      %dma_wait3A_748 = arith.constant 0 : i32
      %dma_wait3A_749 = tpu.memref_slice %arg7[%dma_wait3A_745, %dma_wait3A_747, %dma_wait3A_748] : memref<4x400x64xf32, #tpu.memory_space<vmem>> -> memref<1x100x64xf32, #tpu.memory_space<vmem>>
      %dma_wait3A_750 = tpu.memref_squeeze %dma_wait3A_749 : memref<1x100x64xf32, #tpu.memory_space<vmem>> -> memref<100x64xf32, #tpu.memory_space<vmem>>
      %dma_wait3A_751 = arith.constant 0 : i32
      %dma_wait3A_752 = tpu.memref_slice %arg6[%dma_wait3A_743, %dma_wait3A_744, %dma_wait3A_751] : memref<4x4x100xi32, #tpu.memory_space<vmem>> -> memref<1x1x100xi32, #tpu.memory_space<vmem>>
      %dma_wait3A_753 = tpu.memref_squeeze %dma_wait3A_752 : memref<1x1x100xi32, #tpu.memory_space<vmem>> -> memref<100xi32, #tpu.memory_space<vmem>>
      %dma_wait3A_754 = arith.constant 0 : i32
      %dma_wait3A_755 = arith.constant 0 : i32
      %dma_wait3A_756 = tpu.memref_slice %arg3[%dma_wait3A_754, %dma_wait3A_755] : memref<1000000x64xf32, #tpu.memory_space<hbm>> -> memref<1000000x64xf32, #tpu.memory_space<hbm>>
      %dma_wait3A_757 = tpu.memref_slice %arg9[%dma_wait3A_746] : memref<4x!tpu.dma_semaphore, #tpu.memory_space<semaphore_mem>> -> memref<1x!tpu.dma_semaphore, #tpu.memory_space<semaphore_mem>>
      %dma_wait3A_758 = tpu.memref_squeeze %dma_wait3A_757 : memref<1x!tpu.dma_semaphore, #tpu.memory_space<semaphore_mem>> -> memref<!tpu.dma_semaphore, #tpu.memory_space<semaphore_mem>>
      tpu.wait_indirect_dma semaphore(%dma_wait3A_758 : memref<!tpu.dma_semaphore, #tpu.memory_space<semaphore_mem>>) src(%dma_wait3A_756 : memref<1000000x64xf32, #tpu.memory_space<hbm>>) dst(%dma_wait3A_750 : memref<100x64xf32, #tpu.memory_space<vmem>>)
      %dma_wait3A_759 = arith.constant 3 : i32
      %dma_wait3A_760 = arith.constant 3 : i32
      %dma_wait3A_761 = arith.constant 3 : i32
      %dma_wait3A_762 = arith.constant 3 : i32
      %dma_wait3A_763 = arith.constant 300 : i32
      %dma_wait3A_764 = arith.constant 0 : i32
      %dma_wait3A_765 = tpu.memref_slice %arg7[%dma_wait3A_761, %dma_wait3A_763, %dma_wait3A_764] : memref<4x400x64xf32, #tpu.memory_space<vmem>> -> memref<1x100x64xf32, #tpu.memory_space<vmem>>
      %dma_wait3A_766 = tpu.memref_squeeze %dma_wait3A_765 : memref<1x100x64xf32, #tpu.memory_space<vmem>> -> memref<100x64xf32, #tpu.memory_space<vmem>>
      %dma_wait3A_767 = arith.constant 0 : i32
      %dma_wait3A_768 = tpu.memref_slice %arg6[%dma_wait3A_759, %dma_wait3A_760, %dma_wait3A_767] : memref<4x4x100xi32, #tpu.memory_space<vmem>> -> memref<1x1x100xi32, #tpu.memory_space<vmem>>
      %dma_wait3A_769 = tpu.memref_squeeze %dma_wait3A_768 : memref<1x1x100xi32, #tpu.memory_space<vmem>> -> memref<100xi32, #tpu.memory_space<vmem>>
      %dma_wait3A_770 = arith.constant 0 : i32
      %dma_wait3A_771 = arith.constant 0 : i32
      %dma_wait3A_772 = tpu.memref_slice %arg3[%dma_wait3A_770, %dma_wait3A_771] : memref<1000000x64xf32, #tpu.memory_space<hbm>> -> memref<1000000x64xf32, #tpu.memory_space<hbm>>
      %dma_wait3A_773 = tpu.memref_slice %arg9[%dma_wait3A_762] : memref<4x!tpu.dma_semaphore, #tpu.memory_space<semaphore_mem>> -> memref<1x!tpu.dma_semaphore, #tpu.memory_space<semaphore_mem>>
      %dma_wait3A_774 = tpu.memref_squeeze %dma_wait3A_773 : memref<1x!tpu.dma_semaphore, #tpu.memory_space<semaphore_mem>> -> memref<!tpu.dma_semaphore, #tpu.memory_space<semaphore_mem>>
      tpu.wait_indirect_dma semaphore(%dma_wait3A_774 : memref<!tpu.dma_semaphore, #tpu.memory_space<semaphore_mem>>) src(%dma_wait3A_772 : memref<1000000x64xf32, #tpu.memory_space<hbm>>) dst(%dma_wait3A_766 : memref<100x64xf32, #tpu.memory_space<vmem>>)
      %add3A_775 = arith.constant 4 : i32
      %add3A_776 = arith.addi %add3A_696, %add3A_775 : i32
      %lt3A_777 = arith.constant 64 : i32
      %lt3A_778 = arith.cmpi slt, %add3A_776, %lt3A_777 : i32
      %convert_element_type3A_779 = arith.extui %lt3A_778 : i1 to i32
      %cond3A_780 = arith.constant 0 : i32
      %cond3A_781 = arith.cmpi ne, %convert_element_type3A_779, %cond3A_780 : i32
      scf.if %cond3A_781 {
        %add3A_806 = arith.constant 4 : i32
        %add3A_807 = arith.addi %add3A_696, %add3A_806 : i32
        %dma_start3A_808 = arith.constant 3 : i32
        %dma_start3A_809 = arith.constant 3 : i32
        %dma_start3A_810 = arith.constant 0 : i32
        %dma_start3A_811 = arith.constant 0 : i32
        %dma_start3A_812 = tpu.memref_slice %arg6[%dma_start3A_808, %dma_start3A_810, %dma_start3A_811] : memref<4x4x100xi32, #tpu.memory_space<vmem>> -> memref<1x4x100xi32, #tpu.memory_space<vmem>>
        %dma_start3A_813 = tpu.memref_squeeze %dma_start3A_812 : memref<1x4x100xi32, #tpu.memory_space<vmem>> -> memref<4x100xi32, #tpu.memory_space<vmem>>
        %dma_start3A_814 = arith.constant 0 : i32
        %dma_start3A_815 = arith.constant 0 : i32
        %dma_start3A_816 = tpu.memref_slice %arg2[%add3A, %add3A_807, %dma_start3A_814, %dma_start3A_815] : memref<32x64x4x100xi32, #tpu.memory_space<hbm>> -> memref<1x1x4x100xi32, #tpu.memory_space<hbm>>
        %dma_start3A_817 = tpu.memref_squeeze %dma_start3A_816 : memref<1x1x4x100xi32, #tpu.memory_space<hbm>> -> memref<4x100xi32, #tpu.memory_space<hbm>>
        %dma_start3A_818 = tpu.memref_slice %arg11[%dma_start3A_809] : memref<4x!tpu.dma_semaphore, #tpu.memory_space<semaphore_mem>> -> memref<1x!tpu.dma_semaphore, #tpu.memory_space<semaphore_mem>>
        %dma_start3A_819 = tpu.memref_squeeze %dma_start3A_818 : memref<1x!tpu.dma_semaphore, #tpu.memory_space<semaphore_mem>> -> memref<!tpu.dma_semaphore, #tpu.memory_space<semaphore_mem>>
        %dma_start3A_820 = arith.constant 0 : i32
        %dma_start3A_821 = arith.constant 0 : i32
        %dma_start3A_822 = tpu.memref_slice %arg6[%dma_start3A_808, %dma_start3A_820, %dma_start3A_821] : memref<4x4x100xi32, #tpu.memory_space<vmem>> -> memref<1x4x100xi32, #tpu.memory_space<vmem>>
        %dma_start3A_823 = tpu.memref_squeeze %dma_start3A_822 : memref<1x4x100xi32, #tpu.memory_space<vmem>> -> memref<4x100xi32, #tpu.memory_space<vmem>>
        %dma_start3A_824 = arith.constant 0 : i32
        %dma_start3A_825 = arith.constant 0 : i32
        %dma_start3A_826 = tpu.memref_slice %arg2[%add3A, %add3A_807, %dma_start3A_824, %dma_start3A_825] : memref<32x64x4x100xi32, #tpu.memory_space<hbm>> -> memref<1x1x4x100xi32, #tpu.memory_space<hbm>>
        %dma_start3A_827 = tpu.memref_squeeze %dma_start3A_826 : memref<1x1x4x100xi32, #tpu.memory_space<hbm>> -> memref<4x100xi32, #tpu.memory_space<hbm>>
        tpu.enqueue_dma source(%dma_start3A_827 : memref<4x100xi32, #tpu.memory_space<hbm>>) target(%dma_start3A_823 : memref<4x100xi32, #tpu.memory_space<vmem>>) target_semaphore(%dma_start3A_819 : memref<!tpu.dma_semaphore, #tpu.memory_space<semaphore_mem>>)
      } else {
      }
      %scan3A_782 = arith.constant 0 : i32
      %scan3A_783 = arith.constant 200 : i32
      %scan3A_784 = arith.addi %scan3A_782, %scan3A_783 : i32
      %scan3A_785 = arith.constant 1 : i32
      scf.for %scan3A_806 = %scan3A_782 to %scan3A_784 step %scan3A_785  : i32 {
        %mul3A_807 = arith.constant 1 : i32
        %mul3A_808 = arith.muli %scan3A_806, %mul3A_807 : i32
        %add3A_809 = arith.constant 0 : i32
        %add3A_810 = arith.addi %add3A_809, %mul3A_808 : i32
        %get3A = arith.index_cast %add3A_810 : i32 to index
        %get3A_811 = arith.constant 0 : index
        %get3A_812 = tpu.vector_load %arg8[%get3A, %get3A_811] {strides = array<i32>} : memref<200x64xf32, #tpu.memory_space<vmem>>, vector<1x16xf32>,
        %get3A_813 = vector.shape_cast %get3A_812 : vector<1x16xf32> to vector<16xf32>
        %add3A_814 = arith.constant 0 : i32
        %add3A_815 = arith.addi %add3A_814, %add3A_810 : i32
        %get3A_816 = arith.constant 3 : i32
        %get3A_817 = arith.index_cast %get3A_816 : i32 to index
        %get3A_818 = arith.index_cast %add3A_815 : i32 to index
        %get3A_819 = arith.constant 0 : index
        %get3A_820 = tpu.vector_load %arg7[%get3A_817, %get3A_818, %get3A_819] {strides = array<i32>} : memref<4x400x64xf32, #tpu.memory_space<vmem>>, vector<1x1x16xf32>,
        %get3A_821 = vector.shape_cast %get3A_820 : vector<1x1x16xf32> to vector<16xf32>
        %mul3A_822 = arith.constant 8.000000e+00 : f32
        %mul3A_823 = vector.broadcast %mul3A_822 : f32 to vector<16xf32>
        %mul3A_824 = arith.mulf %get3A_821, %mul3A_823 : vector<16xf32>
        %add3A_825 = arith.addf %mul3A_824, %get3A_813 : vector<16xf32>
        %swap3A = arith.constant 3 : i32
        %swap3A_826 = arith.index_cast %swap3A : i32 to index
        %swap3A_827 = arith.index_cast %add3A_815 : i32 to index
        %swap3A_828 = arith.constant 0 : index
        %swap3A_829 = tpu.vector_load %arg7[%swap3A_826, %swap3A_827, %swap3A_828] {strides = array<i32>} : memref<4x400x64xf32, #tpu.memory_space<vmem>>, vector<1x1x16xf32>,
        %swap3A_830 = vector.shape_cast %swap3A_829 : vector<1x1x16xf32> to vector<16xf32>
        %swap3A_831 = vector.shape_cast %add3A_825 : vector<16xf32> to vector<1x1x16xf32>
        tpu.vector_store %arg7[%swap3A_826, %swap3A_827, %swap3A_828], %swap3A_831 {strides = array<i32>} : memref<4x400x64xf32, #tpu.memory_space<vmem>>, vector<1x1x16xf32>,
        %add3A_832 = arith.constant 200 : i32
        %add3A_833 = arith.addi %add3A_832, %add3A_810 : i32
        %get3A_834 = arith.constant 3 : i32
        %get3A_835 = arith.index_cast %get3A_834 : i32 to index
        %get3A_836 = arith.index_cast %add3A_833 : i32 to index
        %get3A_837 = arith.constant 0 : index
        %get3A_838 = tpu.vector_load %arg7[%get3A_835, %get3A_836, %get3A_837] {strides = array<i32>} : memref<4x400x64xf32, #tpu.memory_space<vmem>>, vector<1x1x16xf32>,
        %get3A_839 = vector.shape_cast %get3A_838 : vector<1x1x16xf32> to vector<16xf32>
        %mul3A_840 = arith.constant 8.000000e+00 : f32
        %mul3A_841 = vector.broadcast %mul3A_840 : f32 to vector<16xf32>
        %mul3A_842 = arith.mulf %get3A_839, %mul3A_841 : vector<16xf32>
        %add3A_843 = arith.addf %mul3A_842, %get3A_813 : vector<16xf32>
        %swap3A_844 = arith.constant 3 : i32
        %swap3A_845 = arith.index_cast %swap3A_844 : i32 to index
        %swap3A_846 = arith.index_cast %add3A_833 : i32 to index
        %swap3A_847 = arith.constant 0 : index
        %swap3A_848 = tpu.vector_load %arg7[%swap3A_845, %swap3A_846, %swap3A_847] {strides = array<i32>} : memref<4x400x64xf32, #tpu.memory_space<vmem>>, vector<1x1x16xf32>,
        %swap3A_849 = vector.shape_cast %swap3A_848 : vector<1x1x16xf32> to vector<16xf32>
        %swap3A_850 = vector.shape_cast %add3A_843 : vector<16xf32> to vector<1x1x16xf32>
        tpu.vector_store %arg7[%swap3A_845, %swap3A_846, %swap3A_847], %swap3A_850 {strides = array<i32>} : memref<4x400x64xf32, #tpu.memory_space<vmem>>, vector<1x1x16xf32>,
        %get3A_851 = arith.index_cast %add3A_810 : i32 to index
        %get3A_852 = arith.constant 16 : index
        %get3A_853 = tpu.vector_load %arg8[%get3A_851, %get3A_852] {strides = array<i32>} : memref<200x64xf32, #tpu.memory_space<vmem>>, vector<1x16xf32>,
        %get3A_854 = vector.shape_cast %get3A_853 : vector<1x16xf32> to vector<16xf32>
        %add3A_855 = arith.constant 0 : i32
        %add3A_856 = arith.addi %add3A_855, %add3A_810 : i32
        %get3A_857 = arith.constant 3 : i32
        %get3A_858 = arith.index_cast %get3A_857 : i32 to index
        %get3A_859 = arith.index_cast %add3A_856 : i32 to index
        %get3A_860 = arith.constant 16 : index
        %get3A_861 = tpu.vector_load %arg7[%get3A_858, %get3A_859, %get3A_860] {strides = array<i32>} : memref<4x400x64xf32, #tpu.memory_space<vmem>>, vector<1x1x16xf32>,
        %get3A_862 = vector.shape_cast %get3A_861 : vector<1x1x16xf32> to vector<16xf32>
        %mul3A_863 = arith.constant 8.000000e+00 : f32
        %mul3A_864 = vector.broadcast %mul3A_863 : f32 to vector<16xf32>
        %mul3A_865 = arith.mulf %get3A_862, %mul3A_864 : vector<16xf32>
        %add3A_866 = arith.addf %mul3A_865, %get3A_854 : vector<16xf32>
        %swap3A_867 = arith.constant 3 : i32
        %swap3A_868 = arith.index_cast %swap3A_867 : i32 to index
        %swap3A_869 = arith.index_cast %add3A_856 : i32 to index
        %swap3A_870 = arith.constant 16 : index
        %swap3A_871 = tpu.vector_load %arg7[%swap3A_868, %swap3A_869, %swap3A_870] {strides = array<i32>} : memref<4x400x64xf32, #tpu.memory_space<vmem>>, vector<1x1x16xf32>,
        %swap3A_872 = vector.shape_cast %swap3A_871 : vector<1x1x16xf32> to vector<16xf32>
        %swap3A_873 = vector.shape_cast %add3A_866 : vector<16xf32> to vector<1x1x16xf32>
        tpu.vector_store %arg7[%swap3A_868, %swap3A_869, %swap3A_870], %swap3A_873 {strides = array<i32>} : memref<4x400x64xf32, #tpu.memory_space<vmem>>, vector<1x1x16xf32>,
        %add3A_874 = arith.constant 200 : i32
        %add3A_875 = arith.addi %add3A_874, %add3A_810 : i32
        %get3A_876 = arith.constant 3 : i32
        %get3A_877 = arith.index_cast %get3A_876 : i32 to index
        %get3A_878 = arith.index_cast %add3A_875 : i32 to index
        %get3A_879 = arith.constant 16 : index
        %get3A_880 = tpu.vector_load %arg7[%get3A_877, %get3A_878, %get3A_879] {strides = array<i32>} : memref<4x400x64xf32, #tpu.memory_space<vmem>>, vector<1x1x16xf32>,
        %get3A_881 = vector.shape_cast %get3A_880 : vector<1x1x16xf32> to vector<16xf32>
        %mul3A_882 = arith.constant 8.000000e+00 : f32
        %mul3A_883 = vector.broadcast %mul3A_882 : f32 to vector<16xf32>
        %mul3A_884 = arith.mulf %get3A_881, %mul3A_883 : vector<16xf32>
        %add3A_885 = arith.addf %mul3A_884, %get3A_854 : vector<16xf32>
        %swap3A_886 = arith.constant 3 : i32
        %swap3A_887 = arith.index_cast %swap3A_886 : i32 to index
        %swap3A_888 = arith.index_cast %add3A_875 : i32 to index
        %swap3A_889 = arith.constant 16 : index
        %swap3A_890 = tpu.vector_load %arg7[%swap3A_887, %swap3A_888, %swap3A_889] {strides = array<i32>} : memref<4x400x64xf32, #tpu.memory_space<vmem>>, vector<1x1x16xf32>,
        %swap3A_891 = vector.shape_cast %swap3A_890 : vector<1x1x16xf32> to vector<16xf32>
        %swap3A_892 = vector.shape_cast %add3A_885 : vector<16xf32> to vector<1x1x16xf32>
        tpu.vector_store %arg7[%swap3A_887, %swap3A_888, %swap3A_889], %swap3A_892 {strides = array<i32>} : memref<4x400x64xf32, #tpu.memory_space<vmem>>, vector<1x1x16xf32>,
        %get3A_893 = arith.index_cast %add3A_810 : i32 to index
        %get3A_894 = arith.constant 32 : index
        %get3A_895 = tpu.vector_load %arg8[%get3A_893, %get3A_894] {strides = array<i32>} : memref<200x64xf32, #tpu.memory_space<vmem>>, vector<1x16xf32>,
        %get3A_896 = vector.shape_cast %get3A_895 : vector<1x16xf32> to vector<16xf32>
        %add3A_897 = arith.constant 0 : i32
        %add3A_898 = arith.addi %add3A_897, %add3A_810 : i32
        %get3A_899 = arith.constant 3 : i32
        %get3A_900 = arith.index_cast %get3A_899 : i32 to index
        %get3A_901 = arith.index_cast %add3A_898 : i32 to index
        %get3A_902 = arith.constant 32 : index
        %get3A_903 = tpu.vector_load %arg7[%get3A_900, %get3A_901, %get3A_902] {strides = array<i32>} : memref<4x400x64xf32, #tpu.memory_space<vmem>>, vector<1x1x16xf32>,
        %get3A_904 = vector.shape_cast %get3A_903 : vector<1x1x16xf32> to vector<16xf32>
        %mul3A_905 = arith.constant 8.000000e+00 : f32
        %mul3A_906 = vector.broadcast %mul3A_905 : f32 to vector<16xf32>
        %mul3A_907 = arith.mulf %get3A_904, %mul3A_906 : vector<16xf32>
        %add3A_908 = arith.addf %mul3A_907, %get3A_896 : vector<16xf32>
        %swap3A_909 = arith.constant 3 : i32
        %swap3A_910 = arith.index_cast %swap3A_909 : i32 to index
        %swap3A_911 = arith.index_cast %add3A_898 : i32 to index
        %swap3A_912 = arith.constant 32 : index
        %swap3A_913 = tpu.vector_load %arg7[%swap3A_910, %swap3A_911, %swap3A_912] {strides = array<i32>} : memref<4x400x64xf32, #tpu.memory_space<vmem>>, vector<1x1x16xf32>,
        %swap3A_914 = vector.shape_cast %swap3A_913 : vector<1x1x16xf32> to vector<16xf32>
        %swap3A_915 = vector.shape_cast %add3A_908 : vector<16xf32> to vector<1x1x16xf32>
        tpu.vector_store %arg7[%swap3A_910, %swap3A_911, %swap3A_912], %swap3A_915 {strides = array<i32>} : memref<4x400x64xf32, #tpu.memory_space<vmem>>, vector<1x1x16xf32>,
        %add3A_916 = arith.constant 200 : i32
        %add3A_917 = arith.addi %add3A_916, %add3A_810 : i32
        %get3A_918 = arith.constant 3 : i32
        %get3A_919 = arith.index_cast %get3A_918 : i32 to index
        %get3A_920 = arith.index_cast %add3A_917 : i32 to index
        %get3A_921 = arith.constant 32 : index
        %get3A_922 = tpu.vector_load %arg7[%get3A_919, %get3A_920, %get3A_921] {strides = array<i32>} : memref<4x400x64xf32, #tpu.memory_space<vmem>>, vector<1x1x16xf32>,
        %get3A_923 = vector.shape_cast %get3A_922 : vector<1x1x16xf32> to vector<16xf32>
        %mul3A_924 = arith.constant 8.000000e+00 : f32
        %mul3A_925 = vector.broadcast %mul3A_924 : f32 to vector<16xf32>
        %mul3A_926 = arith.mulf %get3A_923, %mul3A_925 : vector<16xf32>
        %add3A_927 = arith.addf %mul3A_926, %get3A_896 : vector<16xf32>
        %swap3A_928 = arith.constant 3 : i32
        %swap3A_929 = arith.index_cast %swap3A_928 : i32 to index
        %swap3A_930 = arith.index_cast %add3A_917 : i32 to index
        %swap3A_931 = arith.constant 32 : index
        %swap3A_932 = tpu.vector_load %arg7[%swap3A_929, %swap3A_930, %swap3A_931] {strides = array<i32>} : memref<4x400x64xf32, #tpu.memory_space<vmem>>, vector<1x1x16xf32>,
        %swap3A_933 = vector.shape_cast %swap3A_932 : vector<1x1x16xf32> to vector<16xf32>
        %swap3A_934 = vector.shape_cast %add3A_927 : vector<16xf32> to vector<1x1x16xf32>
        tpu.vector_store %arg7[%swap3A_929, %swap3A_930, %swap3A_931], %swap3A_934 {strides = array<i32>} : memref<4x400x64xf32, #tpu.memory_space<vmem>>, vector<1x1x16xf32>,
        %get3A_935 = arith.index_cast %add3A_810 : i32 to index
        %get3A_936 = arith.constant 48 : index
        %get3A_937 = tpu.vector_load %arg8[%get3A_935, %get3A_936] {strides = array<i32>} : memref<200x64xf32, #tpu.memory_space<vmem>>, vector<1x16xf32>,
        %get3A_938 = vector.shape_cast %get3A_937 : vector<1x16xf32> to vector<16xf32>
        %add3A_939 = arith.constant 0 : i32
        %add3A_940 = arith.addi %add3A_939, %add3A_810 : i32
        %get3A_941 = arith.constant 3 : i32
        %get3A_942 = arith.index_cast %get3A_941 : i32 to index
        %get3A_943 = arith.index_cast %add3A_940 : i32 to index
        %get3A_944 = arith.constant 48 : index
        %get3A_945 = tpu.vector_load %arg7[%get3A_942, %get3A_943, %get3A_944] {strides = array<i32>} : memref<4x400x64xf32, #tpu.memory_space<vmem>>, vector<1x1x16xf32>,
        %get3A_946 = vector.shape_cast %get3A_945 : vector<1x1x16xf32> to vector<16xf32>
        %mul3A_947 = arith.constant 8.000000e+00 : f32
        %mul3A_948 = vector.broadcast %mul3A_947 : f32 to vector<16xf32>
        %mul3A_949 = arith.mulf %get3A_946, %mul3A_948 : vector<16xf32>
        %add3A_950 = arith.addf %mul3A_949, %get3A_938 : vector<16xf32>
        %swap3A_951 = arith.constant 3 : i32
        %swap3A_952 = arith.index_cast %swap3A_951 : i32 to index
        %swap3A_953 = arith.index_cast %add3A_940 : i32 to index
        %swap3A_954 = arith.constant 48 : index
        %swap3A_955 = tpu.vector_load %arg7[%swap3A_952, %swap3A_953, %swap3A_954] {strides = array<i32>} : memref<4x400x64xf32, #tpu.memory_space<vmem>>, vector<1x1x16xf32>,
        %swap3A_956 = vector.shape_cast %swap3A_955 : vector<1x1x16xf32> to vector<16xf32>
        %swap3A_957 = vector.shape_cast %add3A_950 : vector<16xf32> to vector<1x1x16xf32>
        tpu.vector_store %arg7[%swap3A_952, %swap3A_953, %swap3A_954], %swap3A_957 {strides = array<i32>} : memref<4x400x64xf32, #tpu.memory_space<vmem>>, vector<1x1x16xf32>,
        %add3A_958 = arith.constant 200 : i32
        %add3A_959 = arith.addi %add3A_958, %add3A_810 : i32
        %get3A_960 = arith.constant 3 : i32
        %get3A_961 = arith.index_cast %get3A_960 : i32 to index
        %get3A_962 = arith.index_cast %add3A_959 : i32 to index
        %get3A_963 = arith.constant 48 : index
        %get3A_964 = tpu.vector_load %arg7[%get3A_961, %get3A_962, %get3A_963] {strides = array<i32>} : memref<4x400x64xf32, #tpu.memory_space<vmem>>, vector<1x1x16xf32>,
        %get3A_965 = vector.shape_cast %get3A_964 : vector<1x1x16xf32> to vector<16xf32>
        %mul3A_966 = arith.constant 8.000000e+00 : f32
        %mul3A_967 = vector.broadcast %mul3A_966 : f32 to vector<16xf32>
        %mul3A_968 = arith.mulf %get3A_965, %mul3A_967 : vector<16xf32>
        %add3A_969 = arith.addf %mul3A_968, %get3A_938 : vector<16xf32>
        %swap3A_970 = arith.constant 3 : i32
        %swap3A_971 = arith.index_cast %swap3A_970 : i32 to index
        %swap3A_972 = arith.index_cast %add3A_959 : i32 to index
        %swap3A_973 = arith.constant 48 : index
        %swap3A_974 = tpu.vector_load %arg7[%swap3A_971, %swap3A_972, %swap3A_973] {strides = array<i32>} : memref<4x400x64xf32, #tpu.memory_space<vmem>>, vector<1x1x16xf32>,
        %swap3A_975 = vector.shape_cast %swap3A_974 : vector<1x1x16xf32> to vector<16xf32>
        %swap3A_976 = vector.shape_cast %add3A_969 : vector<16xf32> to vector<1x1x16xf32>
        tpu.vector_store %arg7[%swap3A_971, %swap3A_972, %swap3A_973], %swap3A_976 {strides = array<i32>} : memref<4x400x64xf32, #tpu.memory_space<vmem>>, vector<1x1x16xf32>,
      }
      %scan3A_786 = arith.constant 200 : i32
      %mul3A_787 = arith.constant 400 : i32
      %mul3A_788 = arith.muli %add3A_696, %mul3A_787 : i32
      %add3A_789 = arith.addi %mul3A_2, %mul3A_788 : i32
      %dma_start3A_790 = arith.constant 3 : i32
      %dma_start3A_791 = arith.constant 3 : i32
      %dma_start3A_792 = arith.constant 0 : i32
      %dma_start3A_793 = arith.constant 0 : i32
      %dma_start3A_794 = tpu.memref_slice %arg7[%dma_start3A_790, %dma_start3A_792, %dma_start3A_793] : memref<4x400x64xf32, #tpu.memory_space<vmem>> -> memref<1x400x64xf32, #tpu.memory_space<vmem>>
      %dma_start3A_795 = tpu.memref_squeeze %dma_start3A_794 : memref<1x400x64xf32, #tpu.memory_space<vmem>> -> memref<400x64xf32, #tpu.memory_space<vmem>>
      %dma_start3A_796 = arith.constant 0 : i32
      %dma_start3A_797 = tpu.memref_slice %arg5[%add3A_789, %dma_start3A_796] : memref<819200x64xf32, #tpu.memory_space<hbm>> -> memref<400x64xf32, #tpu.memory_space<hbm>>
      %dma_start3A_798 = tpu.memref_slice %arg10[%dma_start3A_791] : memref<4x!tpu.dma_semaphore, #tpu.memory_space<semaphore_mem>> -> memref<1x!tpu.dma_semaphore, #tpu.memory_space<semaphore_mem>>
      %dma_start3A_799 = tpu.memref_squeeze %dma_start3A_798 : memref<1x!tpu.dma_semaphore, #tpu.memory_space<semaphore_mem>> -> memref<!tpu.dma_semaphore, #tpu.memory_space<semaphore_mem>>
      %dma_start3A_800 = arith.constant 0 : i32
      %dma_start3A_801 = tpu.memref_slice %arg5[%add3A_789, %dma_start3A_800] : memref<819200x64xf32, #tpu.memory_space<hbm>> -> memref<400x64xf32, #tpu.memory_space<hbm>>
      %dma_start3A_802 = arith.constant 0 : i32
      %dma_start3A_803 = arith.constant 0 : i32
      %dma_start3A_804 = tpu.memref_slice %arg7[%dma_start3A_790, %dma_start3A_802, %dma_start3A_803] : memref<4x400x64xf32, #tpu.memory_space<vmem>> -> memref<1x400x64xf32, #tpu.memory_space<vmem>>
      %dma_start3A_805 = tpu.memref_squeeze %dma_start3A_804 : memref<1x400x64xf32, #tpu.memory_space<vmem>> -> memref<400x64xf32, #tpu.memory_space<vmem>>
      tpu.enqueue_dma source(%dma_start3A_805 : memref<400x64xf32, #tpu.memory_space<vmem>>) target(%dma_start3A_801 : memref<400x64xf32, #tpu.memory_space<hbm>>) target_semaphore(%dma_start3A_799 : memref<!tpu.dma_semaphore, #tpu.memory_space<semaphore_mem>>)
    }
    %scan3A_343 = arith.constant 16 : i32
    %add3A_344 = arith.constant 25200 : i32
    %add3A_345 = arith.addi %mul3A_2, %add3A_344 : i32
    %dma_wait3A_346 = arith.constant 3 : i32
    %dma_wait3A_347 = arith.constant 3 : i32
    %dma_wait3A_348 = arith.constant 0 : i32
    %dma_wait3A_349 = arith.constant 0 : i32
    %dma_wait3A_350 = tpu.memref_slice %arg7[%dma_wait3A_346, %dma_wait3A_348, %dma_wait3A_349] : memref<4x400x64xf32, #tpu.memory_space<vmem>> -> memref<1x400x64xf32, #tpu.memory_space<vmem>>
    %dma_wait3A_351 = tpu.memref_squeeze %dma_wait3A_350 : memref<1x400x64xf32, #tpu.memory_space<vmem>> -> memref<400x64xf32, #tpu.memory_space<vmem>>
    %dma_wait3A_352 = arith.constant 0 : i32
    %dma_wait3A_353 = tpu.memref_slice %arg5[%add3A_345, %dma_wait3A_352] : memref<819200x64xf32, #tpu.memory_space<hbm>> -> memref<400x64xf32, #tpu.memory_space<hbm>>
    %dma_wait3A_354 = tpu.memref_slice %arg10[%dma_wait3A_347] : memref<4x!tpu.dma_semaphore, #tpu.memory_space<semaphore_mem>> -> memref<1x!tpu.dma_semaphore, #tpu.memory_space<semaphore_mem>>
    %dma_wait3A_355 = tpu.memref_squeeze %dma_wait3A_354 : memref<1x!tpu.dma_semaphore, #tpu.memory_space<semaphore_mem>> -> memref<!tpu.dma_semaphore, #tpu.memory_space<semaphore_mem>>
    %dma_wait3A_356 = arith.constant 0 : i32
    %dma_wait3A_357 = tpu.memref_slice %arg5[%add3A_345, %dma_wait3A_356] : memref<819200x64xf32, #tpu.memory_space<hbm>> -> memref<400x64xf32, #tpu.memory_space<hbm>>
    %dma_wait3A_358 = arith.constant 0 : i32
    %dma_wait3A_359 = arith.constant 0 : i32
    %dma_wait3A_360 = tpu.memref_slice %arg7[%dma_wait3A_346, %dma_wait3A_358, %dma_wait3A_359] : memref<4x400x64xf32, #tpu.memory_space<vmem>> -> memref<1x400x64xf32, #tpu.memory_space<vmem>>
    %dma_wait3A_361 = tpu.memref_squeeze %dma_wait3A_360 : memref<1x400x64xf32, #tpu.memory_space<vmem>> -> memref<400x64xf32, #tpu.memory_space<vmem>>
    tpu.wait_dma2 semaphore(%dma_wait3A_355 : memref<!tpu.dma_semaphore, #tpu.memory_space<semaphore_mem>>) src(%dma_wait3A_361 : memref<400x64xf32, #tpu.memory_space<vmem>>) dst(%dma_wait3A_357 : memref<400x64xf32, #tpu.memory_space<hbm>>)
    return
  }
}

</mosaic_0001>

<sc_bundles>
// kernel: _encoder.3.cloned.1.call-start
scs
__scs_entry_jumppad:
0x0: {  	(pc) =	sbr.rel $0x88, $3  }
0x1: {  	(tag) =	ssettag $0x0;
	lr =	simm.s32 $0x1  }
0x2: {  	[smem:$0x3F9E] =	sst lr;
	_ =	strace $0xD0000000  }
0x3: {  	_ = 	snop  }
0x4: {  	_ = 	snop  }
0x5: {  	_ = 	snop  }
0x6: {  	_ = 	snop  }
0x7: {  	_ = 	snop  }
__scs_overlays_trampoline_lowered:
0x8: {  	[smem:$0x3FAD] =	sst s0  }
0x9: {  	[smem:$0x3FAE] =	sst s1  }
0xa: {  	[smem:$0x3FAF] =	sst s2  }
0xb: {  	[smem:$0x3FB0] =	sst s3  }
0xc: {  	[smem:$0x3FB1] =	sst s4  }
0xd: {  	[smem:$0x3FB2] =	sst s5  }
0xe: {  	[smem:$0x3FB3] =	sst s6  }
0xf: {  	[smem:$0x3FB4] =	sst s7  }
0x10: {  	[smem:$0x3FB5] =	sst s8  }
0x11: {  	[smem:$0x3FB6] =	sst s9;
	s0 =	simm.s32 @!p0 $0x0  }
0x12: {  	s1 =	sld [smem:$0x3F9C];
	s0 =	simm.s32 @p0 $0x1  }
0x13: {  	[smem:$0x3FB7] =	sst s0;
	s0 =	simm.s32 @!p1 $0x0  }
0x14: {  	s2 =	sld [smem:$0x3F9B];
	s0 =	simm.s32 @p1 $0x1  }
0x15: {  	[smem:$0x3FB8] =	sst s0;
	s0 =	simm.s32 @!p2 $0x0  }
0x16: {  	s3 =	sld [smem:$0x3FDB];
	s0 =	simm.s32 @p2 $0x1  }
0x17: {  	s4 =	simm.s32 $0x1BF5;
	[smem:$0x3FBA] =	sst s0  }
0x18: {  	s0 =	sld [smem:$0x3F9D];
	_ =	swait.ge [sflag:s4], $0x0  }
0x19: {  	s7 =	sld [smem:$0x3F9E]  }
0x1a: {  	s8 =	sadd.s32 $0xFFFFE003, lr  }
0x1b: {  	s9 =	sadd.s32 $0xFFFFFEF7, lr;
	s5 =	simm.s32 $0xFFFFFFFF;
	p2 =	slt.u32 s8, $0xFFFFF086  }
0x1c: {  	p1 =	slt.u32 s9, $0xF7A;
	s5 =	simm.s32 @!p2 $0x0  }
0x1d: {  	s5 =	simm.s32 @p1 $0x1;
	p0 =	seq.s32 s7, s2  }
0x1e: {  	s7 =	smul.u32 @!p0 $0xF7A, s2;
	p2 =	seq.s32 @!p0 s5, $0x0  }
0x1f: {  	s9 =	smul.u32 $0xF7A, s1;
	s8 =	simm.s32 @!p0 $0x1BF5;
	p2 =	por !p2, p0  }
0x20: {  	[sflag:s8] =	ssyncset.s32 @!p0 $0xFFFFF086;
	s6 =	sadd.s32 @!p0 s3, s7;
	s7 =	simm.s32 @!p0 $0x108  }
0x21: {  	s3 =	sadd.s32 s3, s9;
	s6 =	sadd.s32 @!p0 $0x88, s6;
	s7 =	simm.s32 @p2 $0x1082  }
0x22: {  	[simem:s7], [sflag:s8] =	dma.local @!p0 [hbm:s6], $0xF7A  }
0x23: {  	s9 =	sor.u32 $0xD0000000, s2;
	s6 =	simm.s32 $0x108;
	_ =	swait.ge @!p0 [sflag:s8], $0x0  }
0x24: {  	s3 =	sadd.s32 $0x88, s3;
	s6 =	simm.s32 @!p1 $0x1082;
	[sflag:s4] =	ssyncset.s32 $0xFFFFF086  }
0x25: {  	[simem:s6], [sflag:s4] =	dma.local [hbm:s3], $0xF7A  }
0x26: {  	[smem:$0x3F9E] =	sst s1;
	(tag) =	ssettag s2;
	_ =	strace s9  }
0x27: {  	s1 =	sld [smem:$0x3FAE]  }
0x28: {  	s2 =	sld [smem:$0x3FAF]  }
0x29: {  	s4 =	sld [smem:$0x3FB1]  }
0x2a: {  	p0 =	seq.s32 s5, $0x0;
	s5 =	sld [smem:$0x3FB2]  }
0x2b: {  	s6 =	sld [smem:$0x3FB3]  }
0x2c: {  	s7 =	sld [smem:$0x3FB4]  }
0x2d: {  	s3 =	simm.s32 $0x108;
	s8 =	sld [smem:$0x3FB5]  }
0x2e: {  	s3 =	simm.s32 @!p0 $0x1082;
	s9 =	sld [smem:$0x3FB6]  }
0x2f: {  	lr =	sadd.s32 s0, s3;
	s0 =	sld [smem:$0x3FAD]  }
0x30: {  	s3 =	sld [smem:$0x3FB0]  }
0x31: {  	[smem:$0x3FB9] =	sst s10  }
0x32: {  	s10 =	sld [smem:$0x3FB7];
	_ =	sdelay $0x3  }
0x33: {  	p0 =	seq.s32 s10, $0x1;
	s10 =	sld [smem:$0x3FB9];
	_ =	sdelay $0x3  }
0x34: {  	[smem:$0x3FB9] =	sst s10  }
0x35: {  	s10 =	sld [smem:$0x3FB8];
	_ =	sdelay $0x3  }
0x36: {  	p1 =	seq.s32 s10, $0x1;
	s10 =	sld [smem:$0x3FB9];
	_ =	sdelay $0x3  }
0x37: {  	[smem:$0x3FB9] =	sst s10  }
0x38: {  	s10 =	sld [smem:$0x3FBA]  }
0x39: {  	_ = 	snop;
	(pc) =	sbr.ind lr, $3  }
0x3a: {  	_ = 	snop  }
0x3b: {  	_ = 	snop  }
0x3c: {  	p2 =	seq.s32 s10, $0x1;
	s10 =	sld [smem:$0x3FB9]  }
0x3d: {  	_ =	shalt  }
0x3e: {  	_ =	shalt  }
0x3f: {  	_ =	shalt  }
0x40: {  	_ =	shalt  }
0x41: {  	_ =	shalt  }
0x42: {  	_ =	shalt  }
0x43: {  	_ =	shalt  }
0x44: {  	_ =	shalt  }
0x45: {  	_ =	shalt  }
0x46: {  	_ =	shalt  }
0x47: {  	_ =	shalt  }
0x48: {  	_ =	shalt  }
0x49: {  	_ =	shalt  }
0x4a: {  	_ =	shalt  }
0x4b: {  	_ =	shalt  }
0x4c: {  	_ =	shalt  }
0x4d: {  	_ =	shalt  }
0x4e: {  	_ =	shalt  }
0x4f: {  	_ =	shalt  }
0x50: {  	_ =	shalt  }
0x51: {  	_ =	shalt  }
0x52: {  	_ =	shalt  }
0x53: {  	_ =	shalt  }
0x54: {  	_ =	shalt  }
0x55: {  	_ =	shalt  }
0x56: {  	_ =	shalt  }
0x57: {  	_ =	shalt  }
0x58: {  	_ =	shalt  }
0x59: {  	_ =	shalt  }
0x5a: {  	_ =	shalt  }
0x5b: {  	_ =	shalt  }
0x5c: {  	_ =	shalt  }
0x5d: {  	_ =	shalt  }
0x5e: {  	_ =	shalt  }
0x5f: {  	_ =	shalt  }
0x60: {  	_ =	shalt  }
0x61: {  	_ =	shalt  }
0x62: {  	_ =	shalt  }
0x63: {  	_ =	shalt  }
0x64: {  	_ =	shalt  }
0x65: {  	_ =	shalt  }
0x66: {  	_ =	shalt  }
0x67: {  	_ =	shalt  }
0x68: {  	_ =	shalt  }
0x69: {  	_ =	shalt  }
0x6a: {  	_ =	shalt  }
0x6b: {  	_ =	shalt  }
0x6c: {  	_ =	shalt  }
0x6d: {  	_ =	shalt  }
0x6e: {  	_ =	shalt  }
0x6f: {  	_ =	shalt  }
0x70: {  	_ =	shalt  }
0x71: {  	_ =	shalt  }
0x72: {  	_ =	shalt  }
0x73: {  	_ =	shalt  }
0x74: {  	_ =	shalt  }
0x75: {  	_ =	shalt  }
0x76: {  	_ =	shalt  }
0x77: {  	_ =	shalt  }
0x78: {  	_ =	shalt  }
0x79: {  	_ =	shalt  }
0x7a: {  	_ =	shalt  }
0x7b: {  	_ =	shalt  }
0x7c: {  	_ =	shalt  }
0x7d: {  	_ =	shalt  }
0x7e: {  	_ =	shalt  }
0x7f: {  	_ =	shalt  }
0x80: {  	_ =	shalt  }
0x81: {  	_ =	shalt  }
0x82: {  	_ =	shalt  }
0x83: {  	_ =	shalt  }
0x84: {  	_ =	shalt  }
0x85: {  	_ =	shalt  }
0x86: {  	_ =	shalt  }
0x87: {  	_ =	shalt  }
.Lfunc_end0:
.L_simem_size_0:
called_computation.1_lowered:
.L_overlay_start_0:
0x88: {  	s2 =	sld [smem:$0x3FD9]  }
0x89: {  	s3 =	sld [smem:$0x3FFE];
	_ =	sdelay $0x1  }
0x8a: {  	s1 =	srdreg.scid  }
0x8b: {  	s0 =	sand.u32 $0x1, s1  }
0x8c: {  	s17 =	sshll.u32 s0, $0xA;
	s2 =	sadd.s32 s3, s2  }
0x8d: {  	s2 =	sadd.s32 s2, s17  }
0x8e: {  	[smem:$0x3FC5] =	sst s2  }
0x8f: {  	_ = 	snop  }
0x90: {  	s2 =	sld [smem:$0x3FD0];
	(tm) =	ssettm $0x1  }
0x91: {  	s18 =	sld [smem:$0x3FFB];
	_ =	sdelay $0x3  }
0x92: {  	_ =	strace s18  }
0x93: {  	s3 =	sld [smem:$0x3FFC];
	_ =	sdelay $0x3  }
0x94: {  	_ =	strace s3  }
0x95: {  	s3 =	sld [smem:$0x3FFD];
	_ =	sdelay $0x3  }
0x96: {  	_ =	strace s3  }
0x97: {  	_ =	strace $0x8FFFFFFF  }
0x98: {  	s19 =	sld [smem:$0x3FDB];
	_ =	sdelay $0x1  }
0x99: {  	s4 =	simm.s32 $_scs_section_size  }
0x9a: {  	s5 =	simm.s32 $_size__tile_overlayer_lowered;
	s6 =	simm.s32 $_tile_overlayer_lowered  }
0x9b: {  	s22 =	simm.s32 $0x1BFF;
	s21 =	sshll.u32 s6, $0x1;
	s3 =	sadd.s32 s4, s19  }
0x9c: {  	s7 =	simm.s32 $0x0;
	s20 =	sshll.u32 s5, $0x1;
	s5 =	sadd.s32 s21, s3  }
0x9d: {  	[timem:s7], [sflag:s22] =	dma.local [hbm:s5], s20  }
0x9e: {  	_ =	swait.ge [sflag:s22], s20  }
0x9f: {  	s4 =	ssub.s32 $0x0, s20;
	[sflag:s22] =	ssyncset.done $0x0  }
0xa0: {  	[sflag:s22] =	ssyncadd.s32 s4;
	_ =	sdelay $0x1  }
0xa1: {  	s23 =	simm.s32 $0x1B8B  }
0xa2: {  	_ =	swait.ge [sflag:s23], $0x1  }
0xa3: {  	[sflag:s23] =	ssyncset.done $0x0  }
0xa4: {  	s25 =	simm.s32 $0x1B8E;
	s24 =	sld [smem:$0x3FFE];
	[sflag:s23] =	ssyncadd.s32 $0xFFFFFFFF  }
0xa5: {  	s26 =	simm.s32 $execute0_lowered;
	[smem:$0x3FD2] =	sst s25  }
0xa6: {  	s5 =	sshll.u32 s26, $0x1;
	_ =	strace $0x80000046;
	[dreg:$0x1] =	wrdreg $0xFFFFFFFF  }
0xa7: {  	s28 =	simm.s32 $_size_execute0_lowered;
	s3 =	sadd.s32 s3, s5;
	[dreg:$0x0] =	wrdreg $0x0  }
0xa8: {  	s5 =	sshll.u32 s28, $0x1;
	[dreg:$0x2] =	wrdreg s3  }
0xa9: {  	[dreg:$0x3] =	wrdreg s5  }
0xaa: {  	[dreg:$0x4] =	wrdreg $0xC0  }
0xab: {  	_ =	task [dreg:s7], $0x5FFFF  }
0xac: {  	[dreg:$0x1] =	wrdreg $0xFFFFFFFF  }
0xad: {  	[dreg:$0x0] =	wrdreg $0x60  }
0xae: {  	[dreg:$0x2] =	wrdreg s24  }
0xaf: {  	[dreg:$0x3] =	wrdreg s2  }
0xb0: {  	[dreg:$0x4] =	wrdreg $0x9  }
0xb1: {  	_ =	task.clear_ibuf [dreg:s7], $0x5FFFF;
	_ =	strace $0x90000046  }
0xb2: {  	s29 =	simm.s32 $0x9;
	_ =	strace $0x80000048  }
0xb3: {  	_ =	swait.ge [sflag:s29], $0x1  }
0xb4: {  	[sflag:s29] =	ssyncadd.s32 $0xFFFFFFFF  }
0xb5: {  	_ =	strace $0x90000048  }
0xb6: {  	_ =	sfence  }
0xb7: {  	s30 =	sld [smem:$0x0];
	_ =	sdelay $0x2  }
0xb8: {  	s31 =	sshll.u32 s1, $0xD;
	s1 =	sshrl.u32 s1, $0x2  }
0xb9: {  	s3 =	sand.u32 $0x4000, s31;
	s1 =	sadd.s32 s1, s30  }
0xba: {  	s0 =	sor.u32 s3, s0;
	s1 =	sshll.u32 s1, $0x11  }
0xbb: {  	s0 =	sor.u32 s1, s0  }
0xbc: {  	s0 =	sadd.s32 $0x8F2B, s0  }
0xbd: {  	[sflag:s0] =	ssyncadd.remote.s32 $0x1  }
0xbe: {  	_ =	sfence.sel $0xFFFF  }
0xbf: {  	[dreg:$0x0] =	wrdreg $0xFFFFFFFF;
	(pc) =	sbr.abs _section_cstart, $3  }
0xc0: {  	[dreg:$0x1] =	wrdreg $0xFFFFFFFF  }
0xc1: {  	_ =	task.clear_ibuf [dreg:s7], $0x2FFFF;
	_ =	strace $0x9FFFFFFF  }
0xc2: {  	(tm) =	ssettm $0x7FFFFFFF  }
0xc3: {  	_ =	shalt  }
tec
execute0_lowered:
.L_overlay_start_1:
0x0: {  	(tag) =	ssettag $0x1  }
0x1: {  	s0 =	rddreg [dreg:$0x0];
	s1 =	srdreg.scid  }
0x2: {  	s3 =	stileid.u32;
	s2 =	rddreg [dreg:$0x1];
	s28 =	simm.s32 $0xCE80  }
0x3: {  	s29 =	simm.s32 $0x4E0;
	s30 =	simm.s32 $0xC;
	s31 =	simm.s32 $0x13280  }
0x4: {  	s21 =	simm.s32 $0x2;
	s22 =	simm.s32 $0x6;
	s1 =	sand.u32 $0x1, s1  }
0x5: {  	s4 =	sshll.u32 s3, $0x1;
	s3 =	simm.s32 $0x0;
	s5 =	sadd.s32 $0xF43000, s0  }
0x6: {  	s6 =	sor.u32 s1, s4;
	[smem:$0x7FF] =	sst s3;
	s4 =	sadd.s32 $0xC00, s0  }
0x7: {  	s1 =	ssub.s32 $0x2, s1;
	s0 =	sadd.s32 $0x1AC00, s0;
	s7 =	smul.u32 $0x6800, s6  }
0x8: {  	_ =	strace $0x80000047;
	[dreg:$0x3] =	wrdreg s0;
	s23 =	sshrl.u32 s1, $0x1  }
0x9: {  	s0 =	ssub.s32 s1, s23;
	s23 =	simm.s32 $0x64;
	s8 =	sshrl.u32 s7, $0x3  }
0xa: {  	s12 =	sor.u32 $0x680, s7;
	s13 =	sadd.s32 $0x820, s7;
	s0 =	smax.u32 s0, $0x1  }
0xb: {  	s15 =	sadd.s32 $0x9C0, s7;
	s9 =	sadd.s32 s4, s8;
	[dreg:$0x8] =	wrdreg s0  }
0xc: {  	s17 =	sadd.s32 $0xB60, s7;
	s24 =	sadd.s32 $0x34, s9;
	[dreg:$0x4] =	wrdreg s9  }
0xd: {  	s7 =	simm.s32 $0x5;
	s25 =	sadd.s32 $0x68, s9;
	[dreg:$0x5] =	wrdreg s24  }
0xe: {  	s8 =	smul.u32 $0x6400, s6;
	s26 =	sadd.s32 $0x9C, s9;
	[dreg:$0x6] =	wrdreg s25  }
0xf: {  	s0 =	simm.s32 $0x3;
	s9 =	simm.s32 $0x0;
	[dreg:$0x7] =	wrdreg s26  }
0x10: {  	s14 =	sor.u32 $0x190, s8;
	s16 =	sor.u32 $0x320, s8;
	s18 =	sadd.s32 $0x4B0, s8  }
0x11: {  	s25 =	simm.s32 $0x1;
	s26 =	simm.s32 $0x7;
	s24 =	simm.s32 $0x4  }
.LBB2_1:
0x12: {  	[dreg:$0x9] =	wrdreg s9  }
0x13: {  	s1 =	rddreg [dreg:$0x3];
	s6 =	simm.s32 $0x19680;
	s19 =	simm.s32 $0xD  }
0x14: {  	[tilespmem:s6], [sflag:$0xD] =	stream.linear.gather [hbm4b:s1+s3], $0x3200, $0x38;
	[tilespmem:$0x1C880] =	vst v63  }
0x15: {  	_ =	swait.ge [sflag:s19], $0x3200  }
0x16: {  	[sflag:s19] =	ssyncset.done $0x0  }
0x17: {  	s6 =	simm.s32 $0x9;
	s20 =	rddreg [dreg:$0x4];
	[sflag:s19] =	ssyncadd.s32 $0xFFFFCE00  }
0x18: {  	[tilespmem:s3], [sflag:$0x9] =	stream.linear.gather [hbm4b:s20+s3], $0x1A0, $0x38;
	[tilespmem:$0x1C880] =	vst v63  }
0x19: {  	_ =	swait.ge [sflag:s6], $0x1A0  }
0x1a: {  	[sflag:s6] =	ssyncset.done $0x0  }
0x1b: {  	s9 =	simm.s32 $0x680;
	[sflag:s6] =	ssyncadd.s32 $0xFFFFFE60  }
0x1c: {  	[tilespmem:s9], [sflag:$0x1] =	stream.indirect.gather [hbm4b:s5+s23], $0x40, s3, s23, $0xb8;
	[tilespmem:$0x1C880] =	vst v63  }
0x1d: {  	s10 =	simm.s32 $0x68;
	s11 =	simm.s32 $0x1F80  }
0x1e: {  	[tilespmem:s11], [sflag:$0x1] =	stream.indirect.gather [hbm4b:s5+s23], $0x40, s10, s23, $0xb8;
	[tilespmem:$0x1C880] =	vst v63  }
0x1f: {  	s19 =	simm.s32 $0xD0;
	s20 =	simm.s32 $0x3880  }
0x20: {  	[tilespmem:s20], [sflag:$0x1] =	stream.indirect.gather [hbm4b:s5+s23], $0x40, s19, s23, $0xb8;
	[tilespmem:$0x1C880] =	vst v63  }
0x21: {  	s6 =	simm.s32 $0x138;
	s9 =	simm.s32 $0x5180  }
0x22: {  	[tilespmem:s9], [sflag:$0x1] =	stream.indirect.gather [hbm4b:s5+s23], $0x40, s6, s23, $0xb8;
	[tilespmem:$0x1C880] =	vst v63  }
0x23: {  	s10 =	rddreg [dreg:$0x5];
	s11 =	simm.s32 $0x1A0;
	s19 =	simm.s32 $0xA  }
0x24: {  	[tilespmem:s11], [sflag:$0xA] =	stream.linear.gather [hbm4b:s10+s3], $0x1A0, $0x38;
	[tilespmem:$0x1C880] =	vst v63  }
0x25: {  	_ =	swait.ge [sflag:s19], $0x1A0  }
0x26: {  	[sflag:s19] =	ssyncset.done $0x0  }
0x27: {  	s20 =	simm.s32 $0x6A80;
	[sflag:s19] =	ssyncadd.s32 $0xFFFFFE60  }
0x28: {  	[tilespmem:s20], [sflag:$0x2] =	stream.indirect.gather [hbm4b:s5+s23], $0x40, s11, s23, $0xb8;
	[tilespmem:$0x1C880] =	vst v63  }
0x29: {  	s6 =	simm.s32 $0x208;
	s9 =	simm.s32 $0x8380  }
0x2a: {  	[tilespmem:s9], [sflag:$0x2] =	stream.indirect.gather [hbm4b:s5+s23], $0x40, s6, s23, $0xb8;
	[tilespmem:$0x1C880] =	vst v63  }
0x2b: {  	s10 =	simm.s32 $0x270;
	s11 =	simm.s32 $0x9C80  }
0x2c: {  	[tilespmem:s11], [sflag:$0x2] =	stream.indirect.gather [hbm4b:s5+s23], $0x40, s10, s23, $0xb8;
	[tilespmem:$0x1C880] =	vst v63  }
0x2d: {  	s19 =	simm.s32 $0x2D8;
	s20 =	simm.s32 $0xB580  }
0x2e: {  	[tilespmem:s20], [sflag:$0x2] =	stream.indirect.gather [hbm4b:s5+s23], $0x40, s19, s23, $0xb8;
	[tilespmem:$0x1C880] =	vst v63  }
0x2f: {  	s9 =	rddreg [dreg:$0x6];
	s10 =	simm.s32 $0x340;
	s11 =	simm.s32 $0xB  }
0x30: {  	[tilespmem:s10], [sflag:$0xB] =	stream.linear.gather [hbm4b:s9+s3], $0x1A0, $0x38;
	[tilespmem:$0x1C880] =	vst v63  }
0x31: {  	_ =	swait.ge [sflag:s11], $0x1A0  }
0x32: {  	[sflag:s11] =	ssyncset.done $0x0  }
0x33: {  	[sflag:s11] =	ssyncadd.s32 $0xFFFFFE60  }
0x34: {  	[tilespmem:s28], [sflag:$0x3] =	stream.indirect.gather [hbm4b:s5+s23], $0x40, s10, s23, $0xb8;
	[tilespmem:$0x1C880] =	vst v63  }
0x35: {  	s19 =	simm.s32 $0x3A8;
	s20 =	simm.s32 $0xE780  }
0x36: {  	[tilespmem:s20], [sflag:$0x3] =	stream.indirect.gather [hbm4b:s5+s23], $0x40, s19, s23, $0xb8;
	[tilespmem:$0x1C880] =	vst v63  }
0x37: {  	s9 =	simm.s32 $0x410;
	s10 =	simm.s32 $0x10080  }
0x38: {  	[tilespmem:s10], [sflag:$0x3] =	stream.indirect.gather [hbm4b:s5+s23], $0x40, s9, s23, $0xb8;
	[tilespmem:$0x1C880] =	vst v63  }
0x39: {  	s11 =	simm.s32 $0x478;
	s19 =	simm.s32 $0x11980  }
0x3a: {  	[tilespmem:s19], [sflag:$0x3] =	stream.indirect.gather [hbm4b:s5+s23], $0x40, s11, s23, $0xb8;
	[tilespmem:$0x1C880] =	vst v63  }
0x3b: {  	s6 =	simm.s32 $0x0;
	s20 =	rddreg [dreg:$0x7]  }
0x3c: {  	[tilespmem:s29], [sflag:$0xC] =	stream.linear.gather [hbm4b:s20+s3], $0x1A0, $0x38;
	[tilespmem:$0x1C880] =	vst v63  }
.LBB2_2:
0x3d: {  	p0 =	seq.s32 s6, $0x0  }
0x3e: {  	s9 =	simm.s32 @!p0 $0x8  }
0x3f: {  	_ =	swait.ge @!p0 [sflag:s9], $0x6400  }
0x40: {  	[sflag:s9] =	ssyncset.done @!p0 $0x0  }
0x41: {  	[sflag:s9] =	ssyncadd.s32 @!p0 $0xFFFF9C00  }
0x42: {  	_ =	swait.ge [sflag:s30], $0x1A0  }
0x43: {  	[sflag:s30] =	ssyncset.done $0x0  }
0x44: {  	[sflag:s30] =	ssyncadd.s32 $0xFFFFFE60  }
0x45: {  	[tilespmem:s31], [sflag:$0x4] =	stream.indirect.gather [hbm4b:s5+s23], $0x40, s29, s23, $0xb8;
	[tilespmem:$0x1C880] =	vst v63  }
0x46: {  	s1 =	simm.s32 $0x548;
	s20 =	simm.s32 $0x14B80  }
0x47: {  	[tilespmem:s20], [sflag:$0x4] =	stream.indirect.gather [hbm4b:s5+s23], $0x40, s1, s23, $0xb8;
	[tilespmem:$0x1C880] =	vst v63  }
0x48: {  	s10 =	simm.s32 $0x5B0;
	s11 =	simm.s32 $0x16480  }
0x49: {  	[tilespmem:s11], [sflag:$0x4] =	stream.indirect.gather [hbm4b:s5+s23], $0x40, s10, s23, $0xb8;
	[tilespmem:$0x1C880] =	vst v63  }
0x4a: {  	s19 =	simm.s32 $0x618;
	s20 =	simm.s32 $0x17D80  }
0x4b: {  	[tilespmem:s20], [sflag:$0x4] =	stream.indirect.gather [hbm4b:s5+s23], $0x40, s19, s23, $0xb8;
	[tilespmem:$0x1C880] =	vst v63  }
0x4c: {  	_ =	swait.ge [sflag:s25], $0x1900  }
0x4d: {  	[sflag:s25] =	ssyncset.done $0x0  }
0x4e: {  	[sflag:s25] =	ssyncadd.s32 $0xFFFFE700  }
0x4f: {  	_ =	swait.ge [sflag:s25], $0x1900  }
0x50: {  	[sflag:s25] =	ssyncset.done $0x0  }
0x51: {  	[sflag:s25] =	ssyncadd.s32 $0xFFFFE700  }
0x52: {  	p0 =	seq.s32 s6, $0xF;
	_ =	swait.ge [sflag:s25], $0x1900  }
0x53: {  	s20 =	smul.u32 @!p0 $0x680, s6;
	[sflag:s25] =	ssyncset.done $0x0  }
0x54: {  	[sflag:s25] =	ssyncadd.s32 $0xFFFFE700  }
0x55: {  	s9 =	sadd.s32 @!p0 s20, s12;
	_ =	swait.ge [sflag:s25], $0x1900  }
0x56: {  	s9 =	sshrl.u32 @!p0 s9, $0x3;
	[sflag:s25] =	ssyncset.done $0x0  }
0x57: {  	s10 =	simm.s32 @!p0 $0x0;
	s9 =	sadd.s32 @!p0 s4, s9;
	[sflag:s25] =	ssyncadd.s32 $0xFFFFE700  }
0x58: {  	[tilespmem:s10], [sflag:$0x9] =	stream.linear.gather @!p0 [hbm4b:s9+s10], $0x1A0, $0x38;
	[tilespmem:$0x1C880] =	vst v63  }
0x59: {  	s10 =	simm.s32 $0x0  }
0x5a: {  	v1 =	vld [tilespmem:s10+$0x19680]  }
0x5b: {  	v0 =	vld [tilespmem:s10+$0x19690]  }
0x5c: {  	v2 =	vld [tilespmem:s10+$0x196A0]  }
0x5d: {  	v3 =	vld [tilespmem:s10+$0x680]  }
0x5e: {  	v8 =	vld [tilespmem:s10+$0x3880]  }
0x5f: {  	v7 =	vld [tilespmem:s10+$0x690]  }
0x60: {  	v6 =	vld [tilespmem:s10+$0x3890]  }
0x61: {  	v5 =	vld [tilespmem:s10+$0x6A0]  }
0x62: {  	v4 =	vld [tilespmem:s10+$0x38A0];
	v9 =	vmul.f32 $8.000000000e+00, v3  }
0x63: {  	s9 =	simm.s32 $0x100;
	v8 =	vmul.f32 $8.000000000e+00, v8;
	v3 =	vld [tilespmem:s10+$0x6B0]  }
.LBB2_3:
0x64: {  	p1 =	sne.s32 s9, $0xC700;
	v9 =	vadd.f32 v9, v1;
	v7 =	vmul.f32 $8.000000000e+00, v7;
	v10 =	vld [tilespmem:s10+$0x38B0]  }
0x65: {  	s11 =	sshra.s32 s9, $0x2;
	v8 =	vadd.f32 v8, v1;
	v6 =	vmul.f32 $8.000000000e+00, v6;
	v11 =	vld [tilespmem:s10+$0x196B0]  }
0x66: {  	v1 =	vld [tilespmem:s11+$0x19680];
	[tilespmem:s10+$0x680] =	vst v9;
	v7 =	vadd.f32 v7, v0;
	v5 =	vmul.f32 $8.000000000e+00, v5  }
0x67: {  	[tilespmem:s10+$0x3880] =	vst v8;
	v6 =	vadd.f32 v6, v0;
	v0 =	vld [tilespmem:s11+$0x19690];
	v4 =	vmul.f32 $8.000000000e+00, v4  }
0x68: {  	v8 =	vld [tilespmem:s11+$0x196A0];
	[tilespmem:s10+$0x690] =	vst v7;
	v5 =	vadd.f32 v5, v2;
	v3 =	vmul.f32 $8.000000000e+00, v3  }
0x69: {  	v9 =	vld [tilespmem:s11+$0x680];
	[tilespmem:s10+$0x3890] =	vst v6;
	v2 =	vadd.f32 v4, v2;
	v4 =	vmul.f32 $8.000000000e+00, v10  }
0x6a: {  	v10 =	vld [tilespmem:s11+$0x3880];
	[tilespmem:s10+$0x6A0] =	vst v5;
	v3 =	vadd.f32 v3, v11  }
.Ltmp0:
0x6b: {  	v7 =	vld [tilespmem:s11+$0x690];
	[tilespmem:s10+$0x38A0] =	vst v2;
	v4 =	vadd.f32 v4, v11;
	(pc) =	sbr.rel @p1 .LBB2_3-.Ltmp0, $4  }
0x6c: {  	v6 =	vld [tilespmem:s11+$0x3890];
	[tilespmem:s10+$0x6B0] =	vst v3  }
0x6d: {  	v5 =	vld [tilespmem:s11+$0x6A0];
	[tilespmem:s10+$0x38B0] =	vst v4;
	v2 =	vmov v8;
	s10 =	smov.u32 s11  }
0x6e: {  	v9 =	vmul.f32 $8.000000000e+00, v9;
	v4 =	vld [tilespmem:s10+$0x38A0]  }
0x6f: {  	s9 =	sadd.s32 $0x100, s9;
	v8 =	vmul.f32 $8.000000000e+00, v10;
	v3 =	vld [tilespmem:s10+$0x6B0]  }
0x70: {  	v9 =	vadd.f32 v9, v1;
	v7 =	vmul.f32 $8.000000000e+00, v7;
	v10 =	vld [tilespmem:s10+$0x38B0]  }
0x71: {  	v1 =	vadd.f32 v8, v1;
	v6 =	vmul.f32 $8.000000000e+00, v6;
	v8 =	vld [tilespmem:s10+$0x196B0]  }
0x72: {  	[tilespmem:s10+$0x680] =	vst v9;
	v7 =	vadd.f32 v7, v0;
	v5 =	vmul.f32 $8.000000000e+00, v5  }
0x73: {  	[tilespmem:s10+$0x3880] =	vst v1;
	v0 =	vadd.f32 v6, v0;
	v1 =	vmul.f32 $8.000000000e+00, v4  }
0x74: {  	[tilespmem:s10+$0x690] =	vst v7;
	v4 =	vadd.f32 v5, v2;
	v3 =	vmul.f32 $8.000000000e+00, v3  }
0x75: {  	s9 =	smul.u32 $0x640, s6;
	[tilespmem:s10+$0x3890] =	vst v0;
	v0 =	vadd.f32 v1, v2;
	v1 =	vmul.f32 $8.000000000e+00, v10  }
0x76: {  	[tilespmem:s10+$0x6A0] =	vst v4;
	v2 =	vadd.f32 v3, v8  }
0x77: {  	s11 =	sadd.s32 s8, s9;
	[tilespmem:s10+$0x38A0] =	vst v0;
	v0 =	vadd.f32 v1, v8  }
0x78: {  	s11 =	sshll.u32 s11, $0x3;
	[tilespmem:s10+$0x6B0] =	vst v2  }
0x79: {  	s1 =	simm.s32 $0x680;
	s19 =	sadd.s32 s2, s11;
	[tilespmem:s10+$0x38B0] =	vst v0  }
0x7a: {  	[hbm4b:s19+s3] =	stream.linear.scatter [tilespmem:s1], [sflag:$0x5], $0x6400, $0x38;
	[tilespmem:$0x1C880] =	vst v63  }
0x7b: {  	_ =	swait.ge [sflag:s7], $0x6400  }
0x7c: {  	[sflag:s7] =	ssyncset.done $0x0  }
0x7d: {  	s10 =	simm.s32 @!p0 $0x9;
	[sflag:s7] =	ssyncadd.s32 $0xFFFF9C00  }
0x7e: {  	_ =	swait.ge @!p0 [sflag:s10], $0x1A0  }
0x7f: {  	s11 =	simm.s32 @!p0 $0x0;
	[sflag:s10] =	ssyncset.done @!p0 $0x0  }
0x80: {  	s19 =	simm.s32 @!p0 $0x680;
	[sflag:s10] =	ssyncadd.s32 @!p0 $0xFFFFFE60;
	s10 =	simm.s32 @!p0 $0x64  }
0x81: {  	[tilespmem:s19], [sflag:$0x1] =	stream.indirect.gather @!p0 [hbm4b:s5+s10], $0x40, s11, s10, $0xb8;
	[tilespmem:$0x1C880] =	vst v63  }
0x82: {  	s1 =	simm.s32 @!p0 $0x1F80;
	s19 =	simm.s32 @!p0 $0x68  }
0x83: {  	[tilespmem:s1], [sflag:$0x1] =	stream.indirect.gather @!p0 [hbm4b:s5+s10], $0x40, s19, s10, $0xb8;
	[tilespmem:$0x1C880] =	vst v63  }
0x84: {  	s1 =	simm.s32 @!p0 $0xD0;
	s19 =	simm.s32 @!p0 $0x3880  }
0x85: {  	[tilespmem:s19], [sflag:$0x1] =	stream.indirect.gather @!p0 [hbm4b:s5+s10], $0x40, s1, s10, $0xb8;
	[tilespmem:$0x1C880] =	vst v63  }
0x86: {  	s1 =	simm.s32 @!p0 $0x138;
	s19 =	simm.s32 @!p0 $0x5180  }
0x87: {  	[tilespmem:s19], [sflag:$0x1] =	stream.indirect.gather @!p0 [hbm4b:s5+s10], $0x40, s1, s10, $0xb8;
	[tilespmem:$0x1C880] =	vst v63  }
0x88: {  	_ =	swait.ge [sflag:s21], $0x1900  }
0x89: {  	[sflag:s21] =	ssyncset.done $0x0  }
0x8a: {  	[sflag:s21] =	ssyncadd.s32 $0xFFFFE700  }
0x8b: {  	_ =	swait.ge [sflag:s21], $0x1900  }
0x8c: {  	[sflag:s21] =	ssyncset.done $0x0  }
0x8d: {  	[sflag:s21] =	ssyncadd.s32 $0xFFFFE700  }
0x8e: {  	_ =	swait.ge [sflag:s21], $0x1900  }
0x8f: {  	[sflag:s21] =	ssyncset.done $0x0  }
0x90: {  	[sflag:s21] =	ssyncadd.s32 $0xFFFFE700  }
0x91: {  	s1 =	sadd.s32 @!p0 s20, s13;
	_ =	swait.ge [sflag:s21], $0x1900  }
0x92: {  	s1 =	sshrl.u32 @!p0 s1, $0x3;
	[sflag:s21] =	ssyncset.done $0x0  }
0x93: {  	s10 =	simm.s32 @!p0 $0x1A0;
	s1 =	sadd.s32 @!p0 s4, s1;
	[sflag:s21] =	ssyncadd.s32 $0xFFFFE700  }
0x94: {  	[tilespmem:s10], [sflag:$0xA] =	stream.linear.gather @!p0 [hbm4b:s1+s11], $0x1A0, $0x38;
	[tilespmem:$0x1C880] =	vst v63  }
0x95: {  	s10 =	simm.s32 $0x0  }
0x96: {  	v1 =	vld [tilespmem:s10+$0x19680]  }
0x97: {  	v0 =	vld [tilespmem:s10+$0x19690]  }
0x98: {  	v2 =	vld [tilespmem:s10+$0x196A0]  }
0x99: {  	v3 =	vld [tilespmem:s10+$0x6A80]  }
0x9a: {  	v8 =	vld [tilespmem:s10+$0x9C80]  }
0x9b: {  	v7 =	vld [tilespmem:s10+$0x6A90]  }
0x9c: {  	v6 =	vld [tilespmem:s10+$0x9C90]  }
0x9d: {  	v5 =	vld [tilespmem:s10+$0x6AA0]  }
0x9e: {  	v4 =	vld [tilespmem:s10+$0x9CA0];
	v9 =	vmul.f32 $8.000000000e+00, v3  }
0x9f: {  	s11 =	simm.s32 $0x100;
	v8 =	vmul.f32 $8.000000000e+00, v8;
	v3 =	vld [tilespmem:s10+$0x6AB0]  }
.LBB2_5:
0xa0: {  	p1 =	sne.s32 s11, $0xC700;
	v9 =	vadd.f32 v9, v1;
	v7 =	vmul.f32 $8.000000000e+00, v7;
	v10 =	vld [tilespmem:s10+$0x9CB0]  }
0xa1: {  	s1 =	sshra.s32 s11, $0x2;
	v8 =	vadd.f32 v8, v1;
	v6 =	vmul.f32 $8.000000000e+00, v6;
	v11 =	vld [tilespmem:s10+$0x196B0]  }
0xa2: {  	v1 =	vld [tilespmem:s1+$0x19680];
	[tilespmem:s10+$0x6A80] =	vst v9;
	v7 =	vadd.f32 v7, v0;
	v5 =	vmul.f32 $8.000000000e+00, v5  }
0xa3: {  	[tilespmem:s10+$0x9C80] =	vst v8;
	v6 =	vadd.f32 v6, v0;
	v0 =	vld [tilespmem:s1+$0x19690];
	v4 =	vmul.f32 $8.000000000e+00, v4  }
0xa4: {  	v8 =	vld [tilespmem:s1+$0x196A0];
	[tilespmem:s10+$0x6A90] =	vst v7;
	v5 =	vadd.f32 v5, v2;
	v3 =	vmul.f32 $8.000000000e+00, v3  }
0xa5: {  	v9 =	vld [tilespmem:s1+$0x6A80];
	[tilespmem:s10+$0x9C90] =	vst v6;
	v2 =	vadd.f32 v4, v2;
	v4 =	vmul.f32 $8.000000000e+00, v10  }
0xa6: {  	v10 =	vld [tilespmem:s1+$0x9C80];
	[tilespmem:s10+$0x6AA0] =	vst v5;
	v3 =	vadd.f32 v3, v11  }
.Ltmp1:
0xa7: {  	v7 =	vld [tilespmem:s1+$0x6A90];
	[tilespmem:s10+$0x9CA0] =	vst v2;
	v4 =	vadd.f32 v4, v11;
	(pc) =	sbr.rel @p1 .LBB2_5-.Ltmp1, $4  }
0xa8: {  	v6 =	vld [tilespmem:s1+$0x9C90];
	[tilespmem:s10+$0x6AB0] =	vst v3  }
0xa9: {  	v5 =	vld [tilespmem:s1+$0x6AA0];
	[tilespmem:s10+$0x9CB0] =	vst v4;
	v2 =	vmov v8;
	s10 =	smov.u32 s1  }
0xaa: {  	v9 =	vmul.f32 $8.000000000e+00, v9;
	v4 =	vld [tilespmem:s10+$0x9CA0]  }
0xab: {  	s11 =	sadd.s32 $0x100, s11;
	v8 =	vmul.f32 $8.000000000e+00, v10;
	v3 =	vld [tilespmem:s10+$0x6AB0]  }
0xac: {  	v9 =	vadd.f32 v9, v1;
	v7 =	vmul.f32 $8.000000000e+00, v7;
	v10 =	vld [tilespmem:s10+$0x9CB0]  }
0xad: {  	v1 =	vadd.f32 v8, v1;
	v6 =	vmul.f32 $8.000000000e+00, v6;
	v8 =	vld [tilespmem:s10+$0x196B0]  }
0xae: {  	[tilespmem:s10+$0x6A80] =	vst v9;
	v7 =	vadd.f32 v7, v0;
	v5 =	vmul.f32 $8.000000000e+00, v5  }
0xaf: {  	[tilespmem:s10+$0x9C80] =	vst v1;
	v0 =	vadd.f32 v6, v0;
	v1 =	vmul.f32 $8.000000000e+00, v4  }
0xb0: {  	[tilespmem:s10+$0x6A90] =	vst v7;
	v4 =	vadd.f32 v5, v2;
	v3 =	vmul.f32 $8.000000000e+00, v3  }
0xb1: {  	[tilespmem:s10+$0x9C90] =	vst v0;
	v0 =	vadd.f32 v1, v2;
	v1 =	vmul.f32 $8.000000000e+00, v10  }
0xb2: {  	s1 =	sadd.s32 s9, s14;
	[tilespmem:s10+$0x6AA0] =	vst v4;
	v2 =	vadd.f32 v3, v8  }
0xb3: {  	s1 =	sshll.u32 s1, $0x3;
	[tilespmem:s10+$0x9CA0] =	vst v0;
	v0 =	vadd.f32 v1, v8  }
0xb4: {  	s1 =	sand.u32 $0x1FFFFE80, s1;
	[tilespmem:s10+$0x6AB0] =	vst v2  }
0xb5: {  	s19 =	simm.s32 $0x6A80;
	s1 =	sadd.s32 s2, s1;
	[tilespmem:s10+$0x9CB0] =	vst v0  }
0xb6: {  	[hbm4b:s1+s3] =	stream.linear.scatter [tilespmem:s19], [sflag:$0x6], $0x6400, $0x38;
	[tilespmem:$0x1C880] =	vst v63  }
0xb7: {  	_ =	swait.ge [sflag:s22], $0x6400  }
0xb8: {  	[sflag:s22] =	ssyncset.done $0x0  }
0xb9: {  	s1 =	simm.s32 @!p0 $0xA;
	[sflag:s22] =	ssyncadd.s32 $0xFFFF9C00  }
0xba: {  	_ =	swait.ge @!p0 [sflag:s1], $0x1A0  }
0xbb: {  	s11 =	simm.s32 @!p0 $0x6A80;
	[sflag:s1] =	ssyncset.done @!p0 $0x0  }
0xbc: {  	s10 =	simm.s32 @!p0 $0x1A0;
	[sflag:s1] =	ssyncadd.s32 @!p0 $0xFFFFFE60;
	s1 =	simm.s32 @!p0 $0x64  }
0xbd: {  	[tilespmem:s11], [sflag:$0x2] =	stream.indirect.gather @!p0 [hbm4b:s5+s1], $0x40, s10, s1, $0xb8;
	[tilespmem:$0x1C880] =	vst v63  }
0xbe: {  	s10 =	simm.s32 @!p0 $0x208;
	s11 =	simm.s32 @!p0 $0x8380  }
0xbf: {  	[tilespmem:s11], [sflag:$0x2] =	stream.indirect.gather @!p0 [hbm4b:s5+s1], $0x40, s10, s1, $0xb8;
	[tilespmem:$0x1C880] =	vst v63  }
0xc0: {  	s10 =	simm.s32 @!p0 $0x270;
	s11 =	simm.s32 @!p0 $0x9C80  }
0xc1: {  	[tilespmem:s11], [sflag:$0x2] =	stream.indirect.gather @!p0 [hbm4b:s5+s1], $0x40, s10, s1, $0xb8;
	[tilespmem:$0x1C880] =	vst v63  }
0xc2: {  	s10 =	simm.s32 @!p0 $0x2D8;
	s11 =	simm.s32 @!p0 $0xB580  }
0xc3: {  	[tilespmem:s11], [sflag:$0x2] =	stream.indirect.gather @!p0 [hbm4b:s5+s1], $0x40, s10, s1, $0xb8;
	[tilespmem:$0x1C880] =	vst v63  }
0xc4: {  	_ =	swait.ge [sflag:s0], $0x1900  }
0xc5: {  	[sflag:s0] =	ssyncset.done $0x0  }
0xc6: {  	[sflag:s0] =	ssyncadd.s32 $0xFFFFE700  }
0xc7: {  	_ =	swait.ge [sflag:s0], $0x1900  }
0xc8: {  	[sflag:s0] =	ssyncset.done $0x0  }
0xc9: {  	[sflag:s0] =	ssyncadd.s32 $0xFFFFE700  }
0xca: {  	_ =	swait.ge [sflag:s0], $0x1900  }
0xcb: {  	[sflag:s0] =	ssyncset.done $0x0  }
0xcc: {  	[sflag:s0] =	ssyncadd.s32 $0xFFFFE700  }
0xcd: {  	s1 =	sadd.s32 @!p0 s20, s15;
	_ =	swait.ge [sflag:s0], $0x1900  }
0xce: {  	s10 =	simm.s32 @!p0 $0x0;
	s1 =	sshrl.u32 @!p0 s1, $0x3;
	[sflag:s0] =	ssyncset.done $0x0  }
0xcf: {  	s11 =	simm.s32 @!p0 $0x340;
	s1 =	sadd.s32 @!p0 s4, s1;
	[sflag:s0] =	ssyncadd.s32 $0xFFFFE700  }
0xd0: {  	[tilespmem:s11], [sflag:$0xB] =	stream.linear.gather @!p0 [hbm4b:s1+s10], $0x1A0, $0x38;
	[tilespmem:$0x1C880] =	vst v63  }
0xd1: {  	s10 =	simm.s32 $0x0  }
0xd2: {  	v1 =	vld [tilespmem:s10+$0x19680]  }
0xd3: {  	v0 =	vld [tilespmem:s10+$0x19690]  }
0xd4: {  	v2 =	vld [tilespmem:s10+$0x196A0]  }
0xd5: {  	v3 =	vld [tilespmem:s10+$0xCE80]  }
0xd6: {  	v8 =	vld [tilespmem:s10+$0x10080]  }
0xd7: {  	v7 =	vld [tilespmem:s10+$0xCE90]  }
0xd8: {  	v6 =	vld [tilespmem:s10+$0x10090]  }
0xd9: {  	v5 =	vld [tilespmem:s10+$0xCEA0]  }
0xda: {  	v4 =	vld [tilespmem:s10+$0x100A0];
	v9 =	vmul.f32 $8.000000000e+00, v3  }
0xdb: {  	s11 =	simm.s32 $0x100;
	v8 =	vmul.f32 $8.000000000e+00, v8;
	v3 =	vld [tilespmem:s10+$0xCEB0]  }
.LBB2_7:
0xdc: {  	p1 =	sne.s32 s11, $0xC700;
	v9 =	vadd.f32 v9, v1;
	v7 =	vmul.f32 $8.000000000e+00, v7;
	v10 =	vld [tilespmem:s10+$0x100B0]  }
0xdd: {  	s1 =	sshra.s32 s11, $0x2;
	v8 =	vadd.f32 v8, v1;
	v6 =	vmul.f32 $8.000000000e+00, v6;
	v11 =	vld [tilespmem:s10+$0x196B0]  }
0xde: {  	v1 =	vld [tilespmem:s1+$0x19680];
	[tilespmem:s10+$0xCE80] =	vst v9;
	v7 =	vadd.f32 v7, v0;
	v5 =	vmul.f32 $8.000000000e+00, v5  }
0xdf: {  	[tilespmem:s10+$0x10080] =	vst v8;
	v6 =	vadd.f32 v6, v0;
	v0 =	vld [tilespmem:s1+$0x19690];
	v4 =	vmul.f32 $8.000000000e+00, v4  }
0xe0: {  	v8 =	vld [tilespmem:s1+$0x196A0];
	[tilespmem:s10+$0xCE90] =	vst v7;
	v5 =	vadd.f32 v5, v2;
	v3 =	vmul.f32 $8.000000000e+00, v3  }
0xe1: {  	v9 =	vld [tilespmem:s1+$0xCE80];
	[tilespmem:s10+$0x10090] =	vst v6;
	v2 =	vadd.f32 v4, v2;
	v4 =	vmul.f32 $8.000000000e+00, v10  }
0xe2: {  	v10 =	vld [tilespmem:s1+$0x10080];
	[tilespmem:s10+$0xCEA0] =	vst v5;
	v3 =	vadd.f32 v3, v11  }
.Ltmp2:
0xe3: {  	v7 =	vld [tilespmem:s1+$0xCE90];
	[tilespmem:s10+$0x100A0] =	vst v2;
	v4 =	vadd.f32 v4, v11;
	(pc) =	sbr.rel @p1 .LBB2_7-.Ltmp2, $4  }
0xe4: {  	v6 =	vld [tilespmem:s1+$0x10090];
	[tilespmem:s10+$0xCEB0] =	vst v3  }
0xe5: {  	v5 =	vld [tilespmem:s1+$0xCEA0];
	[tilespmem:s10+$0x100B0] =	vst v4;
	v2 =	vmov v8;
	s10 =	smov.u32 s1  }
0xe6: {  	v9 =	vmul.f32 $8.000000000e+00, v9;
	v4 =	vld [tilespmem:s10+$0x100A0]  }
0xe7: {  	s11 =	sadd.s32 $0x100, s11;
	v8 =	vmul.f32 $8.000000000e+00, v10;
	v3 =	vld [tilespmem:s10+$0xCEB0]  }
0xe8: {  	v9 =	vadd.f32 v9, v1;
	v7 =	vmul.f32 $8.000000000e+00, v7;
	v10 =	vld [tilespmem:s10+$0x100B0]  }
0xe9: {  	v1 =	vadd.f32 v8, v1;
	v6 =	vmul.f32 $8.000000000e+00, v6;
	v8 =	vld [tilespmem:s10+$0x196B0]  }
0xea: {  	[tilespmem:s10+$0xCE80] =	vst v9;
	v7 =	vadd.f32 v7, v0;
	v5 =	vmul.f32 $8.000000000e+00, v5  }
0xeb: {  	[tilespmem:s10+$0x10080] =	vst v1;
	v0 =	vadd.f32 v6, v0;
	v1 =	vmul.f32 $8.000000000e+00, v4  }
0xec: {  	[tilespmem:s10+$0xCE90] =	vst v7;
	v4 =	vadd.f32 v5, v2;
	v3 =	vmul.f32 $8.000000000e+00, v3  }
0xed: {  	[tilespmem:s10+$0x10090] =	vst v0;
	v0 =	vadd.f32 v1, v2;
	v1 =	vmul.f32 $8.000000000e+00, v10  }
0xee: {  	s1 =	sadd.s32 s9, s16;
	[tilespmem:s10+$0xCEA0] =	vst v4;
	v2 =	vadd.f32 v3, v8  }
0xef: {  	s1 =	sshll.u32 s1, $0x3;
	[tilespmem:s10+$0x100A0] =	vst v0;
	v0 =	vadd.f32 v1, v8  }
0xf0: {  	s1 =	sand.u32 $0x1FFFFF00, s1;
	[tilespmem:s10+$0xCEB0] =	vst v2  }
0xf1: {  	s1 =	sadd.s32 s2, s1;
	[tilespmem:s10+$0x100B0] =	vst v0  }
0xf2: {  	[hbm4b:s1+s3] =	stream.linear.scatter [tilespmem:s28], [sflag:$0x7], $0x6400, $0x38;
	[tilespmem:$0x1C880] =	vst v63  }
0xf3: {  	_ =	swait.ge [sflag:s26], $0x6400  }
0xf4: {  	[sflag:s26] =	ssyncset.done $0x0  }
0xf5: {  	s1 =	simm.s32 @!p0 $0xB;
	[sflag:s26] =	ssyncadd.s32 $0xFFFF9C00  }
0xf6: {  	_ =	swait.ge @!p0 [sflag:s1], $0x1A0  }
0xf7: {  	s11 =	simm.s32 @!p0 $0xCE80;
	[sflag:s1] =	ssyncset.done @!p0 $0x0  }
0xf8: {  	s10 =	simm.s32 @!p0 $0x340;
	[sflag:s1] =	ssyncadd.s32 @!p0 $0xFFFFFE60;
	s1 =	simm.s32 @!p0 $0x64  }
0xf9: {  	[tilespmem:s11], [sflag:$0x3] =	stream.indirect.gather @!p0 [hbm4b:s5+s1], $0x40, s10, s1, $0xb8;
	[tilespmem:$0x1C880] =	vst v63  }
0xfa: {  	s10 =	simm.s32 @!p0 $0x3A8;
	s11 =	simm.s32 @!p0 $0xE780  }
0xfb: {  	[tilespmem:s11], [sflag:$0x3] =	stream.indirect.gather @!p0 [hbm4b:s5+s1], $0x40, s10, s1, $0xb8;
	[tilespmem:$0x1C880] =	vst v63  }
0xfc: {  	s10 =	simm.s32 @!p0 $0x410;
	s11 =	simm.s32 @!p0 $0x10080  }
0xfd: {  	[tilespmem:s11], [sflag:$0x3] =	stream.indirect.gather @!p0 [hbm4b:s5+s1], $0x40, s10, s1, $0xb8;
	[tilespmem:$0x1C880] =	vst v63  }
0xfe: {  	s10 =	simm.s32 @!p0 $0x478;
	s11 =	simm.s32 @!p0 $0x11980  }
0xff: {  	[tilespmem:s11], [sflag:$0x3] =	stream.indirect.gather @!p0 [hbm4b:s5+s1], $0x40, s10, s1, $0xb8;
	[tilespmem:$0x1C880] =	vst v63  }
0x100: {  	_ =	swait.ge [sflag:s24], $0x1900  }
0x101: {  	[sflag:s24] =	ssyncset.done $0x0  }
0x102: {  	[sflag:s24] =	ssyncadd.s32 $0xFFFFE700  }
0x103: {  	_ =	swait.ge [sflag:s24], $0x1900  }
0x104: {  	[sflag:s24] =	ssyncset.done $0x0  }
0x105: {  	[sflag:s24] =	ssyncadd.s32 $0xFFFFE700  }
0x106: {  	_ =	swait.ge [sflag:s24], $0x1900  }
0x107: {  	[sflag:s24] =	ssyncset.done $0x0  }
0x108: {  	[sflag:s24] =	ssyncadd.s32 $0xFFFFE700  }
0x109: {  	s1 =	sadd.s32 @!p0 s20, s17;
	_ =	swait.ge [sflag:s24], $0x1900  }
0x10a: {  	s10 =	simm.s32 @!p0 $0x0;
	s1 =	sshrl.u32 @!p0 s1, $0x3;
	[sflag:s24] =	ssyncset.done $0x0  }
0x10b: {  	s11 =	simm.s32 @!p0 $0x4E0;
	s1 =	sadd.s32 @!p0 s4, s1;
	[sflag:s24] =	ssyncadd.s32 $0xFFFFE700  }
0x10c: {  	[tilespmem:s11], [sflag:$0xC] =	stream.linear.gather @!p0 [hbm4b:s1+s10], $0x1A0, $0x38;
	[tilespmem:$0x1C880] =	vst v63  }
0x10d: {  	s10 =	simm.s32 $0x0  }
0x10e: {  	v1 =	vld [tilespmem:s10+$0x19680]  }
0x10f: {  	v0 =	vld [tilespmem:s10+$0x19690]  }
0x110: {  	v2 =	vld [tilespmem:s10+$0x196A0]  }
0x111: {  	v3 =	vld [tilespmem:s10+$0x13280]  }
0x112: {  	v8 =	vld [tilespmem:s10+$0x16480]  }
0x113: {  	v7 =	vld [tilespmem:s10+$0x13290]  }
0x114: {  	v6 =	vld [tilespmem:s10+$0x16490]  }
0x115: {  	v5 =	vld [tilespmem:s10+$0x132A0]  }
0x116: {  	v4 =	vld [tilespmem:s10+$0x164A0];
	v9 =	vmul.f32 $8.000000000e+00, v3  }
0x117: {  	s11 =	simm.s32 $0x100;
	v8 =	vmul.f32 $8.000000000e+00, v8;
	v3 =	vld [tilespmem:s10+$0x132B0]  }
.LBB2_9:
0x118: {  	p0 =	sne.s32 s11, $0xC700;
	v9 =	vadd.f32 v9, v1;
	v7 =	vmul.f32 $8.000000000e+00, v7;
	v10 =	vld [tilespmem:s10+$0x164B0]  }
0x119: {  	s1 =	sshra.s32 s11, $0x2;
	v8 =	vadd.f32 v8, v1;
	v6 =	vmul.f32 $8.000000000e+00, v6;
	v11 =	vld [tilespmem:s10+$0x196B0]  }
0x11a: {  	v1 =	vld [tilespmem:s1+$0x19680];
	[tilespmem:s10+$0x13280] =	vst v9;
	v7 =	vadd.f32 v7, v0;
	v5 =	vmul.f32 $8.000000000e+00, v5  }
0x11b: {  	[tilespmem:s10+$0x16480] =	vst v8;
	v6 =	vadd.f32 v6, v0;
	v0 =	vld [tilespmem:s1+$0x19690];
	v4 =	vmul.f32 $8.000000000e+00, v4  }
0x11c: {  	v8 =	vld [tilespmem:s1+$0x196A0];
	[tilespmem:s10+$0x13290] =	vst v7;
	v5 =	vadd.f32 v5, v2;
	v3 =	vmul.f32 $8.000000000e+00, v3  }
0x11d: {  	v9 =	vld [tilespmem:s1+$0x13280];
	[tilespmem:s10+$0x16490] =	vst v6;
	v2 =	vadd.f32 v4, v2;
	v4 =	vmul.f32 $8.000000000e+00, v10  }
0x11e: {  	v10 =	vld [tilespmem:s1+$0x16480];
	[tilespmem:s10+$0x132A0] =	vst v5;
	v3 =	vadd.f32 v3, v11  }
.Ltmp3:
0x11f: {  	v7 =	vld [tilespmem:s1+$0x13290];
	[tilespmem:s10+$0x164A0] =	vst v2;
	v4 =	vadd.f32 v4, v11;
	(pc) =	sbr.rel @p0 .LBB2_9-.Ltmp3, $4  }
0x120: {  	v6 =	vld [tilespmem:s1+$0x16490];
	[tilespmem:s10+$0x132B0] =	vst v3  }
0x121: {  	v5 =	vld [tilespmem:s1+$0x132A0];
	[tilespmem:s10+$0x164B0] =	vst v4;
	v2 =	vmov v8;
	s10 =	smov.u32 s1  }
0x122: {  	v9 =	vmul.f32 $8.000000000e+00, v9;
	v4 =	vld [tilespmem:s10+$0x164A0]  }
0x123: {  	s11 =	sadd.s32 $0x100, s11;
	v8 =	vmul.f32 $8.000000000e+00, v10;
	v3 =	vld [tilespmem:s10+$0x132B0]  }
0x124: {  	v9 =	vadd.f32 v9, v1;
	v7 =	vmul.f32 $8.000000000e+00, v7;
	v10 =	vld [tilespmem:s10+$0x164B0]  }
0x125: {  	v56 =	vld [tilespmem:s10+$0x196B0];
	v55 =	vadd.f32 v8, v1;
	v6 =	vmul.f32 $8.000000000e+00, v6  }
0x126: {  	[tilespmem:s10+$0x13280] =	vst v9;
	v7 =	vadd.f32 v7, v0;
	v5 =	vmul.f32 $8.000000000e+00, v5  }
0x127: {  	[tilespmem:s10+$0x16480] =	vst v55;
	v57 =	vadd.f32 v6, v0;
	v58 =	vmul.f32 $8.000000000e+00, v4  }
0x128: {  	s6 =	sadd.s32 $0x1, s6;
	[tilespmem:s10+$0x13290] =	vst v7;
	v59 =	vadd.f32 v5, v2;
	v3 =	vmul.f32 $8.000000000e+00, v3  }
0x129: {  	p0 =	sne.s32 s6, $0x10;
	[tilespmem:s10+$0x16490] =	vst v57;
	v60 =	vadd.f32 v58, v2;
	v61 =	vmul.f32 $8.000000000e+00, v10  }
.Ltmp4:
0x12a: {  	s1 =	sadd.s32 s9, s18;
	[tilespmem:s10+$0x132A0] =	vst v59;
	v62 =	vadd.f32 v3, v56;
	(pc) =	sbr.rel @p0 .LBB2_2-.Ltmp4, $4  }
0x12b: {  	s1 =	sshll.u32 s1, $0x3;
	[tilespmem:s10+$0x164A0] =	vst v60;
	v63 =	vadd.f32 v61, v56  }
0x12c: {  	s1 =	sand.u32 $0x1FFFFF80, s1;
	[tilespmem:s10+$0x132B0] =	vst v62  }
0x12d: {  	s1 =	sadd.s32 s2, s1;
	[tilespmem:s10+$0x164B0] =	vst v63  }
0x12e: {  	[hbm4b:s1+s3] =	stream.linear.scatter [tilespmem:s31], [sflag:$0x8], $0x6400, $0x38;
	[tilespmem:$0x1C880] =	vst v63  }
0x12f: {  	s6 =	simm.s32 $0x8  }
0x130: {  	_ =	swait.ge [sflag:s6], $0x6400  }
0x131: {  	s9 =	rddreg [dreg:$0x9]  }
0x132: {  	s1 =	rddreg [dreg:$0x8];
	s9 =	sadd.s32 $0x1, s9  }
0x133: {  	p0 =	sne.s32 s9, s1  }
.Ltmp5:
0x134: {  	_ = 	snop;
	(pc) =	sbr.rel @p0 .LBB2_1-.Ltmp5, $3  }
0x135: {  	_ =	sdelay $0x1  }
0x136: {  	[sflag:s6] =	ssyncset.done $0x0  }
0x137: {  	[sflag:s6] =	ssyncadd.s32 $0xFFFF9C00  }
0x138: {  	_ =	sfence.sel $0x180000  }
0x139: {  	[bflag:$0x0] =	sbarrier.arrive $0xFFFF  }
0x13a: {  	_ =	strace $0x90000047  }
0x13b: {  	s0 =	stileid.u32;
	[bflag:$0x2] =	sbarrier.arrive $0xFFFF  }
0x13c: {  	p0 =	sne.s32 s0, $0x0;
	s0 =	rddreg [dreg:$0x2]  }
0x13d: {  	s0 =	sadd.s32 @!p0 $0x100000, s0  }
0x13e: {  	[sflag:s0] =	ssyncadd.tile.s32 @!p0 $0x1;
	_ =	shalt  }
.Lfunc_end2:
_tile_overlayer_lowered:
.L_overlay_start_2:
0x13f: {  	(tag) =	ssettag $0x2  }
0x140: {  	s0 =	rddreg [dreg:$0x0];
	s2 =	stileid.u32  }
0x141: {  	s1 =	rddreg [dreg:$0x1];
	p0 =	sne.s32 s2, $0x0  }
0x142: {  	s3 =	rddreg [dreg:$0x2];
	[bflag:$0x3] =	sbarrier.arrive $0xFFFF;
	s2 =	simm.s32 @!p0 $0x1C0D  }
0x143: {  	[timem:s3], [sflag:s2] =	dma.local @!p0 [hbm:s0], s1  }
0x144: {  	s0 =	simm.s32 @!p0 $0xD  }
0x145: {  	_ =	swait.ge @!p0 [sflag:s0], s1  }
0x146: {  	s1 =	ssub.s32 @!p0 $0x0, s1;
	[sflag:s0] =	ssyncset.done @!p0 $0x0  }
0x147: {  	[sflag:s0] =	ssyncadd.s32 @!p0 s1  }
0x148: {  	[bflag:$0x3] =	sbarrier.arrive $0xFFFF  }
0x149: {  	_ =	shalt  }

// kernel: sparse-core-data-format-call.cloned.1.call-start
scs
called_computation_lowered:
.L_overlay_start_0:
0x0: {  	s2 =	sld [smem:$0x3FD9]  }
0x1: {  	s3 =	sld [smem:$0x3FFE];
	_ =	sdelay $0x1  }
0x2: {  	s1 =	srdreg.scid  }
0x3: {  	s0 =	sand.u32 $0x1, s1  }
0x4: {  	s18 =	sshll.u32 s0, $0xA;
	s2 =	sadd.s32 s3, s2  }
0x5: {  	s2 =	sadd.s32 s2, s18  }
0x6: {  	[smem:$0x3FC5] =	sst s2  }
0x7: {  	_ = 	snop  }
0x8: {  	s2 =	sld [smem:$0x3FD0];
	(tm) =	ssettm $0x1  }
0x9: {  	s19 =	sld [smem:$0x3FFB];
	_ =	sdelay $0x3  }
0xa: {  	_ =	strace s19  }
0xb: {  	s3 =	sld [smem:$0x3FFC];
	_ =	sdelay $0x3  }
0xc: {  	_ =	strace s3  }
0xd: {  	s3 =	sld [smem:$0x3FFD];
	_ =	sdelay $0x3  }
0xe: {  	_ =	strace s3  }
0xf: {  	_ =	strace $0x8FFFFFFF  }
0x10: {  	s20 =	sld [smem:$0x3FDB];
	_ =	sdelay $0x1  }
0x11: {  	s4 =	simm.s32 $_scs_section_size  }
0x12: {  	s5 =	simm.s32 $_size__tile_overlayer_lowered;
	s6 =	simm.s32 $_tile_overlayer_lowered  }
0x13: {  	s23 =	simm.s32 $0x1BFF;
	s22 =	sshll.u32 s6, $0x1;
	s3 =	sadd.s32 s4, s20  }
0x14: {  	s7 =	simm.s32 $0x0;
	s21 =	sshll.u32 s5, $0x1;
	s5 =	sadd.s32 s22, s3  }
0x15: {  	[timem:s7], [sflag:s23] =	dma.local [hbm:s5], s21  }
0x16: {  	_ =	swait.ge [sflag:s23], s21  }
0x17: {  	s4 =	ssub.s32 $0x0, s21;
	[sflag:s23] =	ssyncset.done $0x0  }
0x18: {  	[sflag:s23] =	ssyncadd.s32 s4;
	_ =	sdelay $0x1  }
0x19: {  	s24 =	simm.s32 $0x1B8B  }
0x1a: {  	_ =	swait.ge [sflag:s24], $0x1  }
0x1b: {  	[sflag:s24] =	ssyncset.done $0x0  }
0x1c: {  	s26 =	simm.s32 $0x1B8E;
	s25 =	sld [smem:$0x3FFE];
	[sflag:s24] =	ssyncadd.s32 $0xFFFFFFFF  }
0x1d: {  	s27 =	simm.s32 $execute0_lowered;
	[smem:$0x3FD2] =	sst s26  }
0x1e: {  	s5 =	sshll.u32 s27, $0x1;
	_ =	strace $0x80000049;
	[dreg:$0x1] =	wrdreg $0xFFFFFFFF  }
0x1f: {  	s28 =	simm.s32 $_size_execute0_lowered;
	s3 =	sadd.s32 s3, s5;
	[dreg:$0x0] =	wrdreg $0x0  }
0x20: {  	s5 =	sshll.u32 s28, $0x1;
	[dreg:$0x2] =	wrdreg s3  }
0x21: {  	[dreg:$0x3] =	wrdreg s5  }
0x22: {  	[dreg:$0x4] =	wrdreg $0xC0  }
0x23: {  	_ =	task [dreg:s7], $0x5FFFF  }
0x24: {  	[dreg:$0x1] =	wrdreg $0xFFFFFFFF  }
0x25: {  	[dreg:$0x0] =	wrdreg $0x60  }
0x26: {  	[dreg:$0x2] =	wrdreg s25  }
0x27: {  	[dreg:$0x3] =	wrdreg s2  }
0x28: {  	[dreg:$0x4] =	wrdreg $0x9  }
0x29: {  	_ =	task.clear_ibuf [dreg:s7], $0x5FFFF;
	_ =	strace $0x90000049  }
0x2a: {  	s29 =	simm.s32 $0x9;
	_ =	strace $0x8000004B  }
0x2b: {  	_ =	swait.ge [sflag:s29], $0x1  }
0x2c: {  	[sflag:s29] =	ssyncadd.s32 $0xFFFFFFFF  }
0x2d: {  	_ =	strace $0x9000004B  }
0x2e: {  	_ =	sfence  }
0x2f: {  	s30 =	sld [smem:$0x0];
	_ =	sdelay $0x2  }
0x30: {  	s31 =	sshll.u32 s1, $0xD;
	s1 =	sshrl.u32 s1, $0x2  }
0x31: {  	s3 =	sand.u32 $0x4000, s31;
	s1 =	sadd.s32 s1, s30  }
0x32: {  	s0 =	sor.u32 s3, s0;
	s1 =	sshll.u32 s1, $0x11  }
0x33: {  	s0 =	sor.u32 s1, s0  }
0x34: {  	s0 =	sadd.s32 $0x8F2B, s0  }
0x35: {  	[sflag:s0] =	ssyncadd.remote.s32 $0x1  }
0x36: {  	_ =	sfence.sel $0xFFFF  }
0x37: {  	[dreg:$0x0] =	wrdreg $0xFFFFFFFF;
	(pc) =	sbr.abs _section_cstart, $3  }
0x38: {  	[dreg:$0x1] =	wrdreg $0xFFFFFFFF  }
0x39: {  	_ =	task.clear_ibuf [dreg:s7], $0x2FFFF;
	_ =	strace $0x9FFFFFFF  }
0x3a: {  	(tm) =	ssettm $0x7FFFFFFF  }
0x3b: {  	_ =	shalt  }
tec
execute0_lowered:
.L_overlay_start_1:
0x0: {  	(tag) =	ssettag $0x1  }
0x1: {  	s0 =	srdreg.scid  }
0x2: {  	s1 =	sshll.u32 s0, $0x4  }
0x3: {  	s4 =	rddreg [dreg:$0x0];
	s0 =	stileid.u32;
	s1 =	sand.u32 $0x10, s1  }
0x4: {  	s2 =	rddreg [dreg:$0x1];
	s7 =	simm.s32 $0x1;
	s1 =	sor.u32 s0, s1  }
0x5: {  	s8 =	simm.s32 $0x2;
	s11 =	simm.s32 $0x0;
	s3 =	sshll.u32 s1, $0x7  }
0x6: {  	s10 =	simm.s32 $0x0;
	s4 =	sadd.s32 $0xC00, s4;
	s6 =	ssub.s32 $0xC8000, s3  }
.Ltmp0:
0x7: {  	s1 =	rddreg [dreg:$0x2];
	s5 =	sand.u32 $0xF80, s6;
	(pc) =	sbr.rel .LBB1_1-.Ltmp0, $4  }
0x8: {  	_ =	strace $0x8000004A;
	s9 =	smov.u32 s3;
	p0 =	sne.s32 s5, $0x0  }
0x9: {  	s6 =	sshrl.u32 s6, $0xC;
	s5 =	simm.s32 $0x1;
	s7 =	simm.s32 @!p0 $0x0  }
0xa: {  	[sflag:s5] =	ssyncpa.u1 $0x0;
	p0 =	por $0x0, $0x0;
	s6 =	sadd.s32 s7, s6  }
0xb: {  	[sflag:s8] =	ssyncpa.u1 $0x0;
	s8 =	simm.s32 $0x640000;
	s7 =	sadd.s32 $0x1, s6  }
.LBB1_4:
0xc: {  	s14 =	sshll.u32 s11, $0x3  }
0xd: {  	s30 =	sand.u32 $0x7F, s11;
	s15 =	sand.u32 $0xFFFFFC00, s14  }
0xe: {  	s11 =	sor.u32 s30, s15  }
0xf: {  	s15 =	smulhi.u32 $0x51EB851F, s11  }
0x10: {  	s14 =	smulhi.u32 $0x51EB851F, s14  }
0x11: {  	s15 =	sshrl.u32 s15, $0x12  }
0x12: {  	s14 =	sshrl.u32 s14, $0x12;
	s15 =	smul.u32 $0xC8000, s15  }
0x13: {  	s14 =	sand.u32 $0x3F, s14  }
0x14: {  	s14 =	smul.u32 $0x19000, s14;
	s11 =	ssub.s32 s11, s15  }
0x15: {  	[tilespmem:s13+$0x810 ss:$0x81] =	vst.msk $0xffff, v2;
	s15 =	sand.u32 $0x7, s11  }
0x16: {  	[tilespmem:s13+$0x1020 ss:$0x81] =	vst.msk $0xffff, v0;
	s14 =	sadd.s32 s2, s14;
	s11 =	sshrl.u32 s11, $0x3;
	s15 =	sshll.u32 s15, $0x12  }
0x17: {  	[tilespmem:s13+$0x0 ss:$0x81] =	vst.msk $0xffff, v1;
	s11 =	sadd.s32 s11, s14;
	s31 =	sor.u32 $0x400, s15  }
0x18: {  	[hbm4b:s11+s31] =	stream.strided.scatter [tilespmem:s12], [sflag:$0x2], $0x2000, s8, s31, $0x20;
	[tilespmem:$0x8080] =	vst v63  }
.LBB1_5:
0x19: {  	s13 =	sadd.s32 $0x1000, s9  }
0x1a: {  	p2 =	sgt.s32 s13, $0xC7FFF  }
0x1b: {  	s13 =	smov.u32 @p2 s3;
	p2 =	sne.s32 s10, s7  }
.Ltmp1:
0x1c: {  	p1 =	slt.u32 s10, $0x2;
	(pc) =	sbr.rel @!p2 .LBB1_6-.Ltmp1, $4  }
0x1d: {  	s12 =	simm.s32 @!p1 $0x2  }
0x1e: {  	s14 =	sadd.s32 $0x1, s10;
	_ =	swait.ge @!p1 [sflag:s12], $0x2000  }
0x1f: {  	s11 =	smov.u32 s9;
	p0 =	por !p0, !p0;
	[sflag:s12] =	ssyncset.done @!p1 $0x0  }
0x20: {  	s10 =	smov.u32 s14;
	s9 =	smov.u32 s13;
	[sflag:s12] =	ssyncadd.s32 @!p1 $0xFFFFE000  }
.LBB1_1:
0x21: {  	p1 =	sge.u32 s10, s6  }
0x22: {  	s12 =	sand.u32 @!p1 $0x1FFFFFF, s9  }
0x23: {  	s13 =	smulhi.u32 @!p1 $0x147AE15, s12;
	_ =	sdelay $0x1  }
0x24: {  	s13 =	sshrl.u32 @!p1 s13, $0xC  }
0x25: {  	s13 =	smul.u32 @!p1 $0xC8000, s13;
	_ =	sdelay $0x1  }
0x26: {  	s31 =	sadd.s32 $0xFFFFFFFF, s10;
	s14 =	sxor.u32 @!p1 $0xFFFFFFFF, s10;
	s12 =	ssub.s32 @!p1 s12, s13  }
0x27: {  	s15 =	simm.s32 @!p1 $0x80;
	s14 =	sshll.u32 @!p1 s14, $0xD;
	s12 =	sshll.u32 @!p1 s12, $0x4  }
0x28: {  	s13 =	sand.u32 @!p1 $0x2000, s14;
	s14 =	simm.s32 @!p1 $0x40;
	s12 =	sadd.s32 @!p1 s4, s12  }
0x29: {  	[tilespmem:s13], [sflag:$0x1] =	stream.strided.gather @!p1 [hbm4b:s12+s14], $0x2000, s15, s14, $0x38;
	[tilespmem:$0x8080] =	vst v63  }
0x2a: {  	p1 =	sge.u32 s31, s6  }
.Ltmp2:
0x2b: {  	_ = 	snop;
	(pc) =	sbr.rel @p1 .LBB1_5-.Ltmp2, $1  }
0x2c: {  	_ =	sdelay $0x3  }
0x2d: {  	s12 =	simm.s32 $0x1  }
0x2e: {  	_ =	swait.ge [sflag:s5], $0x2000;
	s12 =	simm.s32 @!p0 $0x0  }
0x2f: {  	[sflag:s5] =	ssyncset.done $0x0;
	s13 =	sshll.u32 s12, $0xD  }
0x30: {  	[sflag:s5] =	ssyncadd.s32 $0xFFFFE000;
	s16 =	sor.u32 $0x20, s13  }
0x31: {  	s12 =	smul.u32 $0x8100, s12;
	v3 =	vld [tilespmem:s16+$0x10]  }
0x32: {  	s30 =	sand.u32 $0x1, s10;
	v2 =	vld [tilespmem:s16+$0xFFFFFFF0]  }
0x33: {  	s13 =	smul.u32 $0x8100, s30;
	s12 =	sshrl.u32 s12, $0x2;
	v0 =	vld [tilespmem:s16+$0x0]  }
0x34: {  	v1 =	vld [tilespmem:s16+$0xFFFFFFE0];
	s14 =	sor.u32 $0x4000, s12  }
0x35: {  	s31 =	sshrl.u32 s13, $0x2;
	s13 =	sadd.s32 $0x0, s14  }
0x36: {  	s15 =	simm.s32 $0x4;
	s16 =	sadd.s32 $0x40, s16;
	s12 =	sor.u32 $0x4000, s31;
	[tilespmem:s13+$0x1830 ss:$0x81] =	vst.msk $0xffff, v3  }
.LBB1_3:
0x37: {  	v3 =	vld [tilespmem:s16+$0x10];
	p1 =	sne.s32 s15, $0x1FC;
	[tilespmem:s13+$0x810 ss:$0x81] =	vst.msk $0xffff, v2;
	s17 =	smov.u32 s15;
	s15 =	sadd.s32 $0x4, s15  }
.Ltmp3:
0x38: {  	v2 =	vld [tilespmem:s16+$0xFFFFFFF0];
	[tilespmem:s13+$0x1020 ss:$0x81] =	vst.msk $0xffff, v0;
	(pc) =	sbr.rel @p1 .LBB1_3-.Ltmp3, $4  }
0x39: {  	v0 =	vld [tilespmem:s16+$0x0];
	[tilespmem:s13+$0x0 ss:$0x81] =	vst.msk $0xffff, v1  }
0x3a: {  	s13 =	sshra.s32 s17, $0x2;
	v1 =	vld [tilespmem:s16+$0xFFFFFFE0]  }
0x3b: {  	s13 =	sadd.s32 s13, s14  }
0x3c: {  	s16 =	sadd.s32 $0x40, s16;
	[tilespmem:s13+$0x1830 ss:$0x81] =	vst.msk $0xffff, v3  }
.Ltmp4:
0x3d: {  	_ = 	snop;
	(pc) =	sbr.rel .LBB1_4-.Ltmp4, $1  }
0x3e: {  	_ =	sdelay $0x3  }
.LBB1_6:
0x3f: {  	_ =	sfence.sel $0x180000  }
0x40: {  	s2 =	simm.s32 $0x1;
	[bflag:$0x0] =	sbarrier.arrive $0xFFFF  }
0x41: {  	s31 =	simm.s32 $0x2;
	[sflag:s2] =	ssyncpa.u1 $0x1  }
0x42: {  	[sflag:s31] =	ssyncpa.u1 $0x1  }
0x43: {  	p0 =	sne.s32 s0, $0x0;
	_ =	strace $0x9000004A  }
0x44: {  	s0 =	sadd.s32 @!p0 $0x100000, s1;
	[bflag:$0x2] =	sbarrier.arrive $0xFFFF  }
0x45: {  	[sflag:s0] =	ssyncadd.tile.s32 @!p0 $0x1;
	_ =	shalt  }
.Lfunc_end1:
_tile_overlayer_lowered:
.L_overlay_start_2:
0x46: {  	(tag) =	ssettag $0x2  }
0x47: {  	s0 =	rddreg [dreg:$0x0];
	s2 =	stileid.u32  }
0x48: {  	s1 =	rddreg [dreg:$0x1];
	p0 =	sne.s32 s2, $0x0  }
0x49: {  	s3 =	rddreg [dreg:$0x2];
	[bflag:$0x3] =	sbarrier.arrive $0xFFFF;
	s2 =	simm.s32 @!p0 $0x1C01  }
0x4a: {  	[timem:s3], [sflag:s2] =	dma.local @!p0 [hbm:s0], s1  }
0x4b: {  	s0 =	simm.s32 @!p0 $0x1  }
0x4c: {  	_ =	swait.ge @!p0 [sflag:s0], s1  }
0x4d: {  	s1 =	ssub.s32 @!p0 $0x0, s1;
	[sflag:s0] =	ssyncset.done @!p0 $0x0  }
0x4e: {  	[sflag:s0] =	ssyncadd.s32 @!p0 s1  }
0x4f: {  	[bflag:$0x3] =	sbarrier.arrive $0xFFFF  }
0x50: {  	_ =	shalt  }

</sc_bundles>
